<compile_context>
chip_gen: v7x
topology: tpu7x:2x2x1
jax: 0.10.2.dev20260603
libtpu: 0.0.44.dev20260713+nightly
codegen_flags: <defaults>
</compile_context>

<pallas_src>
import functools

import jax
import jax.numpy as jnp
from jax import lax
from jax.experimental import pallas as pl
from jax.experimental.pallas import tpu as pltpu
from jax.experimental.pallas import tpu_sc as plsc

N = 10000
E = 160000
D = 256
HALF = 128

NC = 2
NS = 16
CH = 128

EP = 163840
EPT = EP // NS
NCHUNK = EPT // CH
ACC_R = 10240
RPT = ACC_R // NS

HR = NCHUNK // 2
ZB = 32

MB = 1000
GRID = N // MB


def _zero16():
    return jnp.zeros((16,), jnp.float32)



def _deg_body(dst_ref, deg_ref, didx, ones_v, zv, dacc, sem_d):
    c = lax.axis_index("c")
    s = lax.axis_index("s")
    wid = s * NC + c
    nrow = EP // CH // (NC * NS)

    pltpu.sync_copy(dst_ref.at[pl.ds(wid * nrow, nrow)], didx)

    def zstore(k, carry):
        zv[pl.ds(k * 16, 16)] = _zero16()
        return carry
    lax.fori_loop(0, RPT // 16, zstore, 0)
    pltpu.sync_copy(zv, dacc.at[pl.ds(s * RPT, RPT)])

    for j in range(CH // 16):
        ones_v[pl.ds(j * 16, 16)] = jnp.full((16,), 1.0, jnp.float32)

    plsc.subcore_barrier()

    def dissue(i, carry):
        pltpu.async_copy(ones_v, dacc.at[didx.at[i]], sem_d, add=True)
        return carry
    lax.fori_loop(0, nrow, dissue, 0)

    def ddrain(i, carry):
        pltpu.make_async_copy(ones_v, dacc.at[didx.at[i]], sem_d).wait()
        return carry
    lax.fori_loop(0, nrow, ddrain, 0)

    plsc.subcore_barrier()
    pltpu.sync_copy(dacc.at[pl.ds(s * RPT, RPT)], zv)
    pltpu.sync_copy(zv, deg_ref.at[pl.ds(c * ACC_R + s * RPT, RPT)])


_deg_call = functools.partial(
    pl.kernel,
    out_type=jax.ShapeDtypeStruct((NC * ACC_R,), jnp.float32),
    mesh=plsc.VectorSubcoreMesh(core_axis_name="c", subcore_axis_name="s"),
    scratch_types=[
        pltpu.VMEM((EP // CH // (NC * NS), CH), jnp.int32),
        pltpu.VMEM((CH,), jnp.float32),
        pltpu.VMEM((RPT,), jnp.float32),
        pltpu.VMEM_SHARED((ACC_R,), jnp.float32),
        pltpu.SemaphoreType.DMA,
    ],
)(_deg_body)



def _prop_body(src_ref, dst_ref, tab_ref, out_ref, sidx, didx, rows_a, rows_b,
               zb, acc, sem_a, sem_b, sem_z):
    c = lax.axis_index("c")
    s = lax.axis_index("s")
    tab_c = tab_ref.at[c]

    pltpu.sync_copy(src_ref.at[pl.ds(s * NCHUNK, HR)], sidx)
    pltpu.sync_copy(dst_ref.at[pl.ds(s * NCHUNK, HR)], didx)
    pltpu.async_copy(tab_c.at[sidx.at[0]], rows_a, sem_a)
    pltpu.async_copy(tab_c.at[sidx.at[1]], rows_b, sem_b)

    def zstore(k, carry):
        zb[k // 8, pl.ds((k % 8) * 16, 16)] = _zero16()
        return carry
    lax.fori_loop(0, (ZB * HALF) // 16, zstore, 0)

    def zissue(t, carry):
        pltpu.async_copy(zb, acc.at[pl.ds(s * RPT + t * ZB, ZB)], sem_z)
        return carry
    lax.fori_loop(0, RPT // ZB, zissue, 0)

    def zdrain(t, carry):
        pltpu.make_async_copy(zb, acc.at[pl.ds(s * RPT + t * ZB, ZB)],
                              sem_z).wait()
        return carry
    lax.fori_loop(0, RPT // ZB, zdrain, 0)

    plsc.subcore_barrier()

    def half(h, carry):
        @pl.when(h > 0)
        def _():
            pltpu.sync_copy(src_ref.at[pl.ds(s * NCHUNK + h * HR, HR)], sidx)
            pltpu.sync_copy(dst_ref.at[pl.ds(s * NCHUNK + h * HR, HR)], didx)
            pltpu.async_copy(tab_c.at[sidx.at[0]], rows_a, sem_a)
            pltpu.async_copy(tab_c.at[sidx.at[1]], rows_b, sem_b)

        def pair(j, carry2):
            pltpu.make_async_copy(tab_c.at[sidx.at[2 * j]], rows_a,
                                  sem_a).wait()
            pltpu.sync_copy(rows_a, acc.at[didx.at[2 * j]], add=True)

            @pl.when(2 * j + 2 < HR)
            def _():
                pltpu.async_copy(tab_c.at[sidx.at[2 * j + 2]], rows_a, sem_a)

            pltpu.make_async_copy(tab_c.at[sidx.at[2 * j + 1]], rows_b,
                                  sem_b).wait()
            pltpu.sync_copy(rows_b, acc.at[didx.at[2 * j + 1]], add=True)

            @pl.when(2 * j + 3 < HR)
            def _():
                pltpu.async_copy(tab_c.at[sidx.at[2 * j + 3]], rows_b, sem_b)

            return carry2
        lax.fori_loop(0, HR // 2, pair, 0)
        return carry
    lax.fori_loop(0, NCHUNK // HR, half, 0)

    plsc.subcore_barrier()

    bufs = (rows_a, rows_b)
    sems = (sem_a, sem_b)
    nw = RPT // CH
    pltpu.async_copy(acc.at[pl.ds(s * RPT, CH)], rows_a, sem_a)
    for t in range(nw):
        cur, sm = bufs[t % 2], sems[t % 2]
        pltpu.make_async_copy(acc.at[pl.ds(s * RPT + t * CH, CH)], cur,
                              sm).wait()
        if t + 1 < nw:
            pltpu.async_copy(acc.at[pl.ds(s * RPT + (t + 1) * CH, CH)],
                             bufs[(t + 1) % 2], sems[(t + 1) % 2])
        pltpu.sync_copy(cur, out_ref.at[c].at[pl.ds(s * RPT + t * CH, CH)])


_prop_call = functools.partial(
    pl.kernel,
    out_type=jax.ShapeDtypeStruct((NC, ACC_R, HALF), jnp.float32),
    mesh=plsc.VectorSubcoreMesh(core_axis_name="c", subcore_axis_name="s"),
    scratch_types=[
        pltpu.VMEM((NCHUNK // 2, CH), jnp.int32),
        pltpu.VMEM((NCHUNK // 2, CH), jnp.int32),
        pltpu.VMEM((CH, HALF), jnp.float32),
        pltpu.VMEM((CH, HALF), jnp.float32),
        pltpu.VMEM((ZB, HALF), jnp.float32),
        pltpu.VMEM_SHARED((ACC_R, HALF), jnp.float32),
        pltpu.SemaphoreType.DMA,
        pltpu.SemaphoreType.DMA,
        pltpu.SemaphoreType.DMA,
    ],
)(_prop_body)



def _dinv(dp_ref):
    deg = dp_ref[0, 0] + dp_ref[1, 0] + 1.0
    dinv = lax.rsqrt(jnp.maximum(deg, 1e-12))
    return jnp.transpose(dinv)


def _mm1_body(x_ref, w_ref, dp_ref, out_ref):
    dinv = _dinv(dp_ref)
    acc = jnp.dot(x_ref[...], w_ref[...], preferred_element_type=jnp.float32)
    hwp = acc * dinv
    out_ref[0] = hwp[:, :HALF]
    out_ref[1] = hwp[:, HALF:]


def _mm2_body(sp_ref, hp_ref, dp_ref, b_ref, w_ref, out_ref):
    dinv = _dinv(dp_ref)
    sfull = jnp.concatenate([sp_ref[0], sp_ref[1]], axis=1)
    hfull = jnp.concatenate([hp_ref[0], hp_ref[1]], axis=1)
    h2 = jnp.maximum(dinv * (sfull + hfull) + b_ref[...], 0.0)
    acc = jnp.dot(h2, w_ref[...], preferred_element_type=jnp.float32)
    hwp = acc * dinv
    out_ref[0] = hwp[:, :HALF]
    out_ref[1] = hwp[:, HALF:]


def _mm3_body(sp_ref, hp_ref, dp_ref, b_ref, out_ref):
    dinv = _dinv(dp_ref)
    sfull = jnp.concatenate([sp_ref[0], sp_ref[1]], axis=1)
    hfull = jnp.concatenate([hp_ref[0], hp_ref[1]], axis=1)
    out_ref[...] = jnp.maximum(dinv * (sfull + hfull) + b_ref[...], 0.0)


_spec_pair = pl.BlockSpec((2, MB, HALF), lambda i: (0, i, 0))
_spec_deg = pl.BlockSpec((2, 1, 1, MB), lambda i: (0, i, 0, 0))
_spec_w = pl.BlockSpec((D, D), lambda i: (0, 0))
_spec_b = pl.BlockSpec((1, D), lambda i: (0, 0))

_mm1_call = pl.pallas_call(
    _mm1_body,
    grid=(GRID,),
    in_specs=[pl.BlockSpec((MB, D), lambda i: (i, 0)), _spec_w, _spec_deg],
    out_specs=_spec_pair,
    out_shape=jax.ShapeDtypeStruct((2, N, HALF), jnp.float32),
)

_mm2_call = pl.pallas_call(
    _mm2_body,
    grid=(GRID,),
    in_specs=[_spec_pair, _spec_pair, _spec_deg, _spec_b, _spec_w],
    out_specs=_spec_pair,
    out_shape=jax.ShapeDtypeStruct((2, N, HALF), jnp.float32),
)

_mm3_call = pl.pallas_call(
    _mm3_body,
    grid=(GRID,),
    in_specs=[_spec_pair, _spec_pair, _spec_deg, _spec_b],
    out_specs=pl.BlockSpec((MB, D), lambda i: (i, 0)),
    out_shape=jax.ShapeDtypeStruct((N, D), jnp.float32),
)


def kernel(x, edge_index, W1, b1, W2, b2):
    npad = EP - E
    ar = jnp.arange(npad, dtype=jnp.int32)
    src2d = jnp.concatenate([edge_index[0], ar % N]).reshape(EP // CH, CH)
    dst2d = jnp.concatenate([edge_index[1], N + (ar % 240)]).reshape(EP // CH,
                                                                     CH)

    deg = _deg_call(dst2d)
    degp = deg.reshape(2, ACC_R)[:, :N].reshape(2, GRID, 1, MB)
    hw1 = _mm1_call(x, W1, degp)
    s1 = _prop_call(src2d, dst2d, hw1)
    hw2 = _mm2_call(s1, hw1, degp, b1.reshape(1, D), W2)
    s2 = _prop_call(src2d, dst2d, hw2)
    return _mm3_call(s2, hw2, degp, b2.reshape(1, D))

# --- scband reference (transcript-rebuilt; emitter-appended) ---
"""Pipeline reference for scband-encoder-30915174596991 (READ-ONLY COPY).

The authoritative reference and input builder live on the scoring server;
editing this copy changes nothing except your own understanding.
"""

import jax, jax.numpy as jnp
import numpy as np

N = 10000
E = 160000
D_IN = 256
HIDDEN = [256, 256]


def _glorot(key, fan_in, fan_out):
    scale = jnp.sqrt(2.0 / (fan_in + fan_out))
    return jax.random.normal(key, (fan_in, fan_out), dtype=jnp.float32) * scale


def setup_inputs(seed: int = 0) -> dict:
    key = jax.random.key(seed)
    ks = jax.random.split(key, 6)
    x = jax.random.normal(ks[0], (N, D_IN), dtype=jnp.float32)
    edge_index = jax.random.randint(ks[1], (2, E), 0, N, dtype=jnp.int32)
    W1 = _glorot(ks[2], D_IN, HIDDEN[0])
    b1 = jnp.zeros((HIDDEN[0],), dtype=jnp.float32)
    W2 = _glorot(ks[3], HIDDEN[0], HIDDEN[1])
    b2 = jnp.zeros((HIDDEN[1],), dtype=jnp.float32)
    return {"x": x, "edge_index": edge_index, "W1": W1, "b1": b1, "W2": W2, "b2": b2}


def _gcn_conv(h, edge_index, W, b):
    # GCNConv (Kipf & Welling): D^{-1/2} (A + I) D^{-1/2} X W + b
    n = h.shape[0]
    loop = jnp.arange(n, dtype=edge_index.dtype)
    src = jnp.concatenate([edge_index[0], loop])
    dst = jnp.concatenate([edge_index[1], loop])
    deg = jnp.zeros((n,), dtype=h.dtype).at[dst].add(1.0)
    dinv = jax.lax.rsqrt(jnp.maximum(deg, 1e-12))
    norm = dinv[src] * dinv[dst]
    hw = h @ W
    msg = jnp.take(hw, src, axis=0) * norm[:, None]
    out = jnp.zeros((n, W.shape[1]), dtype=h.dtype).at[dst].add(msg)
    return out + b


def reference(x, edge_index, W1, b1, W2, b2):
    # dropout p=0.0 -> identity, faithfully omitted
    h = jax.nn.relu(_gcn_conv(x, edge_index, W1, b1))
    h = jax.nn.relu(_gcn_conv(h, edge_index, W2, b2))
    return h

if __name__ == "__main__":
    import jax
    _d = setup_inputs()
    print(jax.jit(kernel)(*tuple(_d.values())))

</pallas_src>

<mosaic_0001>
#map = affine_map<(d0, d1) -> (0, 0)>
#map1 = affine_map<(d0, d1) -> (0)>
module attributes {stable_mosaic.version = 14 : i64} {
  func.func @_deg_body(%arg0: i32, %arg1: i32, %arg2: memref<1280x128xi32, #tpu.memory_space<hbm>>, %arg3: memref<20480xf32, #tpu.memory_space<hbm>>, %arg4: memref<40x128xi32, #tpu.memory_space<vmem>>, %arg5: memref<128xf32, #tpu.memory_space<vmem>>, %arg6: memref<640xf32, #tpu.memory_space<vmem>>, %arg7: memref<10240xf32, #tpu.memory_space<vmem_shared>>, %arg8: memref<!tpu.dma_semaphore, #tpu.memory_space<semaphore_mem>>) attributes {dimension_semantics = [#tpu.dimension_semantics<core_parallel>, #tpu.dimension_semantics<subcore_parallel>], iteration_bounds = array<i64: 2, 16>, scalar_prefetch = 0 : i64, scratch_operands = 5 : i64, tpu.core_type = #tpu.core_type<sc_vector_subcore>, window_params = [{transform_indices = #map}, {transform_indices = #map1}]} {
    %mul3A = arith.constant 2 : i32
    %mul3A_0 = arith.muli %arg1, %mul3A : i32
    %add3A = arith.addi %mul3A_0, %arg0 : i32
    %mul3A_1 = arith.constant 40 : i32
    %mul3A_2 = arith.muli %add3A, %mul3A_1 : i32
    "tpu.region"() ({
      %run_scoped3A = tpu.sem_alloc : memref<!tpu.dma_semaphore, #tpu.memory_space<semaphore_mem>>
      %dma_start3A = arith.constant 0 : i32
      %dma_start3A_76 = tpu.memref_slice %arg2[%mul3A_2, %dma_start3A] : memref<1280x128xi32, #tpu.memory_space<hbm>> -> memref<40x128xi32, #tpu.memory_space<hbm>>
      %dma_start3A_77 = arith.constant 0 : i32
      %dma_start3A_78 = tpu.memref_slice %arg2[%mul3A_2, %dma_start3A_77] : memref<1280x128xi32, #tpu.memory_space<hbm>> -> memref<40x128xi32, #tpu.memory_space<hbm>>
      tpu.enqueue_dma source(%dma_start3A_78 : memref<40x128xi32, #tpu.memory_space<hbm>>) target(%arg4 : memref<40x128xi32, #tpu.memory_space<vmem>>) target_semaphore(%run_scoped3A : memref<!tpu.dma_semaphore, #tpu.memory_space<semaphore_mem>>)
      %dma_wait3A = arith.constant 0 : i32
      %dma_wait3A_79 = tpu.memref_slice %arg2[%mul3A_2, %dma_wait3A] : memref<1280x128xi32, #tpu.memory_space<hbm>> -> memref<40x128xi32, #tpu.memory_space<hbm>>
      %dma_wait3A_80 = arith.constant 0 : i32
      %dma_wait3A_81 = tpu.memref_slice %arg2[%mul3A_2, %dma_wait3A_80] : memref<1280x128xi32, #tpu.memory_space<hbm>> -> memref<40x128xi32, #tpu.memory_space<hbm>>
      tpu.wait_dma2 semaphore(%run_scoped3A : memref<!tpu.dma_semaphore, #tpu.memory_space<semaphore_mem>>) src(%dma_wait3A_81 : memref<40x128xi32, #tpu.memory_space<hbm>>) dst(%arg4 : memref<40x128xi32, #tpu.memory_space<vmem>>)
      tpu.yield
    }) : () -> ()
    %scan3A = arith.constant 0 : i32
    %scan3A_3 = arith.constant 0 : i32
    %scan3A_4 = arith.constant 40 : i32
    %scan3A_5 = arith.addi %scan3A_3, %scan3A_4 : i32
    %scan3A_6 = arith.constant 1 : i32
    scf.for %scan3A_76 = %scan3A_3 to %scan3A_5 step %scan3A_6  : i32 {
      %broadcast_in_dim3A_77 = arith.constant 0.000000e+00 : f32
      %broadcast_in_dim3A_78 = vector.broadcast %broadcast_in_dim3A_77 : f32 to vector<16xf32>
      %mul3A_79 = arith.constant 16 : i32
      %mul3A_80 = arith.muli %scan3A_76, %mul3A_79 : i32
      %swap3A_81 = arith.index_cast %mul3A_80 : i32 to index
      %swap3A_82 = tpu.vector_load %arg6[%swap3A_81] {strides = array<i32>} : memref<640xf32, #tpu.memory_space<vmem>>, vector<16xf32>,
      %swap3A_83 = vector.shape_cast %swap3A_82 : vector<16xf32> to vector<16xf32>
      %swap3A_84 = vector.shape_cast %broadcast_in_dim3A_78 : vector<16xf32> to vector<16xf32>
      tpu.vector_store %arg6[%swap3A_81], %swap3A_84 {strides = array<i32>} : memref<640xf32, #tpu.memory_space<vmem>>, vector<16xf32>,
    }
    %scan3A_7 = arith.constant 40 : i32
    %mul3A_8 = arith.constant 640 : i32
    %mul3A_9 = arith.muli %arg1, %mul3A_8 : i32
    "tpu.region"() ({
      %run_scoped3A = tpu.sem_alloc : memref<!tpu.dma_semaphore, #tpu.memory_space<semaphore_mem>>
      %dma_start3A = tpu.memref_slice %arg7[%mul3A_9] : memref<10240xf32, #tpu.memory_space<vmem_shared>> -> memref<640xf32, #tpu.memory_space<vmem_shared>>
      %dma_start3A_76 = tpu.memref_slice %arg7[%mul3A_9] : memref<10240xf32, #tpu.memory_space<vmem_shared>> -> memref<640xf32, #tpu.memory_space<vmem_shared>>
      tpu.enqueue_dma source(%arg6 : memref<640xf32, #tpu.memory_space<vmem>>) target(%dma_start3A_76 : memref<640xf32, #tpu.memory_space<vmem_shared>>) target_semaphore(%run_scoped3A : memref<!tpu.dma_semaphore, #tpu.memory_space<semaphore_mem>>)
      %dma_wait3A = tpu.memref_slice %arg7[%mul3A_9] : memref<10240xf32, #tpu.memory_space<vmem_shared>> -> memref<640xf32, #tpu.memory_space<vmem_shared>>
      %dma_wait3A_77 = tpu.memref_slice %arg7[%mul3A_9] : memref<10240xf32, #tpu.memory_space<vmem_shared>> -> memref<640xf32, #tpu.memory_space<vmem_shared>>
      tpu.wait_dma2 semaphore(%run_scoped3A : memref<!tpu.dma_semaphore, #tpu.memory_space<semaphore_mem>>) src(%arg6 : memref<640xf32, #tpu.memory_space<vmem>>) dst(%dma_wait3A_77 : memref<640xf32, #tpu.memory_space<vmem_shared>>)
      tpu.yield
    }) : () -> ()
    %broadcast_in_dim3A = arith.constant 1.000000e+00 : f32
    %broadcast_in_dim3A_10 = vector.broadcast %broadcast_in_dim3A : f32 to vector<16xf32>
    %swap3A = arith.constant 0 : index
    %swap3A_11 = tpu.vector_load %arg5[%swap3A] {strides = array<i32>} : memref<128xf32, #tpu.memory_space<vmem>>, vector<16xf32>,
    %swap3A_12 = vector.shape_cast %swap3A_11 : vector<16xf32> to vector<16xf32>
    %swap3A_13 = vector.shape_cast %broadcast_in_dim3A_10 : vector<16xf32> to vector<16xf32>
    tpu.vector_store %arg5[%swap3A], %swap3A_13 {strides = array<i32>} : memref<128xf32, #tpu.memory_space<vmem>>, vector<16xf32>,
    %broadcast_in_dim3A_14 = arith.constant 1.000000e+00 : f32
    %broadcast_in_dim3A_15 = vector.broadcast %broadcast_in_dim3A_14 : f32 to vector<16xf32>
    %swap3A_16 = arith.constant 16 : index
    %swap3A_17 = tpu.vector_load %arg5[%swap3A_16] {strides = array<i32>} : memref<128xf32, #tpu.memory_space<vmem>>, vector<16xf32>,
    %swap3A_18 = vector.shape_cast %swap3A_17 : vector<16xf32> to vector<16xf32>
    %swap3A_19 = vector.shape_cast %broadcast_in_dim3A_15 : vector<16xf32> to vector<16xf32>
    tpu.vector_store %arg5[%swap3A_16], %swap3A_19 {strides = array<i32>} : memref<128xf32, #tpu.memory_space<vmem>>, vector<16xf32>,
    %broadcast_in_dim3A_20 = arith.constant 1.000000e+00 : f32
    %broadcast_in_dim3A_21 = vector.broadcast %broadcast_in_dim3A_20 : f32 to vector<16xf32>
    %swap3A_22 = arith.constant 32 : index
    %swap3A_23 = tpu.vector_load %arg5[%swap3A_22] {strides = array<i32>} : memref<128xf32, #tpu.memory_space<vmem>>, vector<16xf32>,
    %swap3A_24 = vector.shape_cast %swap3A_23 : vector<16xf32> to vector<16xf32>
    %swap3A_25 = vector.shape_cast %broadcast_in_dim3A_21 : vector<16xf32> to vector<16xf32>
    tpu.vector_store %arg5[%swap3A_22], %swap3A_25 {strides = array<i32>} : memref<128xf32, #tpu.memory_space<vmem>>, vector<16xf32>,
    %broadcast_in_dim3A_26 = arith.constant 1.000000e+00 : f32
    %broadcast_in_dim3A_27 = vector.broadcast %broadcast_in_dim3A_26 : f32 to vector<16xf32>
    %swap3A_28 = arith.constant 48 : index
    %swap3A_29 = tpu.vector_load %arg5[%swap3A_28] {strides = array<i32>} : memref<128xf32, #tpu.memory_space<vmem>>, vector<16xf32>,
    %swap3A_30 = vector.shape_cast %swap3A_29 : vector<16xf32> to vector<16xf32>
    %swap3A_31 = vector.shape_cast %broadcast_in_dim3A_27 : vector<16xf32> to vector<16xf32>
    tpu.vector_store %arg5[%swap3A_28], %swap3A_31 {strides = array<i32>} : memref<128xf32, #tpu.memory_space<vmem>>, vector<16xf32>,
    %broadcast_in_dim3A_32 = arith.constant 1.000000e+00 : f32
    %broadcast_in_dim3A_33 = vector.broadcast %broadcast_in_dim3A_32 : f32 to vector<16xf32>
    %swap3A_34 = arith.constant 64 : index
    %swap3A_35 = tpu.vector_load %arg5[%swap3A_34] {strides = array<i32>} : memref<128xf32, #tpu.memory_space<vmem>>, vector<16xf32>,
    %swap3A_36 = vector.shape_cast %swap3A_35 : vector<16xf32> to vector<16xf32>
    %swap3A_37 = vector.shape_cast %broadcast_in_dim3A_33 : vector<16xf32> to vector<16xf32>
    tpu.vector_store %arg5[%swap3A_34], %swap3A_37 {strides = array<i32>} : memref<128xf32, #tpu.memory_space<vmem>>, vector<16xf32>,
    %broadcast_in_dim3A_38 = arith.constant 1.000000e+00 : f32
    %broadcast_in_dim3A_39 = vector.broadcast %broadcast_in_dim3A_38 : f32 to vector<16xf32>
    %swap3A_40 = arith.constant 80 : index
    %swap3A_41 = tpu.vector_load %arg5[%swap3A_40] {strides = array<i32>} : memref<128xf32, #tpu.memory_space<vmem>>, vector<16xf32>,
    %swap3A_42 = vector.shape_cast %swap3A_41 : vector<16xf32> to vector<16xf32>
    %swap3A_43 = vector.shape_cast %broadcast_in_dim3A_39 : vector<16xf32> to vector<16xf32>
    tpu.vector_store %arg5[%swap3A_40], %swap3A_43 {strides = array<i32>} : memref<128xf32, #tpu.memory_space<vmem>>, vector<16xf32>,
    %broadcast_in_dim3A_44 = arith.constant 1.000000e+00 : f32
    %broadcast_in_dim3A_45 = vector.broadcast %broadcast_in_dim3A_44 : f32 to vector<16xf32>
    %swap3A_46 = arith.constant 96 : index
    %swap3A_47 = tpu.vector_load %arg5[%swap3A_46] {strides = array<i32>} : memref<128xf32, #tpu.memory_space<vmem>>, vector<16xf32>,
    %swap3A_48 = vector.shape_cast %swap3A_47 : vector<16xf32> to vector<16xf32>
    %swap3A_49 = vector.shape_cast %broadcast_in_dim3A_45 : vector<16xf32> to vector<16xf32>
    tpu.vector_store %arg5[%swap3A_46], %swap3A_49 {strides = array<i32>} : memref<128xf32, #tpu.memory_space<vmem>>, vector<16xf32>,
    %broadcast_in_dim3A_50 = arith.constant 1.000000e+00 : f32
    %broadcast_in_dim3A_51 = vector.broadcast %broadcast_in_dim3A_50 : f32 to vector<16xf32>
    %swap3A_52 = arith.constant 112 : index
    %swap3A_53 = tpu.vector_load %arg5[%swap3A_52] {strides = array<i32>} : memref<128xf32, #tpu.memory_space<vmem>>, vector<16xf32>,
    %swap3A_54 = vector.shape_cast %swap3A_53 : vector<16xf32> to vector<16xf32>
    %swap3A_55 = vector.shape_cast %broadcast_in_dim3A_51 : vector<16xf32> to vector<16xf32>
    tpu.vector_store %arg5[%swap3A_52], %swap3A_55 {strides = array<i32>} : memref<128xf32, #tpu.memory_space<vmem>>, vector<16xf32>,
    %barrier3A = arith.constant 0 : index
    tpu.barrier barrier_id(%barrier3A)
    %scan3A_56 = arith.constant 0 : i32
    %scan3A_57 = arith.constant 0 : i32
    %scan3A_58 = arith.constant 40 : i32
    %scan3A_59 = arith.addi %scan3A_57, %scan3A_58 : i32
    %scan3A_60 = arith.constant 1 : i32
    scf.for %scan3A_76 = %scan3A_57 to %scan3A_59 step %scan3A_60  : i32 {
      %dma_start3A = arith.constant 0 : i32
      %dma_start3A_77 = tpu.memref_slice %arg4[%scan3A_76, %dma_start3A] : memref<40x128xi32, #tpu.memory_space<vmem>> -> memref<1x128xi32, #tpu.memory_space<vmem>>
      %dma_start3A_78 = tpu.memref_squeeze %dma_start3A_77 : memref<1x128xi32, #tpu.memory_space<vmem>> -> memref<128xi32, #tpu.memory_space<vmem>>
      %dma_start3A_79 = arith.constant 0 : i32
      %dma_start3A_80 = tpu.memref_slice %arg7[%dma_start3A_79] : memref<10240xf32, #tpu.memory_space<vmem_shared>> -> memref<10240xf32, #tpu.memory_space<vmem_shared>>
      tpu.enqueue_indirect_dma source(%arg5 : memref<128xf32, #tpu.memory_space<vmem>>) target(%dma_start3A_80 : memref<10240xf32, #tpu.memory_space<vmem_shared>>) offsets(%dma_start3A_78 : memref<128xi32, #tpu.memory_space<vmem>>) semaphore(%arg8 : memref<!tpu.dma_semaphore, #tpu.memory_space<semaphore_mem>>) {add = true}
    }
    %scan3A_61 = arith.constant 40 : i32
    %scan3A_62 = arith.constant 0 : i32
    %scan3A_63 = arith.constant 0 : i32
    %scan3A_64 = arith.constant 40 : i32
    %scan3A_65 = arith.addi %scan3A_63, %scan3A_64 : i32
    %scan3A_66 = arith.constant 1 : i32
    scf.for %scan3A_76 = %scan3A_63 to %scan3A_65 step %scan3A_66  : i32 {
      %dma_wait3A = arith.constant 0 : i32
      %dma_wait3A_77 = tpu.memref_slice %arg4[%scan3A_76, %dma_wait3A] : memref<40x128xi32, #tpu.memory_space<vmem>> -> memref<1x128xi32, #tpu.memory_space<vmem>>
      %dma_wait3A_78 = tpu.memref_squeeze %dma_wait3A_77 : memref<1x128xi32, #tpu.memory_space<vmem>> -> memref<128xi32, #tpu.memory_space<vmem>>
      %dma_wait3A_79 = arith.constant 0 : i32
      %dma_wait3A_80 = tpu.memref_slice %arg7[%dma_wait3A_79] : memref<10240xf32, #tpu.memory_space<vmem_shared>> -> memref<10240xf32, #tpu.memory_space<vmem_shared>>
      tpu.wait_indirect_dma semaphore(%arg8 : memref<!tpu.dma_semaphore, #tpu.memory_space<semaphore_mem>>) src(%arg5 : memref<128xf32, #tpu.memory_space<vmem>>) dst(%dma_wait3A_80 : memref<10240xf32, #tpu.memory_space<vmem_shared>>)
    }
    %scan3A_67 = arith.constant 40 : i32
    %barrier3A_68 = arith.constant 0 : index
    tpu.barrier barrier_id(%barrier3A_68)
    %mul3A_69 = arith.constant 640 : i32
    %mul3A_70 = arith.muli %arg1, %mul3A_69 : i32
    "tpu.region"() ({
      %run_scoped3A = tpu.sem_alloc : memref<!tpu.dma_semaphore, #tpu.memory_space<semaphore_mem>>
      %dma_start3A = tpu.memref_slice %arg7[%mul3A_70] : memref<10240xf32, #tpu.memory_space<vmem_shared>> -> memref<640xf32, #tpu.memory_space<vmem_shared>>
      %dma_start3A_76 = tpu.memref_slice %arg7[%mul3A_70] : memref<10240xf32, #tpu.memory_space<vmem_shared>> -> memref<640xf32, #tpu.memory_space<vmem_shared>>
      tpu.enqueue_dma source(%dma_start3A_76 : memref<640xf32, #tpu.memory_space<vmem_shared>>) target(%arg6 : memref<640xf32, #tpu.memory_space<vmem>>) target_semaphore(%run_scoped3A : memref<!tpu.dma_semaphore, #tpu.memory_space<semaphore_mem>>)
      %dma_wait3A = tpu.memref_slice %arg7[%mul3A_70] : memref<10240xf32, #tpu.memory_space<vmem_shared>> -> memref<640xf32, #tpu.memory_space<vmem_shared>>
      %dma_wait3A_77 = tpu.memref_slice %arg7[%mul3A_70] : memref<10240xf32, #tpu.memory_space<vmem_shared>> -> memref<640xf32, #tpu.memory_space<vmem_shared>>
      tpu.wait_dma2 semaphore(%run_scoped3A : memref<!tpu.dma_semaphore, #tpu.memory_space<semaphore_mem>>) src(%dma_wait3A_77 : memref<640xf32, #tpu.memory_space<vmem_shared>>) dst(%arg6 : memref<640xf32, #tpu.memory_space<vmem>>)
      tpu.yield
    }) : () -> ()
    %mul3A_71 = arith.constant 10240 : i32
    %mul3A_72 = arith.muli %arg0, %mul3A_71 : i32
    %mul3A_73 = arith.constant 640 : i32
    %mul3A_74 = arith.muli %arg1, %mul3A_73 : i32
    %add3A_75 = arith.addi %mul3A_72, %mul3A_74 : i32
    "tpu.region"() ({
      %run_scoped3A = tpu.sem_alloc : memref<!tpu.dma_semaphore, #tpu.memory_space<semaphore_mem>>
      %dma_start3A = tpu.memref_slice %arg3[%add3A_75] : memref<20480xf32, #tpu.memory_space<hbm>> -> memref<640xf32, #tpu.memory_space<hbm>>
      %dma_start3A_76 = tpu.memref_slice %arg3[%add3A_75] : memref<20480xf32, #tpu.memory_space<hbm>> -> memref<640xf32, #tpu.memory_space<hbm>>
      tpu.enqueue_dma source(%arg6 : memref<640xf32, #tpu.memory_space<vmem>>) target(%dma_start3A_76 : memref<640xf32, #tpu.memory_space<hbm>>) target_semaphore(%run_scoped3A : memref<!tpu.dma_semaphore, #tpu.memory_space<semaphore_mem>>)
      %dma_wait3A = tpu.memref_slice %arg3[%add3A_75] : memref<20480xf32, #tpu.memory_space<hbm>> -> memref<640xf32, #tpu.memory_space<hbm>>
      %dma_wait3A_77 = tpu.memref_slice %arg3[%add3A_75] : memref<20480xf32, #tpu.memory_space<hbm>> -> memref<640xf32, #tpu.memory_space<hbm>>
      tpu.wait_dma2 semaphore(%run_scoped3A : memref<!tpu.dma_semaphore, #tpu.memory_space<semaphore_mem>>) src(%arg6 : memref<640xf32, #tpu.memory_space<vmem>>) dst(%dma_wait3A_77 : memref<640xf32, #tpu.memory_space<hbm>>)
      tpu.yield
    }) : () -> ()
    return
  }
}

#map = affine_map<(d0, d1) -> (0, 0)>
#map1 = affine_map<(d0, d1) -> (0, 0, 0)>
module attributes {stable_mosaic.version = 14 : i64} {
  func.func @_prop_body(%arg0: i32, %arg1: i32, %arg2: memref<1280x128xi32, #tpu.memory_space<hbm>>, %arg3: memref<1280x128xi32, #tpu.memory_space<hbm>>, %arg4: memref<2x10000x128xf32, #tpu.memory_space<hbm>>, %arg5: memref<2x10240x128xf32, #tpu.memory_space<hbm>>, %arg6: memref<40x128xi32, #tpu.memory_space<vmem>>, %arg7: memref<40x128xi32, #tpu.memory_space<vmem>>, %arg8: memref<128x128xf32, #tpu.memory_space<vmem>>, %arg9: memref<128x128xf32, #tpu.memory_space<vmem>>, %arg10: memref<32x128xf32, #tpu.memory_space<vmem>>, %arg11: memref<10240x128xf32, #tpu.memory_space<vmem_shared>>, %arg12: memref<!tpu.dma_semaphore, #tpu.memory_space<semaphore_mem>>, %arg13: memref<!tpu.dma_semaphore, #tpu.memory_space<semaphore_mem>>, %arg14: memref<!tpu.dma_semaphore, #tpu.memory_space<semaphore_mem>>) attributes {dimension_semantics = [#tpu.dimension_semantics<core_parallel>, #tpu.dimension_semantics<subcore_parallel>], iteration_bounds = array<i64: 2, 16>, scalar_prefetch = 0 : i64, scratch_operands = 9 : i64, tpu.core_type = #tpu.core_type<sc_vector_subcore>, window_params = [{transform_indices = #map}, {transform_indices = #map}, {transform_indices = #map1}, {transform_indices = #map1}]} {
    %mul3A = arith.constant 80 : i32
    %mul3A_0 = arith.muli %arg1, %mul3A : i32
    "tpu.region"() ({
      %run_scoped3A = tpu.sem_alloc : memref<!tpu.dma_semaphore, #tpu.memory_space<semaphore_mem>>
      %dma_start3A_144 = arith.constant 0 : i32
      %dma_start3A_145 = tpu.memref_slice %arg2[%mul3A_0, %dma_start3A_144] : memref<1280x128xi32, #tpu.memory_space<hbm>> -> memref<40x128xi32, #tpu.memory_space<hbm>>
      %dma_start3A_146 = arith.constant 0 : i32
      %dma_start3A_147 = tpu.memref_slice %arg2[%mul3A_0, %dma_start3A_146] : memref<1280x128xi32, #tpu.memory_space<hbm>> -> memref<40x128xi32, #tpu.memory_space<hbm>>
      tpu.enqueue_dma source(%dma_start3A_147 : memref<40x128xi32, #tpu.memory_space<hbm>>) target(%arg6 : memref<40x128xi32, #tpu.memory_space<vmem>>) target_semaphore(%run_scoped3A : memref<!tpu.dma_semaphore, #tpu.memory_space<semaphore_mem>>)
      %dma_wait3A_148 = arith.constant 0 : i32
      %dma_wait3A_149 = tpu.memref_slice %arg2[%mul3A_0, %dma_wait3A_148] : memref<1280x128xi32, #tpu.memory_space<hbm>> -> memref<40x128xi32, #tpu.memory_space<hbm>>
      %dma_wait3A_150 = arith.constant 0 : i32
      %dma_wait3A_151 = tpu.memref_slice %arg2[%mul3A_0, %dma_wait3A_150] : memref<1280x128xi32, #tpu.memory_space<hbm>> -> memref<40x128xi32, #tpu.memory_space<hbm>>
      tpu.wait_dma2 semaphore(%run_scoped3A : memref<!tpu.dma_semaphore, #tpu.memory_space<semaphore_mem>>) src(%dma_wait3A_151 : memref<40x128xi32, #tpu.memory_space<hbm>>) dst(%arg6 : memref<40x128xi32, #tpu.memory_space<vmem>>)
      tpu.yield
    }) : () -> ()
    %mul3A_1 = arith.constant 80 : i32
    %mul3A_2 = arith.muli %arg1, %mul3A_1 : i32
    "tpu.region"() ({
      %run_scoped3A = tpu.sem_alloc : memref<!tpu.dma_semaphore, #tpu.memory_space<semaphore_mem>>
      %dma_start3A_144 = arith.constant 0 : i32
      %dma_start3A_145 = tpu.memref_slice %arg3[%mul3A_2, %dma_start3A_144] : memref<1280x128xi32, #tpu.memory_space<hbm>> -> memref<40x128xi32, #tpu.memory_space<hbm>>
      %dma_start3A_146 = arith.constant 0 : i32
      %dma_start3A_147 = tpu.memref_slice %arg3[%mul3A_2, %dma_start3A_146] : memref<1280x128xi32, #tpu.memory_space<hbm>> -> memref<40x128xi32, #tpu.memory_space<hbm>>
      tpu.enqueue_dma source(%dma_start3A_147 : memref<40x128xi32, #tpu.memory_space<hbm>>) target(%arg7 : memref<40x128xi32, #tpu.memory_space<vmem>>) target_semaphore(%run_scoped3A : memref<!tpu.dma_semaphore, #tpu.memory_space<semaphore_mem>>)
      %dma_wait3A_148 = arith.constant 0 : i32
      %dma_wait3A_149 = tpu.memref_slice %arg3[%mul3A_2, %dma_wait3A_148] : memref<1280x128xi32, #tpu.memory_space<hbm>> -> memref<40x128xi32, #tpu.memory_space<hbm>>
      %dma_wait3A_150 = arith.constant 0 : i32
      %dma_wait3A_151 = tpu.memref_slice %arg3[%mul3A_2, %dma_wait3A_150] : memref<1280x128xi32, #tpu.memory_space<hbm>> -> memref<40x128xi32, #tpu.memory_space<hbm>>
      tpu.wait_dma2 semaphore(%run_scoped3A : memref<!tpu.dma_semaphore, #tpu.memory_space<semaphore_mem>>) src(%dma_wait3A_151 : memref<40x128xi32, #tpu.memory_space<hbm>>) dst(%arg7 : memref<40x128xi32, #tpu.memory_space<vmem>>)
      tpu.yield
    }) : () -> ()
    %dma_start3A = arith.constant 0 : i32
    %dma_start3A_3 = arith.constant 0 : i32
    %dma_start3A_4 = tpu.memref_slice %arg6[%dma_start3A, %dma_start3A_3] : memref<40x128xi32, #tpu.memory_space<vmem>> -> memref<1x128xi32, #tpu.memory_space<vmem>>
    %dma_start3A_5 = tpu.memref_squeeze %dma_start3A_4 : memref<1x128xi32, #tpu.memory_space<vmem>> -> memref<128xi32, #tpu.memory_space<vmem>>
    %dma_start3A_6 = arith.constant 0 : i32
    %dma_start3A_7 = arith.constant 0 : i32
    %dma_start3A_8 = tpu.memref_slice %arg4[%arg0, %dma_start3A_6, %dma_start3A_7] : memref<2x10000x128xf32, #tpu.memory_space<hbm>> -> memref<1x10000x128xf32, #tpu.memory_space<hbm>>
    %dma_start3A_9 = tpu.memref_squeeze %dma_start3A_8 : memref<1x10000x128xf32, #tpu.memory_space<hbm>> -> memref<10000x128xf32, #tpu.memory_space<hbm>>
    %dma_start3A_10 = arith.constant 0 : i32
    %dma_start3A_11 = arith.constant 0 : i32
    %dma_start3A_12 = tpu.memref_slice %dma_start3A_9[%dma_start3A_10, %dma_start3A_11] : memref<10000x128xf32, #tpu.memory_space<hbm>> -> memref<10000x128xf32, #tpu.memory_space<hbm>>
    tpu.enqueue_indirect_dma source(%dma_start3A_12 : memref<10000x128xf32, #tpu.memory_space<hbm>>) target(%arg8 : memref<128x128xf32, #tpu.memory_space<vmem>>) offsets(%dma_start3A_5 : memref<128xi32, #tpu.memory_space<vmem>>) semaphore(%arg12 : memref<!tpu.dma_semaphore, #tpu.memory_space<semaphore_mem>>)
    %dma_start3A_13 = arith.constant 1 : i32
    %dma_start3A_14 = arith.constant 0 : i32
    %dma_start3A_15 = tpu.memref_slice %arg6[%dma_start3A_13, %dma_start3A_14] : memref<40x128xi32, #tpu.memory_space<vmem>> -> memref<1x128xi32, #tpu.memory_space<vmem>>
    %dma_start3A_16 = tpu.memref_squeeze %dma_start3A_15 : memref<1x128xi32, #tpu.memory_space<vmem>> -> memref<128xi32, #tpu.memory_space<vmem>>
    %dma_start3A_17 = arith.constant 0 : i32
    %dma_start3A_18 = arith.constant 0 : i32
    %dma_start3A_19 = tpu.memref_slice %arg4[%arg0, %dma_start3A_17, %dma_start3A_18] : memref<2x10000x128xf32, #tpu.memory_space<hbm>> -> memref<1x10000x128xf32, #tpu.memory_space<hbm>>
    %dma_start3A_20 = tpu.memref_squeeze %dma_start3A_19 : memref<1x10000x128xf32, #tpu.memory_space<hbm>> -> memref<10000x128xf32, #tpu.memory_space<hbm>>
    %dma_start3A_21 = arith.constant 0 : i32
    %dma_start3A_22 = arith.constant 0 : i32
    %dma_start3A_23 = tpu.memref_slice %dma_start3A_20[%dma_start3A_21, %dma_start3A_22] : memref<10000x128xf32, #tpu.memory_space<hbm>> -> memref<10000x128xf32, #tpu.memory_space<hbm>>
    tpu.enqueue_indirect_dma source(%dma_start3A_23 : memref<10000x128xf32, #tpu.memory_space<hbm>>) target(%arg9 : memref<128x128xf32, #tpu.memory_space<vmem>>) offsets(%dma_start3A_16 : memref<128xi32, #tpu.memory_space<vmem>>) semaphore(%arg13 : memref<!tpu.dma_semaphore, #tpu.memory_space<semaphore_mem>>)
    %scan3A = arith.constant 0 : i32
    %scan3A_24 = arith.constant 0 : i32
    %scan3A_25 = arith.constant 256 : i32
    %scan3A_26 = arith.addi %scan3A_24, %scan3A_25 : i32
    %scan3A_27 = arith.constant 1 : i32
    scf.for %scan3A_144 = %scan3A_24 to %scan3A_26 step %scan3A_27  : i32 {
      %broadcast_in_dim3A = arith.constant 0.000000e+00 : f32
      %broadcast_in_dim3A_145 = vector.broadcast %broadcast_in_dim3A : f32 to vector<16xf32>
      %jit3A = arith.constant 8 : i32
      %div3A = arith.divsi %scan3A_144, %jit3A : i32
      %sign3A = arith.constant 0 : i32
      %sign3A_146 = arith.cmpi sgt, %scan3A_144, %sign3A : i32
      %sign3A_147 = arith.extui %sign3A_146 : i1 to i32
      %sign3A_148 = arith.constant 0 : i32
      %sign3A_149 = arith.cmpi slt, %scan3A_144, %sign3A_148 : i32
      %sign3A_150 = arith.extui %sign3A_149 : i1 to i32
      %sign3A_151 = arith.subi %sign3A_147, %sign3A_150 : i32
      %sign3A_152 = arith.constant 0 : i32
      %sign3A_153 = arith.cmpi sgt, %jit3A, %sign3A_152 : i32
      %sign3A_154 = arith.extui %sign3A_153 : i1 to i32
      %sign3A_155 = arith.constant 0 : i32
      %sign3A_156 = arith.cmpi slt, %jit3A, %sign3A_155 : i32
      %sign3A_157 = arith.extui %sign3A_156 : i1 to i32
      %sign3A_158 = arith.subi %sign3A_154, %sign3A_157 : i32
      %ne3A = arith.cmpi ne, %sign3A_151, %sign3A_158 : i32
      %rem3A = arith.remsi %scan3A_144, %jit3A : i32
      %ne3A_159 = arith.constant 0 : i32
      %ne3A_160 = arith.cmpi ne, %rem3A, %ne3A_159 : i32
      %and3A = arith.andi %ne3A, %ne3A_160 : i1
      %sub3A = arith.constant 1 : i32
      %sub3A_161 = arith.subi %div3A, %sub3A : i32
      %select_n3A = arith.select %and3A, %sub3A_161, %div3A : i32
      %jit3A_162 = arith.constant 8 : i32
      %eq3A = arith.constant 0 : i32
      %eq3A_163 = arith.cmpi eq, %jit3A_162, %eq3A : i32
      %jit3A_164 = arith.constant 1 : i32
      %select_n3A_165 = arith.select %eq3A_163, %jit3A_164, %jit3A_162 : i32
      %rem3A_166 = arith.remsi %scan3A_144, %select_n3A_165 : i32
      %ne3A_167 = arith.constant 0 : i32
      %ne3A_168 = arith.cmpi ne, %rem3A_166, %ne3A_167 : i32
      %lt3A = arith.constant 0 : i32
      %lt3A_169 = arith.cmpi slt, %rem3A_166, %lt3A : i32
      %lt3A_170 = arith.constant 0 : i32
      %lt3A_171 = arith.cmpi slt, %select_n3A_165, %lt3A_170 : i32
      %ne3A_172 = arith.xori %lt3A_169, %lt3A_171 : i1
      %and3A_173 = arith.andi %ne3A_172, %ne3A_168 : i1
      %add3A_174 = arith.addi %rem3A_166, %select_n3A_165 : i32
      %select_n3A_175 = arith.select %and3A_173, %add3A_174, %rem3A_166 : i32
      %mul3A_176 = arith.constant 16 : i32
      %mul3A_177 = arith.muli %select_n3A_175, %mul3A_176 : i32
      %swap3A = arith.index_cast %select_n3A : i32 to index
      %swap3A_178 = arith.index_cast %mul3A_177 : i32 to index
      %swap3A_179 = tpu.vector_load %arg10[%swap3A, %swap3A_178] {strides = array<i32>} : memref<32x128xf32, #tpu.memory_space<vmem>>, vector<1x16xf32>,
      %swap3A_180 = vector.shape_cast %swap3A_179 : vector<1x16xf32> to vector<16xf32>
      %swap3A_181 = vector.shape_cast %broadcast_in_dim3A_145 : vector<16xf32> to vector<1x16xf32>
      tpu.vector_store %arg10[%swap3A, %swap3A_178], %swap3A_181 {strides = array<i32>} : memref<32x128xf32, #tpu.memory_space<vmem>>, vector<1x16xf32>,
    }
    %scan3A_28 = arith.constant 256 : i32
    %scan3A_29 = arith.constant 0 : i32
    %scan3A_30 = arith.constant 0 : i32
    %scan3A_31 = arith.constant 20 : i32
    %scan3A_32 = arith.addi %scan3A_30, %scan3A_31 : i32
    %scan3A_33 = arith.constant 1 : i32
    scf.for %scan3A_144 = %scan3A_30 to %scan3A_32 step %scan3A_33  : i32 {
      %mul3A_145 = arith.constant 640 : i32
      %mul3A_146 = arith.muli %arg1, %mul3A_145 : i32
      %mul3A_147 = arith.constant 32 : i32
      %mul3A_148 = arith.muli %scan3A_144, %mul3A_147 : i32
      %add3A_149 = arith.addi %mul3A_146, %mul3A_148 : i32
      %dma_start3A_150 = arith.constant 0 : i32
      %dma_start3A_151 = tpu.memref_slice %arg11[%add3A_149, %dma_start3A_150] : memref<10240x128xf32, #tpu.memory_space<vmem_shared>> -> memref<32x128xf32, #tpu.memory_space<vmem_shared>>
      %dma_start3A_152 = arith.constant 0 : i32
      %dma_start3A_153 = tpu.memref_slice %arg11[%add3A_149, %dma_start3A_152] : memref<10240x128xf32, #tpu.memory_space<vmem_shared>> -> memref<32x128xf32, #tpu.memory_space<vmem_shared>>
      tpu.enqueue_dma source(%arg10 : memref<32x128xf32, #tpu.memory_space<vmem>>) target(%dma_start3A_153 : memref<32x128xf32, #tpu.memory_space<vmem_shared>>) target_semaphore(%arg14 : memref<!tpu.dma_semaphore, #tpu.memory_space<semaphore_mem>>)
    }
    %scan3A_34 = arith.constant 20 : i32
    %scan3A_35 = arith.constant 0 : i32
    %scan3A_36 = arith.constant 0 : i32
    %scan3A_37 = arith.constant 20 : i32
    %scan3A_38 = arith.addi %scan3A_36, %scan3A_37 : i32
    %scan3A_39 = arith.constant 1 : i32
    scf.for %scan3A_144 = %scan3A_36 to %scan3A_38 step %scan3A_39  : i32 {
      %mul3A_145 = arith.constant 640 : i32
      %mul3A_146 = arith.muli %arg1, %mul3A_145 : i32
      %mul3A_147 = arith.constant 32 : i32
      %mul3A_148 = arith.muli %scan3A_144, %mul3A_147 : i32
      %add3A_149 = arith.addi %mul3A_146, %mul3A_148 : i32
      %dma_wait3A_150 = arith.constant 0 : i32
      %dma_wait3A_151 = tpu.memref_slice %arg11[%add3A_149, %dma_wait3A_150] : memref<10240x128xf32, #tpu.memory_space<vmem_shared>> -> memref<32x128xf32, #tpu.memory_space<vmem_shared>>
      %dma_wait3A_152 = arith.constant 0 : i32
      %dma_wait3A_153 = tpu.memref_slice %arg11[%add3A_149, %dma_wait3A_152] : memref<10240x128xf32, #tpu.memory_space<vmem_shared>> -> memref<32x128xf32, #tpu.memory_space<vmem_shared>>
      tpu.wait_dma2 semaphore(%arg14 : memref<!tpu.dma_semaphore, #tpu.memory_space<semaphore_mem>>) src(%arg10 : memref<32x128xf32, #tpu.memory_space<vmem>>) dst(%dma_wait3A_153 : memref<32x128xf32, #tpu.memory_space<vmem_shared>>)
    }
    %scan3A_40 = arith.constant 20 : i32
    %barrier3A = arith.constant 0 : index
    tpu.barrier barrier_id(%barrier3A)
    %scan3A_41 = arith.constant 0 : i32
    %scan3A_42 = arith.constant 0 : i32
    %scan3A_43 = arith.constant 2 : i32
    %scan3A_44 = arith.addi %scan3A_42, %scan3A_43 : i32
    %scan3A_45 = arith.constant 1 : i32
    scf.for %scan3A_144 = %scan3A_42 to %scan3A_44 step %scan3A_45  : i32 {
      %gt3A = arith.constant 0 : i32
      %gt3A_145 = arith.cmpi sgt, %scan3A_144, %gt3A : i32
      %convert_element_type3A = arith.extui %gt3A_145 : i1 to i32
      %cond3A = arith.constant 0 : i32
      %cond3A_146 = arith.cmpi ne, %convert_element_type3A, %cond3A : i32
      scf.if %cond3A_146 {
        %mul3A_153 = arith.constant 80 : i32
        %mul3A_154 = arith.muli %arg1, %mul3A_153 : i32
        %mul3A_155 = arith.constant 40 : i32
        %mul3A_156 = arith.muli %scan3A_144, %mul3A_155 : i32
        %add3A_157 = arith.addi %mul3A_154, %mul3A_156 : i32
        "tpu.region"() ({
          %run_scoped3A = tpu.sem_alloc : memref<!tpu.dma_semaphore, #tpu.memory_space<semaphore_mem>>
          %dma_start3A_185 = arith.constant 0 : i32
          %dma_start3A_186 = tpu.memref_slice %arg2[%add3A_157, %dma_start3A_185] : memref<1280x128xi32, #tpu.memory_space<hbm>> -> memref<40x128xi32, #tpu.memory_space<hbm>>
          %dma_start3A_187 = arith.constant 0 : i32
          %dma_start3A_188 = tpu.memref_slice %arg2[%add3A_157, %dma_start3A_187] : memref<1280x128xi32, #tpu.memory_space<hbm>> -> memref<40x128xi32, #tpu.memory_space<hbm>>
          tpu.enqueue_dma source(%dma_start3A_188 : memref<40x128xi32, #tpu.memory_space<hbm>>) target(%arg6 : memref<40x128xi32, #tpu.memory_space<vmem>>) target_semaphore(%run_scoped3A : memref<!tpu.dma_semaphore, #tpu.memory_space<semaphore_mem>>)
          %dma_wait3A_189 = arith.constant 0 : i32
          %dma_wait3A_190 = tpu.memref_slice %arg2[%add3A_157, %dma_wait3A_189] : memref<1280x128xi32, #tpu.memory_space<hbm>> -> memref<40x128xi32, #tpu.memory_space<hbm>>
          %dma_wait3A_191 = arith.constant 0 : i32
          %dma_wait3A_192 = tpu.memref_slice %arg2[%add3A_157, %dma_wait3A_191] : memref<1280x128xi32, #tpu.memory_space<hbm>> -> memref<40x128xi32, #tpu.memory_space<hbm>>
          tpu.wait_dma2 semaphore(%run_scoped3A : memref<!tpu.dma_semaphore, #tpu.memory_space<semaphore_mem>>) src(%dma_wait3A_192 : memref<40x128xi32, #tpu.memory_space<hbm>>) dst(%arg6 : memref<40x128xi32, #tpu.memory_space<vmem>>)
          tpu.yield
        }) : () -> ()
        %mul3A_158 = arith.constant 80 : i32
        %mul3A_159 = arith.muli %arg1, %mul3A_158 : i32
        %mul3A_160 = arith.constant 40 : i32
        %mul3A_161 = arith.muli %scan3A_144, %mul3A_160 : i32
        %add3A_162 = arith.addi %mul3A_159, %mul3A_161 : i32
        "tpu.region"() ({
          %run_scoped3A = tpu.sem_alloc : memref<!tpu.dma_semaphore, #tpu.memory_space<semaphore_mem>>
          %dma_start3A_185 = arith.constant 0 : i32
          %dma_start3A_186 = tpu.memref_slice %arg3[%add3A_162, %dma_start3A_185] : memref<1280x128xi32, #tpu.memory_space<hbm>> -> memref<40x128xi32, #tpu.memory_space<hbm>>
          %dma_start3A_187 = arith.constant 0 : i32
          %dma_start3A_188 = tpu.memref_slice %arg3[%add3A_162, %dma_start3A_187] : memref<1280x128xi32, #tpu.memory_space<hbm>> -> memref<40x128xi32, #tpu.memory_space<hbm>>
          tpu.enqueue_dma source(%dma_start3A_188 : memref<40x128xi32, #tpu.memory_space<hbm>>) target(%arg7 : memref<40x128xi32, #tpu.memory_space<vmem>>) target_semaphore(%run_scoped3A : memref<!tpu.dma_semaphore, #tpu.memory_space<semaphore_mem>>)
          %dma_wait3A_189 = arith.constant 0 : i32
          %dma_wait3A_190 = tpu.memref_slice %arg3[%add3A_162, %dma_wait3A_189] : memref<1280x128xi32, #tpu.memory_space<hbm>> -> memref<40x128xi32, #tpu.memory_space<hbm>>
          %dma_wait3A_191 = arith.constant 0 : i32
          %dma_wait3A_192 = tpu.memref_slice %arg3[%add3A_162, %dma_wait3A_191] : memref<1280x128xi32, #tpu.memory_space<hbm>> -> memref<40x128xi32, #tpu.memory_space<hbm>>
          tpu.wait_dma2 semaphore(%run_scoped3A : memref<!tpu.dma_semaphore, #tpu.memory_space<semaphore_mem>>) src(%dma_wait3A_192 : memref<40x128xi32, #tpu.memory_space<hbm>>) dst(%arg7 : memref<40x128xi32, #tpu.memory_space<vmem>>)
          tpu.yield
        }) : () -> ()
        %dma_start3A_163 = arith.constant 0 : i32
        %dma_start3A_164 = arith.constant 0 : i32
        %dma_start3A_165 = tpu.memref_slice %arg6[%dma_start3A_163, %dma_start3A_164] : memref<40x128xi32, #tpu.memory_space<vmem>> -> memref<1x128xi32, #tpu.memory_space<vmem>>
        %dma_start3A_166 = tpu.memref_squeeze %dma_start3A_165 : memref<1x128xi32, #tpu.memory_space<vmem>> -> memref<128xi32, #tpu.memory_space<vmem>>
        %dma_start3A_167 = arith.constant 0 : i32
        %dma_start3A_168 = arith.constant 0 : i32
        %dma_start3A_169 = tpu.memref_slice %arg4[%arg0, %dma_start3A_167, %dma_start3A_168] : memref<2x10000x128xf32, #tpu.memory_space<hbm>> -> memref<1x10000x128xf32, #tpu.memory_space<hbm>>
        %dma_start3A_170 = tpu.memref_squeeze %dma_start3A_169 : memref<1x10000x128xf32, #tpu.memory_space<hbm>> -> memref<10000x128xf32, #tpu.memory_space<hbm>>
        %dma_start3A_171 = arith.constant 0 : i32
        %dma_start3A_172 = arith.constant 0 : i32
        %dma_start3A_173 = tpu.memref_slice %dma_start3A_170[%dma_start3A_171, %dma_start3A_172] : memref<10000x128xf32, #tpu.memory_space<hbm>> -> memref<10000x128xf32, #tpu.memory_space<hbm>>
        tpu.enqueue_indirect_dma source(%dma_start3A_173 : memref<10000x128xf32, #tpu.memory_space<hbm>>) target(%arg8 : memref<128x128xf32, #tpu.memory_space<vmem>>) offsets(%dma_start3A_166 : memref<128xi32, #tpu.memory_space<vmem>>) semaphore(%arg12 : memref<!tpu.dma_semaphore, #tpu.memory_space<semaphore_mem>>)
        %dma_start3A_174 = arith.constant 1 : i32
        %dma_start3A_175 = arith.constant 0 : i32
        %dma_start3A_176 = tpu.memref_slice %arg6[%dma_start3A_174, %dma_start3A_175] : memref<40x128xi32, #tpu.memory_space<vmem>> -> memref<1x128xi32, #tpu.memory_space<vmem>>
        %dma_start3A_177 = tpu.memref_squeeze %dma_start3A_176 : memref<1x128xi32, #tpu.memory_space<vmem>> -> memref<128xi32, #tpu.memory_space<vmem>>
        %dma_start3A_178 = arith.constant 0 : i32
        %dma_start3A_179 = arith.constant 0 : i32
        %dma_start3A_180 = tpu.memref_slice %arg4[%arg0, %dma_start3A_178, %dma_start3A_179] : memref<2x10000x128xf32, #tpu.memory_space<hbm>> -> memref<1x10000x128xf32, #tpu.memory_space<hbm>>
        %dma_start3A_181 = tpu.memref_squeeze %dma_start3A_180 : memref<1x10000x128xf32, #tpu.memory_space<hbm>> -> memref<10000x128xf32, #tpu.memory_space<hbm>>
        %dma_start3A_182 = arith.constant 0 : i32
        %dma_start3A_183 = arith.constant 0 : i32
        %dma_start3A_184 = tpu.memref_slice %dma_start3A_181[%dma_start3A_182, %dma_start3A_183] : memref<10000x128xf32, #tpu.memory_space<hbm>> -> memref<10000x128xf32, #tpu.memory_space<hbm>>
        tpu.enqueue_indirect_dma source(%dma_start3A_184 : memref<10000x128xf32, #tpu.memory_space<hbm>>) target(%arg9 : memref<128x128xf32, #tpu.memory_space<vmem>>) offsets(%dma_start3A_177 : memref<128xi32, #tpu.memory_space<vmem>>) semaphore(%arg13 : memref<!tpu.dma_semaphore, #tpu.memory_space<semaphore_mem>>)
      } else {
      }
      %scan3A_147 = arith.constant 0 : i32
      %scan3A_148 = arith.constant 0 : i32
      %scan3A_149 = arith.constant 20 : i32
      %scan3A_150 = arith.addi %scan3A_148, %scan3A_149 : i32
      %scan3A_151 = arith.constant 1 : i32
      scf.for %scan3A_153 = %scan3A_148 to %scan3A_150 step %scan3A_151  : i32 {
        %mul3A_154 = arith.constant 2 : i32
        %mul3A_155 = arith.muli %mul3A_154, %scan3A_153 : i32
        %dma_wait3A_156 = arith.constant 0 : i32
        %dma_wait3A_157 = tpu.memref_slice %arg6[%mul3A_155, %dma_wait3A_156] : memref<40x128xi32, #tpu.memory_space<vmem>> -> memref<1x128xi32, #tpu.memory_space<vmem>>
        %dma_wait3A_158 = tpu.memref_squeeze %dma_wait3A_157 : memref<1x128xi32, #tpu.memory_space<vmem>> -> memref<128xi32, #tpu.memory_space<vmem>>
        %dma_wait3A_159 = arith.constant 0 : i32
        %dma_wait3A_160 = arith.constant 0 : i32
        %dma_wait3A_161 = tpu.memref_slice %arg4[%arg0, %dma_wait3A_159, %dma_wait3A_160] : memref<2x10000x128xf32, #tpu.memory_space<hbm>> -> memref<1x10000x128xf32, #tpu.memory_space<hbm>>
        %dma_wait3A_162 = tpu.memref_squeeze %dma_wait3A_161 : memref<1x10000x128xf32, #tpu.memory_space<hbm>> -> memref<10000x128xf32, #tpu.memory_space<hbm>>
        %dma_wait3A_163 = arith.constant 0 : i32
        %dma_wait3A_164 = arith.constant 0 : i32
        %dma_wait3A_165 = tpu.memref_slice %dma_wait3A_162[%dma_wait3A_163, %dma_wait3A_164] : memref<10000x128xf32, #tpu.memory_space<hbm>> -> memref<10000x128xf32, #tpu.memory_space<hbm>>
        tpu.wait_indirect_dma semaphore(%arg12 : memref<!tpu.dma_semaphore, #tpu.memory_space<semaphore_mem>>) src(%dma_wait3A_165 : memref<10000x128xf32, #tpu.memory_space<hbm>>) dst(%arg8 : memref<128x128xf32, #tpu.memory_space<vmem>>)
        %mul3A_166 = arith.constant 2 : i32
        %mul3A_167 = arith.muli %mul3A_166, %scan3A_153 : i32
        "tpu.region"() ({
          %run_scoped3A = tpu.sem_alloc : memref<!tpu.dma_semaphore, #tpu.memory_space<semaphore_mem>>
          %dma_start3A_203 = arith.constant 0 : i32
          %dma_start3A_204 = tpu.memref_slice %arg7[%mul3A_167, %dma_start3A_203] : memref<40x128xi32, #tpu.memory_space<vmem>> -> memref<1x128xi32, #tpu.memory_space<vmem>>
          %dma_start3A_205 = tpu.memref_squeeze %dma_start3A_204 : memref<1x128xi32, #tpu.memory_space<vmem>> -> memref<128xi32, #tpu.memory_space<vmem>>
          %dma_start3A_206 = arith.constant 0 : i32
          %dma_start3A_207 = arith.constant 0 : i32
          %dma_start3A_208 = tpu.memref_slice %arg11[%dma_start3A_206, %dma_start3A_207] : memref<10240x128xf32, #tpu.memory_space<vmem_shared>> -> memref<10240x128xf32, #tpu.memory_space<vmem_shared>>
          tpu.enqueue_indirect_dma source(%arg8 : memref<128x128xf32, #tpu.memory_space<vmem>>) target(%dma_start3A_208 : memref<10240x128xf32, #tpu.memory_space<vmem_shared>>) offsets(%dma_start3A_205 : memref<128xi32, #tpu.memory_space<vmem>>) semaphore(%run_scoped3A : memref<!tpu.dma_semaphore, #tpu.memory_space<semaphore_mem>>) {add = true}
          %dma_wait3A_209 = arith.constant 0 : i32
          %dma_wait3A_210 = tpu.memref_slice %arg7[%mul3A_167, %dma_wait3A_209] : memref<40x128xi32, #tpu.memory_space<vmem>> -> memref<1x128xi32, #tpu.memory_space<vmem>>
          %dma_wait3A_211 = tpu.memref_squeeze %dma_wait3A_210 : memref<1x128xi32, #tpu.memory_space<vmem>> -> memref<128xi32, #tpu.memory_space<vmem>>
          %dma_wait3A_212 = arith.constant 0 : i32
          %dma_wait3A_213 = arith.constant 0 : i32
          %dma_wait3A_214 = tpu.memref_slice %arg11[%dma_wait3A_212, %dma_wait3A_213] : memref<10240x128xf32, #tpu.memory_space<vmem_shared>> -> memref<10240x128xf32, #tpu.memory_space<vmem_shared>>
          tpu.wait_indirect_dma semaphore(%run_scoped3A : memref<!tpu.dma_semaphore, #tpu.memory_space<semaphore_mem>>) src(%arg8 : memref<128x128xf32, #tpu.memory_space<vmem>>) dst(%dma_wait3A_214 : memref<10240x128xf32, #tpu.memory_space<vmem_shared>>)
          tpu.yield
        }) : () -> ()
        %mul3A_168 = arith.constant 2 : i32
        %mul3A_169 = arith.muli %mul3A_168, %scan3A_153 : i32
        %add3A_170 = arith.constant 2 : i32
        %add3A_171 = arith.addi %mul3A_169, %add3A_170 : i32
        %lt3A = arith.constant 40 : i32
        %lt3A_172 = arith.cmpi slt, %add3A_171, %lt3A : i32
        %convert_element_type3A_173 = arith.extui %lt3A_172 : i1 to i32
        %cond3A_174 = arith.constant 0 : i32
        %cond3A_175 = arith.cmpi ne, %convert_element_type3A_173, %cond3A_174 : i32
        scf.if %cond3A_175 {
          %mul3A_203 = arith.constant 2 : i32
          %mul3A_204 = arith.muli %mul3A_203, %scan3A_153 : i32
          %add3A_205 = arith.constant 2 : i32
          %add3A_206 = arith.addi %mul3A_204, %add3A_205 : i32
          %dma_start3A_207 = arith.constant 0 : i32
          %dma_start3A_208 = tpu.memref_slice %arg6[%add3A_206, %dma_start3A_207] : memref<40x128xi32, #tpu.memory_space<vmem>> -> memref<1x128xi32, #tpu.memory_space<vmem>>
          %dma_start3A_209 = tpu.memref_squeeze %dma_start3A_208 : memref<1x128xi32, #tpu.memory_space<vmem>> -> memref<128xi32, #tpu.memory_space<vmem>>
          %dma_start3A_210 = arith.constant 0 : i32
          %dma_start3A_211 = arith.constant 0 : i32
          %dma_start3A_212 = tpu.memref_slice %arg4[%arg0, %dma_start3A_210, %dma_start3A_211] : memref<2x10000x128xf32, #tpu.memory_space<hbm>> -> memref<1x10000x128xf32, #tpu.memory_space<hbm>>
          %dma_start3A_213 = tpu.memref_squeeze %dma_start3A_212 : memref<1x10000x128xf32, #tpu.memory_space<hbm>> -> memref<10000x128xf32, #tpu.memory_space<hbm>>
          %dma_start3A_214 = arith.constant 0 : i32
          %dma_start3A_215 = arith.constant 0 : i32
          %dma_start3A_216 = tpu.memref_slice %dma_start3A_213[%dma_start3A_214, %dma_start3A_215] : memref<10000x128xf32, #tpu.memory_space<hbm>> -> memref<10000x128xf32, #tpu.memory_space<hbm>>
          tpu.enqueue_indirect_dma source(%dma_start3A_216 : memref<10000x128xf32, #tpu.memory_space<hbm>>) target(%arg8 : memref<128x128xf32, #tpu.memory_space<vmem>>) offsets(%dma_start3A_209 : memref<128xi32, #tpu.memory_space<vmem>>) semaphore(%arg12 : memref<!tpu.dma_semaphore, #tpu.memory_space<semaphore_mem>>)
        } else {
        }
        %mul3A_176 = arith.constant 2 : i32
        %mul3A_177 = arith.muli %mul3A_176, %scan3A_153 : i32
        %add3A_178 = arith.constant 1 : i32
        %add3A_179 = arith.addi %mul3A_177, %add3A_178 : i32
        %dma_wait3A_180 = arith.constant 0 : i32
        %dma_wait3A_181 = tpu.memref_slice %arg6[%add3A_179, %dma_wait3A_180] : memref<40x128xi32, #tpu.memory_space<vmem>> -> memref<1x128xi32, #tpu.memory_space<vmem>>
        %dma_wait3A_182 = tpu.memref_squeeze %dma_wait3A_181 : memref<1x128xi32, #tpu.memory_space<vmem>> -> memref<128xi32, #tpu.memory_space<vmem>>
        %dma_wait3A_183 = arith.constant 0 : i32
        %dma_wait3A_184 = arith.constant 0 : i32
        %dma_wait3A_185 = tpu.memref_slice %arg4[%arg0, %dma_wait3A_183, %dma_wait3A_184] : memref<2x10000x128xf32, #tpu.memory_space<hbm>> -> memref<1x10000x128xf32, #tpu.memory_space<hbm>>
        %dma_wait3A_186 = tpu.memref_squeeze %dma_wait3A_185 : memref<1x10000x128xf32, #tpu.memory_space<hbm>> -> memref<10000x128xf32, #tpu.memory_space<hbm>>
        %dma_wait3A_187 = arith.constant 0 : i32
        %dma_wait3A_188 = arith.constant 0 : i32
        %dma_wait3A_189 = tpu.memref_slice %dma_wait3A_186[%dma_wait3A_187, %dma_wait3A_188] : memref<10000x128xf32, #tpu.memory_space<hbm>> -> memref<10000x128xf32, #tpu.memory_space<hbm>>
        tpu.wait_indirect_dma semaphore(%arg13 : memref<!tpu.dma_semaphore, #tpu.memory_space<semaphore_mem>>) src(%dma_wait3A_189 : memref<10000x128xf32, #tpu.memory_space<hbm>>) dst(%arg9 : memref<128x128xf32, #tpu.memory_space<vmem>>)
        %mul3A_190 = arith.constant 2 : i32
        %mul3A_191 = arith.muli %mul3A_190, %scan3A_153 : i32
        %add3A_192 = arith.constant 1 : i32
        %add3A_193 = arith.addi %mul3A_191, %add3A_192 : i32
        "tpu.region"() ({
          %run_scoped3A = tpu.sem_alloc : memref<!tpu.dma_semaphore, #tpu.memory_space<semaphore_mem>>
          %dma_start3A_203 = arith.constant 0 : i32
          %dma_start3A_204 = tpu.memref_slice %arg7[%add3A_193, %dma_start3A_203] : memref<40x128xi32, #tpu.memory_space<vmem>> -> memref<1x128xi32, #tpu.memory_space<vmem>>
          %dma_start3A_205 = tpu.memref_squeeze %dma_start3A_204 : memref<1x128xi32, #tpu.memory_space<vmem>> -> memref<128xi32, #tpu.memory_space<vmem>>
          %dma_start3A_206 = arith.constant 0 : i32
          %dma_start3A_207 = arith.constant 0 : i32
          %dma_start3A_208 = tpu.memref_slice %arg11[%dma_start3A_206, %dma_start3A_207] : memref<10240x128xf32, #tpu.memory_space<vmem_shared>> -> memref<10240x128xf32, #tpu.memory_space<vmem_shared>>
          tpu.enqueue_indirect_dma source(%arg9 : memref<128x128xf32, #tpu.memory_space<vmem>>) target(%dma_start3A_208 : memref<10240x128xf32, #tpu.memory_space<vmem_shared>>) offsets(%dma_start3A_205 : memref<128xi32, #tpu.memory_space<vmem>>) semaphore(%run_scoped3A : memref<!tpu.dma_semaphore, #tpu.memory_space<semaphore_mem>>) {add = true}
          %dma_wait3A_209 = arith.constant 0 : i32
          %dma_wait3A_210 = tpu.memref_slice %arg7[%add3A_193, %dma_wait3A_209] : memref<40x128xi32, #tpu.memory_space<vmem>> -> memref<1x128xi32, #tpu.memory_space<vmem>>
          %dma_wait3A_211 = tpu.memref_squeeze %dma_wait3A_210 : memref<1x128xi32, #tpu.memory_space<vmem>> -> memref<128xi32, #tpu.memory_space<vmem>>
          %dma_wait3A_212 = arith.constant 0 : i32
          %dma_wait3A_213 = arith.constant 0 : i32
          %dma_wait3A_214 = tpu.memref_slice %arg11[%dma_wait3A_212, %dma_wait3A_213] : memref<10240x128xf32, #tpu.memory_space<vmem_shared>> -> memref<10240x128xf32, #tpu.memory_space<vmem_shared>>
          tpu.wait_indirect_dma semaphore(%run_scoped3A : memref<!tpu.dma_semaphore, #tpu.memory_space<semaphore_mem>>) src(%arg9 : memref<128x128xf32, #tpu.memory_space<vmem>>) dst(%dma_wait3A_214 : memref<10240x128xf32, #tpu.memory_space<vmem_shared>>)
          tpu.yield
        }) : () -> ()
        %mul3A_194 = arith.constant 2 : i32
        %mul3A_195 = arith.muli %mul3A_194, %scan3A_153 : i32
        %add3A_196 = arith.constant 3 : i32
        %add3A_197 = arith.addi %mul3A_195, %add3A_196 : i32
        %lt3A_198 = arith.constant 40 : i32
        %lt3A_199 = arith.cmpi slt, %add3A_197, %lt3A_198 : i32
        %convert_element_type3A_200 = arith.extui %lt3A_199 : i1 to i32
        %cond3A_201 = arith.constant 0 : i32
        %cond3A_202 = arith.cmpi ne, %convert_element_type3A_200, %cond3A_201 : i32
        scf.if %cond3A_202 {
          %mul3A_203 = arith.constant 2 : i32
          %mul3A_204 = arith.muli %mul3A_203, %scan3A_153 : i32
          %add3A_205 = arith.constant 3 : i32
          %add3A_206 = arith.addi %mul3A_204, %add3A_205 : i32
          %dma_start3A_207 = arith.constant 0 : i32
          %dma_start3A_208 = tpu.memref_slice %arg6[%add3A_206, %dma_start3A_207] : memref<40x128xi32, #tpu.memory_space<vmem>> -> memref<1x128xi32, #tpu.memory_space<vmem>>
          %dma_start3A_209 = tpu.memref_squeeze %dma_start3A_208 : memref<1x128xi32, #tpu.memory_space<vmem>> -> memref<128xi32, #tpu.memory_space<vmem>>
          %dma_start3A_210 = arith.constant 0 : i32
          %dma_start3A_211 = arith.constant 0 : i32
          %dma_start3A_212 = tpu.memref_slice %arg4[%arg0, %dma_start3A_210, %dma_start3A_211] : memref<2x10000x128xf32, #tpu.memory_space<hbm>> -> memref<1x10000x128xf32, #tpu.memory_space<hbm>>
          %dma_start3A_213 = tpu.memref_squeeze %dma_start3A_212 : memref<1x10000x128xf32, #tpu.memory_space<hbm>> -> memref<10000x128xf32, #tpu.memory_space<hbm>>
          %dma_start3A_214 = arith.constant 0 : i32
          %dma_start3A_215 = arith.constant 0 : i32
          %dma_start3A_216 = tpu.memref_slice %dma_start3A_213[%dma_start3A_214, %dma_start3A_215] : memref<10000x128xf32, #tpu.memory_space<hbm>> -> memref<10000x128xf32, #tpu.memory_space<hbm>>
          tpu.enqueue_indirect_dma source(%dma_start3A_216 : memref<10000x128xf32, #tpu.memory_space<hbm>>) target(%arg9 : memref<128x128xf32, #tpu.memory_space<vmem>>) offsets(%dma_start3A_209 : memref<128xi32, #tpu.memory_space<vmem>>) semaphore(%arg13 : memref<!tpu.dma_semaphore, #tpu.memory_space<semaphore_mem>>)
        } else {
        }
      }
      %scan3A_152 = arith.constant 20 : i32
    }
    %scan3A_46 = arith.constant 2 : i32
    %barrier3A_47 = arith.constant 0 : index
    tpu.barrier barrier_id(%barrier3A_47)
    %mul3A_48 = arith.constant 640 : i32
    %mul3A_49 = arith.muli %arg1, %mul3A_48 : i32
    %dma_start3A_50 = arith.constant 0 : i32
    %dma_start3A_51 = tpu.memref_slice %arg11[%mul3A_49, %dma_start3A_50] : memref<10240x128xf32, #tpu.memory_space<vmem_shared>> -> memref<128x128xf32, #tpu.memory_space<vmem_shared>>
    %dma_start3A_52 = arith.constant 0 : i32
    %dma_start3A_53 = tpu.memref_slice %arg11[%mul3A_49, %dma_start3A_52] : memref<10240x128xf32, #tpu.memory_space<vmem_shared>> -> memref<128x128xf32, #tpu.memory_space<vmem_shared>>
    tpu.enqueue_dma source(%dma_start3A_53 : memref<128x128xf32, #tpu.memory_space<vmem_shared>>) target(%arg8 : memref<128x128xf32, #tpu.memory_space<vmem>>) target_semaphore(%arg12 : memref<!tpu.dma_semaphore, #tpu.memory_space<semaphore_mem>>)
    %mul3A_54 = arith.constant 640 : i32
    %mul3A_55 = arith.muli %arg1, %mul3A_54 : i32
    %add3A = arith.constant 0 : i32
    %add3A_56 = arith.addi %mul3A_55, %add3A : i32
    %dma_wait3A = arith.constant 0 : i32
    %dma_wait3A_57 = tpu.memref_slice %arg11[%add3A_56, %dma_wait3A] : memref<10240x128xf32, #tpu.memory_space<vmem_shared>> -> memref<128x128xf32, #tpu.memory_space<vmem_shared>>
    %dma_wait3A_58 = arith.constant 0 : i32
    %dma_wait3A_59 = tpu.memref_slice %arg11[%add3A_56, %dma_wait3A_58] : memref<10240x128xf32, #tpu.memory_space<vmem_shared>> -> memref<128x128xf32, #tpu.memory_space<vmem_shared>>
    tpu.wait_dma2 semaphore(%arg12 : memref<!tpu.dma_semaphore, #tpu.memory_space<semaphore_mem>>) src(%dma_wait3A_59 : memref<128x128xf32, #tpu.memory_space<vmem_shared>>) dst(%arg8 : memref<128x128xf32, #tpu.memory_space<vmem>>)
    %mul3A_60 = arith.constant 640 : i32
    %mul3A_61 = arith.muli %arg1, %mul3A_60 : i32
    %add3A_62 = arith.constant 128 : i32
    %add3A_63 = arith.addi %mul3A_61, %add3A_62 : i32
    %dma_start3A_64 = arith.constant 0 : i32
    %dma_start3A_65 = tpu.memref_slice %arg11[%add3A_63, %dma_start3A_64] : memref<10240x128xf32, #tpu.memory_space<vmem_shared>> -> memref<128x128xf32, #tpu.memory_space<vmem_shared>>
    %dma_start3A_66 = arith.constant 0 : i32
    %dma_start3A_67 = tpu.memref_slice %arg11[%add3A_63, %dma_start3A_66] : memref<10240x128xf32, #tpu.memory_space<vmem_shared>> -> memref<128x128xf32, #tpu.memory_space<vmem_shared>>
    tpu.enqueue_dma source(%dma_start3A_67 : memref<128x128xf32, #tpu.memory_space<vmem_shared>>) target(%arg9 : memref<128x128xf32, #tpu.memory_space<vmem>>) target_semaphore(%arg13 : memref<!tpu.dma_semaphore, #tpu.memory_space<semaphore_mem>>)
    %mul3A_68 = arith.constant 640 : i32
    %mul3A_69 = arith.muli %arg1, %mul3A_68 : i32
    %add3A_70 = arith.constant 0 : i32
    %add3A_71 = arith.addi %mul3A_69, %add3A_70 : i32
    "tpu.region"() ({
      %run_scoped3A = tpu.sem_alloc : memref<!tpu.dma_semaphore, #tpu.memory_space<semaphore_mem>>
      %dma_start3A_144 = arith.constant 0 : i32
      %dma_start3A_145 = arith.constant 0 : i32
      %dma_start3A_146 = tpu.memref_slice %arg5[%arg0, %dma_start3A_144, %dma_start3A_145] : memref<2x10240x128xf32, #tpu.memory_space<hbm>> -> memref<1x10240x128xf32, #tpu.memory_space<hbm>>
      %dma_start3A_147 = tpu.memref_squeeze %dma_start3A_146 : memref<1x10240x128xf32, #tpu.memory_space<hbm>> -> memref<10240x128xf32, #tpu.memory_space<hbm>>
      %dma_start3A_148 = arith.constant 0 : i32
      %dma_start3A_149 = tpu.memref_slice %dma_start3A_147[%add3A_71, %dma_start3A_148] : memref<10240x128xf32, #tpu.memory_space<hbm>> -> memref<128x128xf32, #tpu.memory_space<hbm>>
      %dma_start3A_150 = arith.constant 0 : i32
      %dma_start3A_151 = arith.constant 0 : i32
      %dma_start3A_152 = tpu.memref_slice %arg5[%arg0, %dma_start3A_150, %dma_start3A_151] : memref<2x10240x128xf32, #tpu.memory_space<hbm>> -> memref<1x10240x128xf32, #tpu.memory_space<hbm>>
      %dma_start3A_153 = tpu.memref_squeeze %dma_start3A_152 : memref<1x10240x128xf32, #tpu.memory_space<hbm>> -> memref<10240x128xf32, #tpu.memory_space<hbm>>
      %dma_start3A_154 = arith.constant 0 : i32
      %dma_start3A_155 = tpu.memref_slice %dma_start3A_153[%add3A_71, %dma_start3A_154] : memref<10240x128xf32, #tpu.memory_space<hbm>> -> memref<128x128xf32, #tpu.memory_space<hbm>>
      tpu.enqueue_dma source(%arg8 : memref<128x128xf32, #tpu.memory_space<vmem>>) target(%dma_start3A_155 : memref<128x128xf32, #tpu.memory_space<hbm>>) target_semaphore(%run_scoped3A : memref<!tpu.dma_semaphore, #tpu.memory_space<semaphore_mem>>)
      %dma_wait3A_156 = arith.constant 0 : i32
      %dma_wait3A_157 = arith.constant 0 : i32
      %dma_wait3A_158 = tpu.memref_slice %arg5[%arg0, %dma_wait3A_156, %dma_wait3A_157] : memref<2x10240x128xf32, #tpu.memory_space<hbm>> -> memref<1x10240x128xf32, #tpu.memory_space<hbm>>
      %dma_wait3A_159 = tpu.memref_squeeze %dma_wait3A_158 : memref<1x10240x128xf32, #tpu.memory_space<hbm>> -> memref<10240x128xf32, #tpu.memory_space<hbm>>
      %dma_wait3A_160 = arith.constant 0 : i32
      %dma_wait3A_161 = tpu.memref_slice %dma_wait3A_159[%add3A_71, %dma_wait3A_160] : memref<10240x128xf32, #tpu.memory_space<hbm>> -> memref<128x128xf32, #tpu.memory_space<hbm>>
      %dma_wait3A_162 = arith.constant 0 : i32
      %dma_wait3A_163 = arith.constant 0 : i32
      %dma_wait3A_164 = tpu.memref_slice %arg5[%arg0, %dma_wait3A_162, %dma_wait3A_163] : memref<2x10240x128xf32, #tpu.memory_space<hbm>> -> memref<1x10240x128xf32, #tpu.memory_space<hbm>>
      %dma_wait3A_165 = tpu.memref_squeeze %dma_wait3A_164 : memref<1x10240x128xf32, #tpu.memory_space<hbm>> -> memref<10240x128xf32, #tpu.memory_space<hbm>>
      %dma_wait3A_166 = arith.constant 0 : i32
      %dma_wait3A_167 = tpu.memref_slice %dma_wait3A_165[%add3A_71, %dma_wait3A_166] : memref<10240x128xf32, #tpu.memory_space<hbm>> -> memref<128x128xf32, #tpu.memory_space<hbm>>
      tpu.wait_dma2 semaphore(%run_scoped3A : memref<!tpu.dma_semaphore, #tpu.memory_space<semaphore_mem>>) src(%arg8 : memref<128x128xf32, #tpu.memory_space<vmem>>) dst(%dma_wait3A_167 : memref<128x128xf32, #tpu.memory_space<hbm>>)
      tpu.yield
    }) : () -> ()
    %mul3A_72 = arith.constant 640 : i32
    %mul3A_73 = arith.muli %arg1, %mul3A_72 : i32
    %add3A_74 = arith.constant 128 : i32
    %add3A_75 = arith.addi %mul3A_73, %add3A_74 : i32
    %dma_wait3A_76 = arith.constant 0 : i32
    %dma_wait3A_77 = tpu.memref_slice %arg11[%add3A_75, %dma_wait3A_76] : memref<10240x128xf32, #tpu.memory_space<vmem_shared>> -> memref<128x128xf32, #tpu.memory_space<vmem_shared>>
    %dma_wait3A_78 = arith.constant 0 : i32
    %dma_wait3A_79 = tpu.memref_slice %arg11[%add3A_75, %dma_wait3A_78] : memref<10240x128xf32, #tpu.memory_space<vmem_shared>> -> memref<128x128xf32, #tpu.memory_space<vmem_shared>>
    tpu.wait_dma2 semaphore(%arg13 : memref<!tpu.dma_semaphore, #tpu.memory_space<semaphore_mem>>) src(%dma_wait3A_79 : memref<128x128xf32, #tpu.memory_space<vmem_shared>>) dst(%arg9 : memref<128x128xf32, #tpu.memory_space<vmem>>)
    %mul3A_80 = arith.constant 640 : i32
    %mul3A_81 = arith.muli %arg1, %mul3A_80 : i32
    %add3A_82 = arith.constant 256 : i32
    %add3A_83 = arith.addi %mul3A_81, %add3A_82 : i32
    %dma_start3A_84 = arith.constant 0 : i32
    %dma_start3A_85 = tpu.memref_slice %arg11[%add3A_83, %dma_start3A_84] : memref<10240x128xf32, #tpu.memory_space<vmem_shared>> -> memref<128x128xf32, #tpu.memory_space<vmem_shared>>
    %dma_start3A_86 = arith.constant 0 : i32
    %dma_start3A_87 = tpu.memref_slice %arg11[%add3A_83, %dma_start3A_86] : memref<10240x128xf32, #tpu.memory_space<vmem_shared>> -> memref<128x128xf32, #tpu.memory_space<vmem_shared>>
    tpu.enqueue_dma source(%dma_start3A_87 : memref<128x128xf32, #tpu.memory_space<vmem_shared>>) target(%arg8 : memref<128x128xf32, #tpu.memory_space<vmem>>) target_semaphore(%arg12 : memref<!tpu.dma_semaphore, #tpu.memory_space<semaphore_mem>>)
    %mul3A_88 = arith.constant 640 : i32
    %mul3A_89 = arith.muli %arg1, %mul3A_88 : i32
    %add3A_90 = arith.constant 128 : i32
    %add3A_91 = arith.addi %mul3A_89, %add3A_90 : i32
    "tpu.region"() ({
      %run_scoped3A = tpu.sem_alloc : memref<!tpu.dma_semaphore, #tpu.memory_space<semaphore_mem>>
      %dma_start3A_144 = arith.constant 0 : i32
      %dma_start3A_145 = arith.constant 0 : i32
      %dma_start3A_146 = tpu.memref_slice %arg5[%arg0, %dma_start3A_144, %dma_start3A_145] : memref<2x10240x128xf32, #tpu.memory_space<hbm>> -> memref<1x10240x128xf32, #tpu.memory_space<hbm>>
      %dma_start3A_147 = tpu.memref_squeeze %dma_start3A_146 : memref<1x10240x128xf32, #tpu.memory_space<hbm>> -> memref<10240x128xf32, #tpu.memory_space<hbm>>
      %dma_start3A_148 = arith.constant 0 : i32
      %dma_start3A_149 = tpu.memref_slice %dma_start3A_147[%add3A_91, %dma_start3A_148] : memref<10240x128xf32, #tpu.memory_space<hbm>> -> memref<128x128xf32, #tpu.memory_space<hbm>>
      %dma_start3A_150 = arith.constant 0 : i32
      %dma_start3A_151 = arith.constant 0 : i32
      %dma_start3A_152 = tpu.memref_slice %arg5[%arg0, %dma_start3A_150, %dma_start3A_151] : memref<2x10240x128xf32, #tpu.memory_space<hbm>> -> memref<1x10240x128xf32, #tpu.memory_space<hbm>>
      %dma_start3A_153 = tpu.memref_squeeze %dma_start3A_152 : memref<1x10240x128xf32, #tpu.memory_space<hbm>> -> memref<10240x128xf32, #tpu.memory_space<hbm>>
      %dma_start3A_154 = arith.constant 0 : i32
      %dma_start3A_155 = tpu.memref_slice %dma_start3A_153[%add3A_91, %dma_start3A_154] : memref<10240x128xf32, #tpu.memory_space<hbm>> -> memref<128x128xf32, #tpu.memory_space<hbm>>
      tpu.enqueue_dma source(%arg9 : memref<128x128xf32, #tpu.memory_space<vmem>>) target(%dma_start3A_155 : memref<128x128xf32, #tpu.memory_space<hbm>>) target_semaphore(%run_scoped3A : memref<!tpu.dma_semaphore, #tpu.memory_space<semaphore_mem>>)
      %dma_wait3A_156 = arith.constant 0 : i32
      %dma_wait3A_157 = arith.constant 0 : i32
      %dma_wait3A_158 = tpu.memref_slice %arg5[%arg0, %dma_wait3A_156, %dma_wait3A_157] : memref<2x10240x128xf32, #tpu.memory_space<hbm>> -> memref<1x10240x128xf32, #tpu.memory_space<hbm>>
      %dma_wait3A_159 = tpu.memref_squeeze %dma_wait3A_158 : memref<1x10240x128xf32, #tpu.memory_space<hbm>> -> memref<10240x128xf32, #tpu.memory_space<hbm>>
      %dma_wait3A_160 = arith.constant 0 : i32
      %dma_wait3A_161 = tpu.memref_slice %dma_wait3A_159[%add3A_91, %dma_wait3A_160] : memref<10240x128xf32, #tpu.memory_space<hbm>> -> memref<128x128xf32, #tpu.memory_space<hbm>>
      %dma_wait3A_162 = arith.constant 0 : i32
      %dma_wait3A_163 = arith.constant 0 : i32
      %dma_wait3A_164 = tpu.memref_slice %arg5[%arg0, %dma_wait3A_162, %dma_wait3A_163] : memref<2x10240x128xf32, #tpu.memory_space<hbm>> -> memref<1x10240x128xf32, #tpu.memory_space<hbm>>
      %dma_wait3A_165 = tpu.memref_squeeze %dma_wait3A_164 : memref<1x10240x128xf32, #tpu.memory_space<hbm>> -> memref<10240x128xf32, #tpu.memory_space<hbm>>
      %dma_wait3A_166 = arith.constant 0 : i32
      %dma_wait3A_167 = tpu.memref_slice %dma_wait3A_165[%add3A_91, %dma_wait3A_166] : memref<10240x128xf32, #tpu.memory_space<hbm>> -> memref<128x128xf32, #tpu.memory_space<hbm>>
      tpu.wait_dma2 semaphore(%run_scoped3A : memref<!tpu.dma_semaphore, #tpu.memory_space<semaphore_mem>>) src(%arg9 : memref<128x128xf32, #tpu.memory_space<vmem>>) dst(%dma_wait3A_167 : memref<128x128xf32, #tpu.memory_space<hbm>>)
      tpu.yield
    }) : () -> ()
    %mul3A_92 = arith.constant 640 : i32
    %mul3A_93 = arith.muli %arg1, %mul3A_92 : i32
    %add3A_94 = arith.constant 256 : i32
    %add3A_95 = arith.addi %mul3A_93, %add3A_94 : i32
    %dma_wait3A_96 = arith.constant 0 : i32
    %dma_wait3A_97 = tpu.memref_slice %arg11[%add3A_95, %dma_wait3A_96] : memref<10240x128xf32, #tpu.memory_space<vmem_shared>> -> memref<128x128xf32, #tpu.memory_space<vmem_shared>>
    %dma_wait3A_98 = arith.constant 0 : i32
    %dma_wait3A_99 = tpu.memref_slice %arg11[%add3A_95, %dma_wait3A_98] : memref<10240x128xf32, #tpu.memory_space<vmem_shared>> -> memref<128x128xf32, #tpu.memory_space<vmem_shared>>
    tpu.wait_dma2 semaphore(%arg12 : memref<!tpu.dma_semaphore, #tpu.memory_space<semaphore_mem>>) src(%dma_wait3A_99 : memref<128x128xf32, #tpu.memory_space<vmem_shared>>) dst(%arg8 : memref<128x128xf32, #tpu.memory_space<vmem>>)
    %mul3A_100 = arith.constant 640 : i32
    %mul3A_101 = arith.muli %arg1, %mul3A_100 : i32
    %add3A_102 = arith.constant 384 : i32
    %add3A_103 = arith.addi %mul3A_101, %add3A_102 : i32
    %dma_start3A_104 = arith.constant 0 : i32
    %dma_start3A_105 = tpu.memref_slice %arg11[%add3A_103, %dma_start3A_104] : memref<10240x128xf32, #tpu.memory_space<vmem_shared>> -> memref<128x128xf32, #tpu.memory_space<vmem_shared>>
    %dma_start3A_106 = arith.constant 0 : i32
    %dma_start3A_107 = tpu.memref_slice %arg11[%add3A_103, %dma_start3A_106] : memref<10240x128xf32, #tpu.memory_space<vmem_shared>> -> memref<128x128xf32, #tpu.memory_space<vmem_shared>>
    tpu.enqueue_dma source(%dma_start3A_107 : memref<128x128xf32, #tpu.memory_space<vmem_shared>>) target(%arg9 : memref<128x128xf32, #tpu.memory_space<vmem>>) target_semaphore(%arg13 : memref<!tpu.dma_semaphore, #tpu.memory_space<semaphore_mem>>)
    %mul3A_108 = arith.constant 640 : i32
    %mul3A_109 = arith.muli %arg1, %mul3A_108 : i32
    %add3A_110 = arith.constant 256 : i32
    %add3A_111 = arith.addi %mul3A_109, %add3A_110 : i32
    "tpu.region"() ({
      %run_scoped3A = tpu.sem_alloc : memref<!tpu.dma_semaphore, #tpu.memory_space<semaphore_mem>>
      %dma_start3A_144 = arith.constant 0 : i32
      %dma_start3A_145 = arith.constant 0 : i32
      %dma_start3A_146 = tpu.memref_slice %arg5[%arg0, %dma_start3A_144, %dma_start3A_145] : memref<2x10240x128xf32, #tpu.memory_space<hbm>> -> memref<1x10240x128xf32, #tpu.memory_space<hbm>>
      %dma_start3A_147 = tpu.memref_squeeze %dma_start3A_146 : memref<1x10240x128xf32, #tpu.memory_space<hbm>> -> memref<10240x128xf32, #tpu.memory_space<hbm>>
      %dma_start3A_148 = arith.constant 0 : i32
      %dma_start3A_149 = tpu.memref_slice %dma_start3A_147[%add3A_111, %dma_start3A_148] : memref<10240x128xf32, #tpu.memory_space<hbm>> -> memref<128x128xf32, #tpu.memory_space<hbm>>
      %dma_start3A_150 = arith.constant 0 : i32
      %dma_start3A_151 = arith.constant 0 : i32
      %dma_start3A_152 = tpu.memref_slice %arg5[%arg0, %dma_start3A_150, %dma_start3A_151] : memref<2x10240x128xf32, #tpu.memory_space<hbm>> -> memref<1x10240x128xf32, #tpu.memory_space<hbm>>
      %dma_start3A_153 = tpu.memref_squeeze %dma_start3A_152 : memref<1x10240x128xf32, #tpu.memory_space<hbm>> -> memref<10240x128xf32, #tpu.memory_space<hbm>>
      %dma_start3A_154 = arith.constant 0 : i32
      %dma_start3A_155 = tpu.memref_slice %dma_start3A_153[%add3A_111, %dma_start3A_154] : memref<10240x128xf32, #tpu.memory_space<hbm>> -> memref<128x128xf32, #tpu.memory_space<hbm>>
      tpu.enqueue_dma source(%arg8 : memref<128x128xf32, #tpu.memory_space<vmem>>) target(%dma_start3A_155 : memref<128x128xf32, #tpu.memory_space<hbm>>) target_semaphore(%run_scoped3A : memref<!tpu.dma_semaphore, #tpu.memory_space<semaphore_mem>>)
      %dma_wait3A_156 = arith.constant 0 : i32
      %dma_wait3A_157 = arith.constant 0 : i32
      %dma_wait3A_158 = tpu.memref_slice %arg5[%arg0, %dma_wait3A_156, %dma_wait3A_157] : memref<2x10240x128xf32, #tpu.memory_space<hbm>> -> memref<1x10240x128xf32, #tpu.memory_space<hbm>>
      %dma_wait3A_159 = tpu.memref_squeeze %dma_wait3A_158 : memref<1x10240x128xf32, #tpu.memory_space<hbm>> -> memref<10240x128xf32, #tpu.memory_space<hbm>>
      %dma_wait3A_160 = arith.constant 0 : i32
      %dma_wait3A_161 = tpu.memref_slice %dma_wait3A_159[%add3A_111, %dma_wait3A_160] : memref<10240x128xf32, #tpu.memory_space<hbm>> -> memref<128x128xf32, #tpu.memory_space<hbm>>
      %dma_wait3A_162 = arith.constant 0 : i32
      %dma_wait3A_163 = arith.constant 0 : i32
      %dma_wait3A_164 = tpu.memref_slice %arg5[%arg0, %dma_wait3A_162, %dma_wait3A_163] : memref<2x10240x128xf32, #tpu.memory_space<hbm>> -> memref<1x10240x128xf32, #tpu.memory_space<hbm>>
      %dma_wait3A_165 = tpu.memref_squeeze %dma_wait3A_164 : memref<1x10240x128xf32, #tpu.memory_space<hbm>> -> memref<10240x128xf32, #tpu.memory_space<hbm>>
      %dma_wait3A_166 = arith.constant 0 : i32
      %dma_wait3A_167 = tpu.memref_slice %dma_wait3A_165[%add3A_111, %dma_wait3A_166] : memref<10240x128xf32, #tpu.memory_space<hbm>> -> memref<128x128xf32, #tpu.memory_space<hbm>>
      tpu.wait_dma2 semaphore(%run_scoped3A : memref<!tpu.dma_semaphore, #tpu.memory_space<semaphore_mem>>) src(%arg8 : memref<128x128xf32, #tpu.memory_space<vmem>>) dst(%dma_wait3A_167 : memref<128x128xf32, #tpu.memory_space<hbm>>)
      tpu.yield
    }) : () -> ()
    %mul3A_112 = arith.constant 640 : i32
    %mul3A_113 = arith.muli %arg1, %mul3A_112 : i32
    %add3A_114 = arith.constant 384 : i32
    %add3A_115 = arith.addi %mul3A_113, %add3A_114 : i32
    %dma_wait3A_116 = arith.constant 0 : i32
    %dma_wait3A_117 = tpu.memref_slice %arg11[%add3A_115, %dma_wait3A_116] : memref<10240x128xf32, #tpu.memory_space<vmem_shared>> -> memref<128x128xf32, #tpu.memory_space<vmem_shared>>
    %dma_wait3A_118 = arith.constant 0 : i32
    %dma_wait3A_119 = tpu.memref_slice %arg11[%add3A_115, %dma_wait3A_118] : memref<10240x128xf32, #tpu.memory_space<vmem_shared>> -> memref<128x128xf32, #tpu.memory_space<vmem_shared>>
    tpu.wait_dma2 semaphore(%arg13 : memref<!tpu.dma_semaphore, #tpu.memory_space<semaphore_mem>>) src(%dma_wait3A_119 : memref<128x128xf32, #tpu.memory_space<vmem_shared>>) dst(%arg9 : memref<128x128xf32, #tpu.memory_space<vmem>>)
    %mul3A_120 = arith.constant 640 : i32
    %mul3A_121 = arith.muli %arg1, %mul3A_120 : i32
    %add3A_122 = arith.constant 512 : i32
    %add3A_123 = arith.addi %mul3A_121, %add3A_122 : i32
    %dma_start3A_124 = arith.constant 0 : i32
    %dma_start3A_125 = tpu.memref_slice %arg11[%add3A_123, %dma_start3A_124] : memref<10240x128xf32, #tpu.memory_space<vmem_shared>> -> memref<128x128xf32, #tpu.memory_space<vmem_shared>>
    %dma_start3A_126 = arith.constant 0 : i32
    %dma_start3A_127 = tpu.memref_slice %arg11[%add3A_123, %dma_start3A_126] : memref<10240x128xf32, #tpu.memory_space<vmem_shared>> -> memref<128x128xf32, #tpu.memory_space<vmem_shared>>
    tpu.enqueue_dma source(%dma_start3A_127 : memref<128x128xf32, #tpu.memory_space<vmem_shared>>) target(%arg8 : memref<128x128xf32, #tpu.memory_space<vmem>>) target_semaphore(%arg12 : memref<!tpu.dma_semaphore, #tpu.memory_space<semaphore_mem>>)
    %mul3A_128 = arith.constant 640 : i32
    %mul3A_129 = arith.muli %arg1, %mul3A_128 : i32
    %add3A_130 = arith.constant 384 : i32
    %add3A_131 = arith.addi %mul3A_129, %add3A_130 : i32
    "tpu.region"() ({
      %run_scoped3A = tpu.sem_alloc : memref<!tpu.dma_semaphore, #tpu.memory_space<semaphore_mem>>
      %dma_start3A_144 = arith.constant 0 : i32
      %dma_start3A_145 = arith.constant 0 : i32
      %dma_start3A_146 = tpu.memref_slice %arg5[%arg0, %dma_start3A_144, %dma_start3A_145] : memref<2x10240x128xf32, #tpu.memory_space<hbm>> -> memref<1x10240x128xf32, #tpu.memory_space<hbm>>
      %dma_start3A_147 = tpu.memref_squeeze %dma_start3A_146 : memref<1x10240x128xf32, #tpu.memory_space<hbm>> -> memref<10240x128xf32, #tpu.memory_space<hbm>>
      %dma_start3A_148 = arith.constant 0 : i32
      %dma_start3A_149 = tpu.memref_slice %dma_start3A_147[%add3A_131, %dma_start3A_148] : memref<10240x128xf32, #tpu.memory_space<hbm>> -> memref<128x128xf32, #tpu.memory_space<hbm>>
      %dma_start3A_150 = arith.constant 0 : i32
      %dma_start3A_151 = arith.constant 0 : i32
      %dma_start3A_152 = tpu.memref_slice %arg5[%arg0, %dma_start3A_150, %dma_start3A_151] : memref<2x10240x128xf32, #tpu.memory_space<hbm>> -> memref<1x10240x128xf32, #tpu.memory_space<hbm>>
      %dma_start3A_153 = tpu.memref_squeeze %dma_start3A_152 : memref<1x10240x128xf32, #tpu.memory_space<hbm>> -> memref<10240x128xf32, #tpu.memory_space<hbm>>
      %dma_start3A_154 = arith.constant 0 : i32
      %dma_start3A_155 = tpu.memref_slice %dma_start3A_153[%add3A_131, %dma_start3A_154] : memref<10240x128xf32, #tpu.memory_space<hbm>> -> memref<128x128xf32, #tpu.memory_space<hbm>>
      tpu.enqueue_dma source(%arg9 : memref<128x128xf32, #tpu.memory_space<vmem>>) target(%dma_start3A_155 : memref<128x128xf32, #tpu.memory_space<hbm>>) target_semaphore(%run_scoped3A : memref<!tpu.dma_semaphore, #tpu.memory_space<semaphore_mem>>)
      %dma_wait3A_156 = arith.constant 0 : i32
      %dma_wait3A_157 = arith.constant 0 : i32
      %dma_wait3A_158 = tpu.memref_slice %arg5[%arg0, %dma_wait3A_156, %dma_wait3A_157] : memref<2x10240x128xf32, #tpu.memory_space<hbm>> -> memref<1x10240x128xf32, #tpu.memory_space<hbm>>
      %dma_wait3A_159 = tpu.memref_squeeze %dma_wait3A_158 : memref<1x10240x128xf32, #tpu.memory_space<hbm>> -> memref<10240x128xf32, #tpu.memory_space<hbm>>
      %dma_wait3A_160 = arith.constant 0 : i32
      %dma_wait3A_161 = tpu.memref_slice %dma_wait3A_159[%add3A_131, %dma_wait3A_160] : memref<10240x128xf32, #tpu.memory_space<hbm>> -> memref<128x128xf32, #tpu.memory_space<hbm>>
      %dma_wait3A_162 = arith.constant 0 : i32
      %dma_wait3A_163 = arith.constant 0 : i32
      %dma_wait3A_164 = tpu.memref_slice %arg5[%arg0, %dma_wait3A_162, %dma_wait3A_163] : memref<2x10240x128xf32, #tpu.memory_space<hbm>> -> memref<1x10240x128xf32, #tpu.memory_space<hbm>>
      %dma_wait3A_165 = tpu.memref_squeeze %dma_wait3A_164 : memref<1x10240x128xf32, #tpu.memory_space<hbm>> -> memref<10240x128xf32, #tpu.memory_space<hbm>>
      %dma_wait3A_166 = arith.constant 0 : i32
      %dma_wait3A_167 = tpu.memref_slice %dma_wait3A_165[%add3A_131, %dma_wait3A_166] : memref<10240x128xf32, #tpu.memory_space<hbm>> -> memref<128x128xf32, #tpu.memory_space<hbm>>
      tpu.wait_dma2 semaphore(%run_scoped3A : memref<!tpu.dma_semaphore, #tpu.memory_space<semaphore_mem>>) src(%arg9 : memref<128x128xf32, #tpu.memory_space<vmem>>) dst(%dma_wait3A_167 : memref<128x128xf32, #tpu.memory_space<hbm>>)
      tpu.yield
    }) : () -> ()
    %mul3A_132 = arith.constant 640 : i32
    %mul3A_133 = arith.muli %arg1, %mul3A_132 : i32
    %add3A_134 = arith.constant 512 : i32
    %add3A_135 = arith.addi %mul3A_133, %add3A_134 : i32
    %dma_wait3A_136 = arith.constant 0 : i32
    %dma_wait3A_137 = tpu.memref_slice %arg11[%add3A_135, %dma_wait3A_136] : memref<10240x128xf32, #tpu.memory_space<vmem_shared>> -> memref<128x128xf32, #tpu.memory_space<vmem_shared>>
    %dma_wait3A_138 = arith.constant 0 : i32
    %dma_wait3A_139 = tpu.memref_slice %arg11[%add3A_135, %dma_wait3A_138] : memref<10240x128xf32, #tpu.memory_space<vmem_shared>> -> memref<128x128xf32, #tpu.memory_space<vmem_shared>>
    tpu.wait_dma2 semaphore(%arg12 : memref<!tpu.dma_semaphore, #tpu.memory_space<semaphore_mem>>) src(%dma_wait3A_139 : memref<128x128xf32, #tpu.memory_space<vmem_shared>>) dst(%arg8 : memref<128x128xf32, #tpu.memory_space<vmem>>)
    %mul3A_140 = arith.constant 640 : i32
    %mul3A_141 = arith.muli %arg1, %mul3A_140 : i32
    %add3A_142 = arith.constant 512 : i32
    %add3A_143 = arith.addi %mul3A_141, %add3A_142 : i32
    "tpu.region"() ({
      %run_scoped3A = tpu.sem_alloc : memref<!tpu.dma_semaphore, #tpu.memory_space<semaphore_mem>>
      %dma_start3A_144 = arith.constant 0 : i32
      %dma_start3A_145 = arith.constant 0 : i32
      %dma_start3A_146 = tpu.memref_slice %arg5[%arg0, %dma_start3A_144, %dma_start3A_145] : memref<2x10240x128xf32, #tpu.memory_space<hbm>> -> memref<1x10240x128xf32, #tpu.memory_space<hbm>>
      %dma_start3A_147 = tpu.memref_squeeze %dma_start3A_146 : memref<1x10240x128xf32, #tpu.memory_space<hbm>> -> memref<10240x128xf32, #tpu.memory_space<hbm>>
      %dma_start3A_148 = arith.constant 0 : i32
      %dma_start3A_149 = tpu.memref_slice %dma_start3A_147[%add3A_143, %dma_start3A_148] : memref<10240x128xf32, #tpu.memory_space<hbm>> -> memref<128x128xf32, #tpu.memory_space<hbm>>
      %dma_start3A_150 = arith.constant 0 : i32
      %dma_start3A_151 = arith.constant 0 : i32
      %dma_start3A_152 = tpu.memref_slice %arg5[%arg0, %dma_start3A_150, %dma_start3A_151] : memref<2x10240x128xf32, #tpu.memory_space<hbm>> -> memref<1x10240x128xf32, #tpu.memory_space<hbm>>
      %dma_start3A_153 = tpu.memref_squeeze %dma_start3A_152 : memref<1x10240x128xf32, #tpu.memory_space<hbm>> -> memref<10240x128xf32, #tpu.memory_space<hbm>>
      %dma_start3A_154 = arith.constant 0 : i32
      %dma_start3A_155 = tpu.memref_slice %dma_start3A_153[%add3A_143, %dma_start3A_154] : memref<10240x128xf32, #tpu.memory_space<hbm>> -> memref<128x128xf32, #tpu.memory_space<hbm>>
      tpu.enqueue_dma source(%arg8 : memref<128x128xf32, #tpu.memory_space<vmem>>) target(%dma_start3A_155 : memref<128x128xf32, #tpu.memory_space<hbm>>) target_semaphore(%run_scoped3A : memref<!tpu.dma_semaphore, #tpu.memory_space<semaphore_mem>>)
      %dma_wait3A_156 = arith.constant 0 : i32
      %dma_wait3A_157 = arith.constant 0 : i32
      %dma_wait3A_158 = tpu.memref_slice %arg5[%arg0, %dma_wait3A_156, %dma_wait3A_157] : memref<2x10240x128xf32, #tpu.memory_space<hbm>> -> memref<1x10240x128xf32, #tpu.memory_space<hbm>>
      %dma_wait3A_159 = tpu.memref_squeeze %dma_wait3A_158 : memref<1x10240x128xf32, #tpu.memory_space<hbm>> -> memref<10240x128xf32, #tpu.memory_space<hbm>>
      %dma_wait3A_160 = arith.constant 0 : i32
      %dma_wait3A_161 = tpu.memref_slice %dma_wait3A_159[%add3A_143, %dma_wait3A_160] : memref<10240x128xf32, #tpu.memory_space<hbm>> -> memref<128x128xf32, #tpu.memory_space<hbm>>
      %dma_wait3A_162 = arith.constant 0 : i32
      %dma_wait3A_163 = arith.constant 0 : i32
      %dma_wait3A_164 = tpu.memref_slice %arg5[%arg0, %dma_wait3A_162, %dma_wait3A_163] : memref<2x10240x128xf32, #tpu.memory_space<hbm>> -> memref<1x10240x128xf32, #tpu.memory_space<hbm>>
      %dma_wait3A_165 = tpu.memref_squeeze %dma_wait3A_164 : memref<1x10240x128xf32, #tpu.memory_space<hbm>> -> memref<10240x128xf32, #tpu.memory_space<hbm>>
      %dma_wait3A_166 = arith.constant 0 : i32
      %dma_wait3A_167 = tpu.memref_slice %dma_wait3A_165[%add3A_143, %dma_wait3A_166] : memref<10240x128xf32, #tpu.memory_space<hbm>> -> memref<128x128xf32, #tpu.memory_space<hbm>>
      tpu.wait_dma2 semaphore(%run_scoped3A : memref<!tpu.dma_semaphore, #tpu.memory_space<semaphore_mem>>) src(%arg8 : memref<128x128xf32, #tpu.memory_space<vmem>>) dst(%dma_wait3A_167 : memref<128x128xf32, #tpu.memory_space<hbm>>)
      tpu.yield
    }) : () -> ()
    return
  }
}

#map = affine_map<(d0, d1) -> (0, 0)>
#map1 = affine_map<(d0, d1) -> (0, 0, 0)>
module attributes {stable_mosaic.version = 14 : i64} {
  func.func @_prop_body(%arg0: i32, %arg1: i32, %arg2: memref<1280x128xi32, #tpu.memory_space<hbm>>, %arg3: memref<1280x128xi32, #tpu.memory_space<hbm>>, %arg4: memref<2x10000x128xf32, #tpu.memory_space<hbm>>, %arg5: memref<2x10240x128xf32, #tpu.memory_space<hbm>>, %arg6: memref<40x128xi32, #tpu.memory_space<vmem>>, %arg7: memref<40x128xi32, #tpu.memory_space<vmem>>, %arg8: memref<128x128xf32, #tpu.memory_space<vmem>>, %arg9: memref<128x128xf32, #tpu.memory_space<vmem>>, %arg10: memref<32x128xf32, #tpu.memory_space<vmem>>, %arg11: memref<10240x128xf32, #tpu.memory_space<vmem_shared>>, %arg12: memref<!tpu.dma_semaphore, #tpu.memory_space<semaphore_mem>>, %arg13: memref<!tpu.dma_semaphore, #tpu.memory_space<semaphore_mem>>, %arg14: memref<!tpu.dma_semaphore, #tpu.memory_space<semaphore_mem>>) attributes {dimension_semantics = [#tpu.dimension_semantics<core_parallel>, #tpu.dimension_semantics<subcore_parallel>], iteration_bounds = array<i64: 2, 16>, scalar_prefetch = 0 : i64, scratch_operands = 9 : i64, tpu.core_type = #tpu.core_type<sc_vector_subcore>, window_params = [{transform_indices = #map}, {transform_indices = #map}, {transform_indices = #map1}, {transform_indices = #map1}]} {
    %mul3A = arith.constant 80 : i32
    %mul3A_0 = arith.muli %arg1, %mul3A : i32
    "tpu.region"() ({
      %run_scoped3A = tpu.sem_alloc : memref<!tpu.dma_semaphore, #tpu.memory_space<semaphore_mem>>
      %dma_start3A_144 = arith.constant 0 : i32
      %dma_start3A_145 = tpu.memref_slice %arg2[%mul3A_0, %dma_start3A_144] : memref<1280x128xi32, #tpu.memory_space<hbm>> -> memref<40x128xi32, #tpu.memory_space<hbm>>
      %dma_start3A_146 = arith.constant 0 : i32
      %dma_start3A_147 = tpu.memref_slice %arg2[%mul3A_0, %dma_start3A_146] : memref<1280x128xi32, #tpu.memory_space<hbm>> -> memref<40x128xi32, #tpu.memory_space<hbm>>
      tpu.enqueue_dma source(%dma_start3A_147 : memref<40x128xi32, #tpu.memory_space<hbm>>) target(%arg6 : memref<40x128xi32, #tpu.memory_space<vmem>>) target_semaphore(%run_scoped3A : memref<!tpu.dma_semaphore, #tpu.memory_space<semaphore_mem>>)
      %dma_wait3A_148 = arith.constant 0 : i32
      %dma_wait3A_149 = tpu.memref_slice %arg2[%mul3A_0, %dma_wait3A_148] : memref<1280x128xi32, #tpu.memory_space<hbm>> -> memref<40x128xi32, #tpu.memory_space<hbm>>
      %dma_wait3A_150 = arith.constant 0 : i32
      %dma_wait3A_151 = tpu.memref_slice %arg2[%mul3A_0, %dma_wait3A_150] : memref<1280x128xi32, #tpu.memory_space<hbm>> -> memref<40x128xi32, #tpu.memory_space<hbm>>
      tpu.wait_dma2 semaphore(%run_scoped3A : memref<!tpu.dma_semaphore, #tpu.memory_space<semaphore_mem>>) src(%dma_wait3A_151 : memref<40x128xi32, #tpu.memory_space<hbm>>) dst(%arg6 : memref<40x128xi32, #tpu.memory_space<vmem>>)
      tpu.yield
    }) : () -> ()
    %mul3A_1 = arith.constant 80 : i32
    %mul3A_2 = arith.muli %arg1, %mul3A_1 : i32
    "tpu.region"() ({
      %run_scoped3A = tpu.sem_alloc : memref<!tpu.dma_semaphore, #tpu.memory_space<semaphore_mem>>
      %dma_start3A_144 = arith.constant 0 : i32
      %dma_start3A_145 = tpu.memref_slice %arg3[%mul3A_2, %dma_start3A_144] : memref<1280x128xi32, #tpu.memory_space<hbm>> -> memref<40x128xi32, #tpu.memory_space<hbm>>
      %dma_start3A_146 = arith.constant 0 : i32
      %dma_start3A_147 = tpu.memref_slice %arg3[%mul3A_2, %dma_start3A_146] : memref<1280x128xi32, #tpu.memory_space<hbm>> -> memref<40x128xi32, #tpu.memory_space<hbm>>
      tpu.enqueue_dma source(%dma_start3A_147 : memref<40x128xi32, #tpu.memory_space<hbm>>) target(%arg7 : memref<40x128xi32, #tpu.memory_space<vmem>>) target_semaphore(%run_scoped3A : memref<!tpu.dma_semaphore, #tpu.memory_space<semaphore_mem>>)
      %dma_wait3A_148 = arith.constant 0 : i32
      %dma_wait3A_149 = tpu.memref_slice %arg3[%mul3A_2, %dma_wait3A_148] : memref<1280x128xi32, #tpu.memory_space<hbm>> -> memref<40x128xi32, #tpu.memory_space<hbm>>
      %dma_wait3A_150 = arith.constant 0 : i32
      %dma_wait3A_151 = tpu.memref_slice %arg3[%mul3A_2, %dma_wait3A_150] : memref<1280x128xi32, #tpu.memory_space<hbm>> -> memref<40x128xi32, #tpu.memory_space<hbm>>
      tpu.wait_dma2 semaphore(%run_scoped3A : memref<!tpu.dma_semaphore, #tpu.memory_space<semaphore_mem>>) src(%dma_wait3A_151 : memref<40x128xi32, #tpu.memory_space<hbm>>) dst(%arg7 : memref<40x128xi32, #tpu.memory_space<vmem>>)
      tpu.yield
    }) : () -> ()
    %dma_start3A = arith.constant 0 : i32
    %dma_start3A_3 = arith.constant 0 : i32
    %dma_start3A_4 = tpu.memref_slice %arg6[%dma_start3A, %dma_start3A_3] : memref<40x128xi32, #tpu.memory_space<vmem>> -> memref<1x128xi32, #tpu.memory_space<vmem>>
    %dma_start3A_5 = tpu.memref_squeeze %dma_start3A_4 : memref<1x128xi32, #tpu.memory_space<vmem>> -> memref<128xi32, #tpu.memory_space<vmem>>
    %dma_start3A_6 = arith.constant 0 : i32
    %dma_start3A_7 = arith.constant 0 : i32
    %dma_start3A_8 = tpu.memref_slice %arg4[%arg0, %dma_start3A_6, %dma_start3A_7] : memref<2x10000x128xf32, #tpu.memory_space<hbm>> -> memref<1x10000x128xf32, #tpu.memory_space<hbm>>
    %dma_start3A_9 = tpu.memref_squeeze %dma_start3A_8 : memref<1x10000x128xf32, #tpu.memory_space<hbm>> -> memref<10000x128xf32, #tpu.memory_space<hbm>>
    %dma_start3A_10 = arith.constant 0 : i32
    %dma_start3A_11 = arith.constant 0 : i32
    %dma_start3A_12 = tpu.memref_slice %dma_start3A_9[%dma_start3A_10, %dma_start3A_11] : memref<10000x128xf32, #tpu.memory_space<hbm>> -> memref<10000x128xf32, #tpu.memory_space<hbm>>
    tpu.enqueue_indirect_dma source(%dma_start3A_12 : memref<10000x128xf32, #tpu.memory_space<hbm>>) target(%arg8 : memref<128x128xf32, #tpu.memory_space<vmem>>) offsets(%dma_start3A_5 : memref<128xi32, #tpu.memory_space<vmem>>) semaphore(%arg12 : memref<!tpu.dma_semaphore, #tpu.memory_space<semaphore_mem>>)
    %dma_start3A_13 = arith.constant 1 : i32
    %dma_start3A_14 = arith.constant 0 : i32
    %dma_start3A_15 = tpu.memref_slice %arg6[%dma_start3A_13, %dma_start3A_14] : memref<40x128xi32, #tpu.memory_space<vmem>> -> memref<1x128xi32, #tpu.memory_space<vmem>>
    %dma_start3A_16 = tpu.memref_squeeze %dma_start3A_15 : memref<1x128xi32, #tpu.memory_space<vmem>> -> memref<128xi32, #tpu.memory_space<vmem>>
    %dma_start3A_17 = arith.constant 0 : i32
    %dma_start3A_18 = arith.constant 0 : i32
    %dma_start3A_19 = tpu.memref_slice %arg4[%arg0, %dma_start3A_17, %dma_start3A_18] : memref<2x10000x128xf32, #tpu.memory_space<hbm>> -> memref<1x10000x128xf32, #tpu.memory_space<hbm>>
    %dma_start3A_20 = tpu.memref_squeeze %dma_start3A_19 : memref<1x10000x128xf32, #tpu.memory_space<hbm>> -> memref<10000x128xf32, #tpu.memory_space<hbm>>
    %dma_start3A_21 = arith.constant 0 : i32
    %dma_start3A_22 = arith.constant 0 : i32
    %dma_start3A_23 = tpu.memref_slice %dma_start3A_20[%dma_start3A_21, %dma_start3A_22] : memref<10000x128xf32, #tpu.memory_space<hbm>> -> memref<10000x128xf32, #tpu.memory_space<hbm>>
    tpu.enqueue_indirect_dma source(%dma_start3A_23 : memref<10000x128xf32, #tpu.memory_space<hbm>>) target(%arg9 : memref<128x128xf32, #tpu.memory_space<vmem>>) offsets(%dma_start3A_16 : memref<128xi32, #tpu.memory_space<vmem>>) semaphore(%arg13 : memref<!tpu.dma_semaphore, #tpu.memory_space<semaphore_mem>>)
    %scan3A = arith.constant 0 : i32
    %scan3A_24 = arith.constant 0 : i32
    %scan3A_25 = arith.constant 256 : i32
    %scan3A_26 = arith.addi %scan3A_24, %scan3A_25 : i32
    %scan3A_27 = arith.constant 1 : i32
    scf.for %scan3A_144 = %scan3A_24 to %scan3A_26 step %scan3A_27  : i32 {
      %broadcast_in_dim3A = arith.constant 0.000000e+00 : f32
      %broadcast_in_dim3A_145 = vector.broadcast %broadcast_in_dim3A : f32 to vector<16xf32>
      %jit3A = arith.constant 8 : i32
      %div3A = arith.divsi %scan3A_144, %jit3A : i32
      %sign3A = arith.constant 0 : i32
      %sign3A_146 = arith.cmpi sgt, %scan3A_144, %sign3A : i32
      %sign3A_147 = arith.extui %sign3A_146 : i1 to i32
      %sign3A_148 = arith.constant 0 : i32
      %sign3A_149 = arith.cmpi slt, %scan3A_144, %sign3A_148 : i32
      %sign3A_150 = arith.extui %sign3A_149 : i1 to i32
      %sign3A_151 = arith.subi %sign3A_147, %sign3A_150 : i32
      %sign3A_152 = arith.constant 0 : i32
      %sign3A_153 = arith.cmpi sgt, %jit3A, %sign3A_152 : i32
      %sign3A_154 = arith.extui %sign3A_153 : i1 to i32
      %sign3A_155 = arith.constant 0 : i32
      %sign3A_156 = arith.cmpi slt, %jit3A, %sign3A_155 : i32
      %sign3A_157 = arith.extui %sign3A_156 : i1 to i32
      %sign3A_158 = arith.subi %sign3A_154, %sign3A_157 : i32
      %ne3A = arith.cmpi ne, %sign3A_151, %sign3A_158 : i32
      %rem3A = arith.remsi %scan3A_144, %jit3A : i32
      %ne3A_159 = arith.constant 0 : i32
      %ne3A_160 = arith.cmpi ne, %rem3A, %ne3A_159 : i32
      %and3A = arith.andi %ne3A, %ne3A_160 : i1
      %sub3A = arith.constant 1 : i32
      %sub3A_161 = arith.subi %div3A, %sub3A : i32
      %select_n3A = arith.select %and3A, %sub3A_161, %div3A : i32
      %jit3A_162 = arith.constant 8 : i32
      %eq3A = arith.constant 0 : i32
      %eq3A_163 = arith.cmpi eq, %jit3A_162, %eq3A : i32
      %jit3A_164 = arith.constant 1 : i32
      %select_n3A_165 = arith.select %eq3A_163, %jit3A_164, %jit3A_162 : i32
      %rem3A_166 = arith.remsi %scan3A_144, %select_n3A_165 : i32
      %ne3A_167 = arith.constant 0 : i32
      %ne3A_168 = arith.cmpi ne, %rem3A_166, %ne3A_167 : i32
      %lt3A = arith.constant 0 : i32
      %lt3A_169 = arith.cmpi slt, %rem3A_166, %lt3A : i32
      %lt3A_170 = arith.constant 0 : i32
      %lt3A_171 = arith.cmpi slt, %select_n3A_165, %lt3A_170 : i32
      %ne3A_172 = arith.xori %lt3A_169, %lt3A_171 : i1
      %and3A_173 = arith.andi %ne3A_172, %ne3A_168 : i1
      %add3A_174 = arith.addi %rem3A_166, %select_n3A_165 : i32
      %select_n3A_175 = arith.select %and3A_173, %add3A_174, %rem3A_166 : i32
      %mul3A_176 = arith.constant 16 : i32
      %mul3A_177 = arith.muli %select_n3A_175, %mul3A_176 : i32
      %swap3A = arith.index_cast %select_n3A : i32 to index
      %swap3A_178 = arith.index_cast %mul3A_177 : i32 to index
      %swap3A_179 = tpu.vector_load %arg10[%swap3A, %swap3A_178] {strides = array<i32>} : memref<32x128xf32, #tpu.memory_space<vmem>>, vector<1x16xf32>,
      %swap3A_180 = vector.shape_cast %swap3A_179 : vector<1x16xf32> to vector<16xf32>
      %swap3A_181 = vector.shape_cast %broadcast_in_dim3A_145 : vector<16xf32> to vector<1x16xf32>
      tpu.vector_store %arg10[%swap3A, %swap3A_178], %swap3A_181 {strides = array<i32>} : memref<32x128xf32, #tpu.memory_space<vmem>>, vector<1x16xf32>,
    }
    %scan3A_28 = arith.constant 256 : i32
    %scan3A_29 = arith.constant 0 : i32
    %scan3A_30 = arith.constant 0 : i32
    %scan3A_31 = arith.constant 20 : i32
    %scan3A_32 = arith.addi %scan3A_30, %scan3A_31 : i32
    %scan3A_33 = arith.constant 1 : i32
    scf.for %scan3A_144 = %scan3A_30 to %scan3A_32 step %scan3A_33  : i32 {
      %mul3A_145 = arith.constant 640 : i32
      %mul3A_146 = arith.muli %arg1, %mul3A_145 : i32
      %mul3A_147 = arith.constant 32 : i32
      %mul3A_148 = arith.muli %scan3A_144, %mul3A_147 : i32
      %add3A_149 = arith.addi %mul3A_146, %mul3A_148 : i32
      %dma_start3A_150 = arith.constant 0 : i32
      %dma_start3A_151 = tpu.memref_slice %arg11[%add3A_149, %dma_start3A_150] : memref<10240x128xf32, #tpu.memory_space<vmem_shared>> -> memref<32x128xf32, #tpu.memory_space<vmem_shared>>
      %dma_start3A_152 = arith.constant 0 : i32
      %dma_start3A_153 = tpu.memref_slice %arg11[%add3A_149, %dma_start3A_152] : memref<10240x128xf32, #tpu.memory_space<vmem_shared>> -> memref<32x128xf32, #tpu.memory_space<vmem_shared>>
      tpu.enqueue_dma source(%arg10 : memref<32x128xf32, #tpu.memory_space<vmem>>) target(%dma_start3A_153 : memref<32x128xf32, #tpu.memory_space<vmem_shared>>) target_semaphore(%arg14 : memref<!tpu.dma_semaphore, #tpu.memory_space<semaphore_mem>>)
    }
    %scan3A_34 = arith.constant 20 : i32
    %scan3A_35 = arith.constant 0 : i32
    %scan3A_36 = arith.constant 0 : i32
    %scan3A_37 = arith.constant 20 : i32
    %scan3A_38 = arith.addi %scan3A_36, %scan3A_37 : i32
    %scan3A_39 = arith.constant 1 : i32
    scf.for %scan3A_144 = %scan3A_36 to %scan3A_38 step %scan3A_39  : i32 {
      %mul3A_145 = arith.constant 640 : i32
      %mul3A_146 = arith.muli %arg1, %mul3A_145 : i32
      %mul3A_147 = arith.constant 32 : i32
      %mul3A_148 = arith.muli %scan3A_144, %mul3A_147 : i32
      %add3A_149 = arith.addi %mul3A_146, %mul3A_148 : i32
      %dma_wait3A_150 = arith.constant 0 : i32
      %dma_wait3A_151 = tpu.memref_slice %arg11[%add3A_149, %dma_wait3A_150] : memref<10240x128xf32, #tpu.memory_space<vmem_shared>> -> memref<32x128xf32, #tpu.memory_space<vmem_shared>>
      %dma_wait3A_152 = arith.constant 0 : i32
      %dma_wait3A_153 = tpu.memref_slice %arg11[%add3A_149, %dma_wait3A_152] : memref<10240x128xf32, #tpu.memory_space<vmem_shared>> -> memref<32x128xf32, #tpu.memory_space<vmem_shared>>
      tpu.wait_dma2 semaphore(%arg14 : memref<!tpu.dma_semaphore, #tpu.memory_space<semaphore_mem>>) src(%arg10 : memref<32x128xf32, #tpu.memory_space<vmem>>) dst(%dma_wait3A_153 : memref<32x128xf32, #tpu.memory_space<vmem_shared>>)
    }
    %scan3A_40 = arith.constant 20 : i32
    %barrier3A = arith.constant 0 : index
    tpu.barrier barrier_id(%barrier3A)
    %scan3A_41 = arith.constant 0 : i32
    %scan3A_42 = arith.constant 0 : i32
    %scan3A_43 = arith.constant 2 : i32
    %scan3A_44 = arith.addi %scan3A_42, %scan3A_43 : i32
    %scan3A_45 = arith.constant 1 : i32
    scf.for %scan3A_144 = %scan3A_42 to %scan3A_44 step %scan3A_45  : i32 {
      %gt3A = arith.constant 0 : i32
      %gt3A_145 = arith.cmpi sgt, %scan3A_144, %gt3A : i32
      %convert_element_type3A = arith.extui %gt3A_145 : i1 to i32
      %cond3A = arith.constant 0 : i32
      %cond3A_146 = arith.cmpi ne, %convert_element_type3A, %cond3A : i32
      scf.if %cond3A_146 {
        %mul3A_153 = arith.constant 80 : i32
        %mul3A_154 = arith.muli %arg1, %mul3A_153 : i32
        %mul3A_155 = arith.constant 40 : i32
        %mul3A_156 = arith.muli %scan3A_144, %mul3A_155 : i32
        %add3A_157 = arith.addi %mul3A_154, %mul3A_156 : i32
        "tpu.region"() ({
          %run_scoped3A = tpu.sem_alloc : memref<!tpu.dma_semaphore, #tpu.memory_space<semaphore_mem>>
          %dma_start3A_185 = arith.constant 0 : i32
          %dma_start3A_186 = tpu.memref_slice %arg2[%add3A_157, %dma_start3A_185] : memref<1280x128xi32, #tpu.memory_space<hbm>> -> memref<40x128xi32, #tpu.memory_space<hbm>>
          %dma_start3A_187 = arith.constant 0 : i32
          %dma_start3A_188 = tpu.memref_slice %arg2[%add3A_157, %dma_start3A_187] : memref<1280x128xi32, #tpu.memory_space<hbm>> -> memref<40x128xi32, #tpu.memory_space<hbm>>
          tpu.enqueue_dma source(%dma_start3A_188 : memref<40x128xi32, #tpu.memory_space<hbm>>) target(%arg6 : memref<40x128xi32, #tpu.memory_space<vmem>>) target_semaphore(%run_scoped3A : memref<!tpu.dma_semaphore, #tpu.memory_space<semaphore_mem>>)
          %dma_wait3A_189 = arith.constant 0 : i32
          %dma_wait3A_190 = tpu.memref_slice %arg2[%add3A_157, %dma_wait3A_189] : memref<1280x128xi32, #tpu.memory_space<hbm>> -> memref<40x128xi32, #tpu.memory_space<hbm>>
          %dma_wait3A_191 = arith.constant 0 : i32
          %dma_wait3A_192 = tpu.memref_slice %arg2[%add3A_157, %dma_wait3A_191] : memref<1280x128xi32, #tpu.memory_space<hbm>> -> memref<40x128xi32, #tpu.memory_space<hbm>>
          tpu.wait_dma2 semaphore(%run_scoped3A : memref<!tpu.dma_semaphore, #tpu.memory_space<semaphore_mem>>) src(%dma_wait3A_192 : memref<40x128xi32, #tpu.memory_space<hbm>>) dst(%arg6 : memref<40x128xi32, #tpu.memory_space<vmem>>)
          tpu.yield
        }) : () -> ()
        %mul3A_158 = arith.constant 80 : i32
        %mul3A_159 = arith.muli %arg1, %mul3A_158 : i32
        %mul3A_160 = arith.constant 40 : i32
        %mul3A_161 = arith.muli %scan3A_144, %mul3A_160 : i32
        %add3A_162 = arith.addi %mul3A_159, %mul3A_161 : i32
        "tpu.region"() ({
          %run_scoped3A = tpu.sem_alloc : memref<!tpu.dma_semaphore, #tpu.memory_space<semaphore_mem>>
          %dma_start3A_185 = arith.constant 0 : i32
          %dma_start3A_186 = tpu.memref_slice %arg3[%add3A_162, %dma_start3A_185] : memref<1280x128xi32, #tpu.memory_space<hbm>> -> memref<40x128xi32, #tpu.memory_space<hbm>>
          %dma_start3A_187 = arith.constant 0 : i32
          %dma_start3A_188 = tpu.memref_slice %arg3[%add3A_162, %dma_start3A_187] : memref<1280x128xi32, #tpu.memory_space<hbm>> -> memref<40x128xi32, #tpu.memory_space<hbm>>
          tpu.enqueue_dma source(%dma_start3A_188 : memref<40x128xi32, #tpu.memory_space<hbm>>) target(%arg7 : memref<40x128xi32, #tpu.memory_space<vmem>>) target_semaphore(%run_scoped3A : memref<!tpu.dma_semaphore, #tpu.memory_space<semaphore_mem>>)
          %dma_wait3A_189 = arith.constant 0 : i32
          %dma_wait3A_190 = tpu.memref_slice %arg3[%add3A_162, %dma_wait3A_189] : memref<1280x128xi32, #tpu.memory_space<hbm>> -> memref<40x128xi32, #tpu.memory_space<hbm>>
          %dma_wait3A_191 = arith.constant 0 : i32
          %dma_wait3A_192 = tpu.memref_slice %arg3[%add3A_162, %dma_wait3A_191] : memref<1280x128xi32, #tpu.memory_space<hbm>> -> memref<40x128xi32, #tpu.memory_space<hbm>>
          tpu.wait_dma2 semaphore(%run_scoped3A : memref<!tpu.dma_semaphore, #tpu.memory_space<semaphore_mem>>) src(%dma_wait3A_192 : memref<40x128xi32, #tpu.memory_space<hbm>>) dst(%arg7 : memref<40x128xi32, #tpu.memory_space<vmem>>)
          tpu.yield
        }) : () -> ()
        %dma_start3A_163 = arith.constant 0 : i32
        %dma_start3A_164 = arith.constant 0 : i32
        %dma_start3A_165 = tpu.memref_slice %arg6[%dma_start3A_163, %dma_start3A_164] : memref<40x128xi32, #tpu.memory_space<vmem>> -> memref<1x128xi32, #tpu.memory_space<vmem>>
        %dma_start3A_166 = tpu.memref_squeeze %dma_start3A_165 : memref<1x128xi32, #tpu.memory_space<vmem>> -> memref<128xi32, #tpu.memory_space<vmem>>
        %dma_start3A_167 = arith.constant 0 : i32
        %dma_start3A_168 = arith.constant 0 : i32
        %dma_start3A_169 = tpu.memref_slice %arg4[%arg0, %dma_start3A_167, %dma_start3A_168] : memref<2x10000x128xf32, #tpu.memory_space<hbm>> -> memref<1x10000x128xf32, #tpu.memory_space<hbm>>
        %dma_start3A_170 = tpu.memref_squeeze %dma_start3A_169 : memref<1x10000x128xf32, #tpu.memory_space<hbm>> -> memref<10000x128xf32, #tpu.memory_space<hbm>>
        %dma_start3A_171 = arith.constant 0 : i32
        %dma_start3A_172 = arith.constant 0 : i32
        %dma_start3A_173 = tpu.memref_slice %dma_start3A_170[%dma_start3A_171, %dma_start3A_172] : memref<10000x128xf32, #tpu.memory_space<hbm>> -> memref<10000x128xf32, #tpu.memory_space<hbm>>
        tpu.enqueue_indirect_dma source(%dma_start3A_173 : memref<10000x128xf32, #tpu.memory_space<hbm>>) target(%arg8 : memref<128x128xf32, #tpu.memory_space<vmem>>) offsets(%dma_start3A_166 : memref<128xi32, #tpu.memory_space<vmem>>) semaphore(%arg12 : memref<!tpu.dma_semaphore, #tpu.memory_space<semaphore_mem>>)
        %dma_start3A_174 = arith.constant 1 : i32
        %dma_start3A_175 = arith.constant 0 : i32
        %dma_start3A_176 = tpu.memref_slice %arg6[%dma_start3A_174, %dma_start3A_175] : memref<40x128xi32, #tpu.memory_space<vmem>> -> memref<1x128xi32, #tpu.memory_space<vmem>>
        %dma_start3A_177 = tpu.memref_squeeze %dma_start3A_176 : memref<1x128xi32, #tpu.memory_space<vmem>> -> memref<128xi32, #tpu.memory_space<vmem>>
        %dma_start3A_178 = arith.constant 0 : i32
        %dma_start3A_179 = arith.constant 0 : i32
        %dma_start3A_180 = tpu.memref_slice %arg4[%arg0, %dma_start3A_178, %dma_start3A_179] : memref<2x10000x128xf32, #tpu.memory_space<hbm>> -> memref<1x10000x128xf32, #tpu.memory_space<hbm>>
        %dma_start3A_181 = tpu.memref_squeeze %dma_start3A_180 : memref<1x10000x128xf32, #tpu.memory_space<hbm>> -> memref<10000x128xf32, #tpu.memory_space<hbm>>
        %dma_start3A_182 = arith.constant 0 : i32
        %dma_start3A_183 = arith.constant 0 : i32
        %dma_start3A_184 = tpu.memref_slice %dma_start3A_181[%dma_start3A_182, %dma_start3A_183] : memref<10000x128xf32, #tpu.memory_space<hbm>> -> memref<10000x128xf32, #tpu.memory_space<hbm>>
        tpu.enqueue_indirect_dma source(%dma_start3A_184 : memref<10000x128xf32, #tpu.memory_space<hbm>>) target(%arg9 : memref<128x128xf32, #tpu.memory_space<vmem>>) offsets(%dma_start3A_177 : memref<128xi32, #tpu.memory_space<vmem>>) semaphore(%arg13 : memref<!tpu.dma_semaphore, #tpu.memory_space<semaphore_mem>>)
      } else {
      }
      %scan3A_147 = arith.constant 0 : i32
      %scan3A_148 = arith.constant 0 : i32
      %scan3A_149 = arith.constant 20 : i32
      %scan3A_150 = arith.addi %scan3A_148, %scan3A_149 : i32
      %scan3A_151 = arith.constant 1 : i32
      scf.for %scan3A_153 = %scan3A_148 to %scan3A_150 step %scan3A_151  : i32 {
        %mul3A_154 = arith.constant 2 : i32
        %mul3A_155 = arith.muli %mul3A_154, %scan3A_153 : i32
        %dma_wait3A_156 = arith.constant 0 : i32
        %dma_wait3A_157 = tpu.memref_slice %arg6[%mul3A_155, %dma_wait3A_156] : memref<40x128xi32, #tpu.memory_space<vmem>> -> memref<1x128xi32, #tpu.memory_space<vmem>>
        %dma_wait3A_158 = tpu.memref_squeeze %dma_wait3A_157 : memref<1x128xi32, #tpu.memory_space<vmem>> -> memref<128xi32, #tpu.memory_space<vmem>>
        %dma_wait3A_159 = arith.constant 0 : i32
        %dma_wait3A_160 = arith.constant 0 : i32
        %dma_wait3A_161 = tpu.memref_slice %arg4[%arg0, %dma_wait3A_159, %dma_wait3A_160] : memref<2x10000x128xf32, #tpu.memory_space<hbm>> -> memref<1x10000x128xf32, #tpu.memory_space<hbm>>
        %dma_wait3A_162 = tpu.memref_squeeze %dma_wait3A_161 : memref<1x10000x128xf32, #tpu.memory_space<hbm>> -> memref<10000x128xf32, #tpu.memory_space<hbm>>
        %dma_wait3A_163 = arith.constant 0 : i32
        %dma_wait3A_164 = arith.constant 0 : i32
        %dma_wait3A_165 = tpu.memref_slice %dma_wait3A_162[%dma_wait3A_163, %dma_wait3A_164] : memref<10000x128xf32, #tpu.memory_space<hbm>> -> memref<10000x128xf32, #tpu.memory_space<hbm>>
        tpu.wait_indirect_dma semaphore(%arg12 : memref<!tpu.dma_semaphore, #tpu.memory_space<semaphore_mem>>) src(%dma_wait3A_165 : memref<10000x128xf32, #tpu.memory_space<hbm>>) dst(%arg8 : memref<128x128xf32, #tpu.memory_space<vmem>>)
        %mul3A_166 = arith.constant 2 : i32
        %mul3A_167 = arith.muli %mul3A_166, %scan3A_153 : i32
        "tpu.region"() ({
          %run_scoped3A = tpu.sem_alloc : memref<!tpu.dma_semaphore, #tpu.memory_space<semaphore_mem>>
          %dma_start3A_203 = arith.constant 0 : i32
          %dma_start3A_204 = tpu.memref_slice %arg7[%mul3A_167, %dma_start3A_203] : memref<40x128xi32, #tpu.memory_space<vmem>> -> memref<1x128xi32, #tpu.memory_space<vmem>>
          %dma_start3A_205 = tpu.memref_squeeze %dma_start3A_204 : memref<1x128xi32, #tpu.memory_space<vmem>> -> memref<128xi32, #tpu.memory_space<vmem>>
          %dma_start3A_206 = arith.constant 0 : i32
          %dma_start3A_207 = arith.constant 0 : i32
          %dma_start3A_208 = tpu.memref_slice %arg11[%dma_start3A_206, %dma_start3A_207] : memref<10240x128xf32, #tpu.memory_space<vmem_shared>> -> memref<10240x128xf32, #tpu.memory_space<vmem_shared>>
          tpu.enqueue_indirect_dma source(%arg8 : memref<128x128xf32, #tpu.memory_space<vmem>>) target(%dma_start3A_208 : memref<10240x128xf32, #tpu.memory_space<vmem_shared>>) offsets(%dma_start3A_205 : memref<128xi32, #tpu.memory_space<vmem>>) semaphore(%run_scoped3A : memref<!tpu.dma_semaphore, #tpu.memory_space<semaphore_mem>>) {add = true}
          %dma_wait3A_209 = arith.constant 0 : i32
          %dma_wait3A_210 = tpu.memref_slice %arg7[%mul3A_167, %dma_wait3A_209] : memref<40x128xi32, #tpu.memory_space<vmem>> -> memref<1x128xi32, #tpu.memory_space<vmem>>
          %dma_wait3A_211 = tpu.memref_squeeze %dma_wait3A_210 : memref<1x128xi32, #tpu.memory_space<vmem>> -> memref<128xi32, #tpu.memory_space<vmem>>
          %dma_wait3A_212 = arith.constant 0 : i32
          %dma_wait3A_213 = arith.constant 0 : i32
          %dma_wait3A_214 = tpu.memref_slice %arg11[%dma_wait3A_212, %dma_wait3A_213] : memref<10240x128xf32, #tpu.memory_space<vmem_shared>> -> memref<10240x128xf32, #tpu.memory_space<vmem_shared>>
          tpu.wait_indirect_dma semaphore(%run_scoped3A : memref<!tpu.dma_semaphore, #tpu.memory_space<semaphore_mem>>) src(%arg8 : memref<128x128xf32, #tpu.memory_space<vmem>>) dst(%dma_wait3A_214 : memref<10240x128xf32, #tpu.memory_space<vmem_shared>>)
          tpu.yield
        }) : () -> ()
        %mul3A_168 = arith.constant 2 : i32
        %mul3A_169 = arith.muli %mul3A_168, %scan3A_153 : i32
        %add3A_170 = arith.constant 2 : i32
        %add3A_171 = arith.addi %mul3A_169, %add3A_170 : i32
        %lt3A = arith.constant 40 : i32
        %lt3A_172 = arith.cmpi slt, %add3A_171, %lt3A : i32
        %convert_element_type3A_173 = arith.extui %lt3A_172 : i1 to i32
        %cond3A_174 = arith.constant 0 : i32
        %cond3A_175 = arith.cmpi ne, %convert_element_type3A_173, %cond3A_174 : i32
        scf.if %cond3A_175 {
          %mul3A_203 = arith.constant 2 : i32
          %mul3A_204 = arith.muli %mul3A_203, %scan3A_153 : i32
          %add3A_205 = arith.constant 2 : i32
          %add3A_206 = arith.addi %mul3A_204, %add3A_205 : i32
          %dma_start3A_207 = arith.constant 0 : i32
          %dma_start3A_208 = tpu.memref_slice %arg6[%add3A_206, %dma_start3A_207] : memref<40x128xi32, #tpu.memory_space<vmem>> -> memref<1x128xi32, #tpu.memory_space<vmem>>
          %dma_start3A_209 = tpu.memref_squeeze %dma_start3A_208 : memref<1x128xi32, #tpu.memory_space<vmem>> -> memref<128xi32, #tpu.memory_space<vmem>>
          %dma_start3A_210 = arith.constant 0 : i32
          %dma_start3A_211 = arith.constant 0 : i32
          %dma_start3A_212 = tpu.memref_slice %arg4[%arg0, %dma_start3A_210, %dma_start3A_211] : memref<2x10000x128xf32, #tpu.memory_space<hbm>> -> memref<1x10000x128xf32, #tpu.memory_space<hbm>>
          %dma_start3A_213 = tpu.memref_squeeze %dma_start3A_212 : memref<1x10000x128xf32, #tpu.memory_space<hbm>> -> memref<10000x128xf32, #tpu.memory_space<hbm>>
          %dma_start3A_214 = arith.constant 0 : i32
          %dma_start3A_215 = arith.constant 0 : i32
          %dma_start3A_216 = tpu.memref_slice %dma_start3A_213[%dma_start3A_214, %dma_start3A_215] : memref<10000x128xf32, #tpu.memory_space<hbm>> -> memref<10000x128xf32, #tpu.memory_space<hbm>>
          tpu.enqueue_indirect_dma source(%dma_start3A_216 : memref<10000x128xf32, #tpu.memory_space<hbm>>) target(%arg8 : memref<128x128xf32, #tpu.memory_space<vmem>>) offsets(%dma_start3A_209 : memref<128xi32, #tpu.memory_space<vmem>>) semaphore(%arg12 : memref<!tpu.dma_semaphore, #tpu.memory_space<semaphore_mem>>)
        } else {
        }
        %mul3A_176 = arith.constant 2 : i32
        %mul3A_177 = arith.muli %mul3A_176, %scan3A_153 : i32
        %add3A_178 = arith.constant 1 : i32
        %add3A_179 = arith.addi %mul3A_177, %add3A_178 : i32
        %dma_wait3A_180 = arith.constant 0 : i32
        %dma_wait3A_181 = tpu.memref_slice %arg6[%add3A_179, %dma_wait3A_180] : memref<40x128xi32, #tpu.memory_space<vmem>> -> memref<1x128xi32, #tpu.memory_space<vmem>>
        %dma_wait3A_182 = tpu.memref_squeeze %dma_wait3A_181 : memref<1x128xi32, #tpu.memory_space<vmem>> -> memref<128xi32, #tpu.memory_space<vmem>>
        %dma_wait3A_183 = arith.constant 0 : i32
        %dma_wait3A_184 = arith.constant 0 : i32
        %dma_wait3A_185 = tpu.memref_slice %arg4[%arg0, %dma_wait3A_183, %dma_wait3A_184] : memref<2x10000x128xf32, #tpu.memory_space<hbm>> -> memref<1x10000x128xf32, #tpu.memory_space<hbm>>
        %dma_wait3A_186 = tpu.memref_squeeze %dma_wait3A_185 : memref<1x10000x128xf32, #tpu.memory_space<hbm>> -> memref<10000x128xf32, #tpu.memory_space<hbm>>
        %dma_wait3A_187 = arith.constant 0 : i32
        %dma_wait3A_188 = arith.constant 0 : i32
        %dma_wait3A_189 = tpu.memref_slice %dma_wait3A_186[%dma_wait3A_187, %dma_wait3A_188] : memref<10000x128xf32, #tpu.memory_space<hbm>> -> memref<10000x128xf32, #tpu.memory_space<hbm>>
        tpu.wait_indirect_dma semaphore(%arg13 : memref<!tpu.dma_semaphore, #tpu.memory_space<semaphore_mem>>) src(%dma_wait3A_189 : memref<10000x128xf32, #tpu.memory_space<hbm>>) dst(%arg9 : memref<128x128xf32, #tpu.memory_space<vmem>>)
        %mul3A_190 = arith.constant 2 : i32
        %mul3A_191 = arith.muli %mul3A_190, %scan3A_153 : i32
        %add3A_192 = arith.constant 1 : i32
        %add3A_193 = arith.addi %mul3A_191, %add3A_192 : i32
        "tpu.region"() ({
          %run_scoped3A = tpu.sem_alloc : memref<!tpu.dma_semaphore, #tpu.memory_space<semaphore_mem>>
          %dma_start3A_203 = arith.constant 0 : i32
          %dma_start3A_204 = tpu.memref_slice %arg7[%add3A_193, %dma_start3A_203] : memref<40x128xi32, #tpu.memory_space<vmem>> -> memref<1x128xi32, #tpu.memory_space<vmem>>
          %dma_start3A_205 = tpu.memref_squeeze %dma_start3A_204 : memref<1x128xi32, #tpu.memory_space<vmem>> -> memref<128xi32, #tpu.memory_space<vmem>>
          %dma_start3A_206 = arith.constant 0 : i32
          %dma_start3A_207 = arith.constant 0 : i32
          %dma_start3A_208 = tpu.memref_slice %arg11[%dma_start3A_206, %dma_start3A_207] : memref<10240x128xf32, #tpu.memory_space<vmem_shared>> -> memref<10240x128xf32, #tpu.memory_space<vmem_shared>>
          tpu.enqueue_indirect_dma source(%arg9 : memref<128x128xf32, #tpu.memory_space<vmem>>) target(%dma_start3A_208 : memref<10240x128xf32, #tpu.memory_space<vmem_shared>>) offsets(%dma_start3A_205 : memref<128xi32, #tpu.memory_space<vmem>>) semaphore(%run_scoped3A : memref<!tpu.dma_semaphore, #tpu.memory_space<semaphore_mem>>) {add = true}
          %dma_wait3A_209 = arith.constant 0 : i32
          %dma_wait3A_210 = tpu.memref_slice %arg7[%add3A_193, %dma_wait3A_209] : memref<40x128xi32, #tpu.memory_space<vmem>> -> memref<1x128xi32, #tpu.memory_space<vmem>>
          %dma_wait3A_211 = tpu.memref_squeeze %dma_wait3A_210 : memref<1x128xi32, #tpu.memory_space<vmem>> -> memref<128xi32, #tpu.memory_space<vmem>>
          %dma_wait3A_212 = arith.constant 0 : i32
          %dma_wait3A_213 = arith.constant 0 : i32
          %dma_wait3A_214 = tpu.memref_slice %arg11[%dma_wait3A_212, %dma_wait3A_213] : memref<10240x128xf32, #tpu.memory_space<vmem_shared>> -> memref<10240x128xf32, #tpu.memory_space<vmem_shared>>
          tpu.wait_indirect_dma semaphore(%run_scoped3A : memref<!tpu.dma_semaphore, #tpu.memory_space<semaphore_mem>>) src(%arg9 : memref<128x128xf32, #tpu.memory_space<vmem>>) dst(%dma_wait3A_214 : memref<10240x128xf32, #tpu.memory_space<vmem_shared>>)
          tpu.yield
        }) : () -> ()
        %mul3A_194 = arith.constant 2 : i32
        %mul3A_195 = arith.muli %mul3A_194, %scan3A_153 : i32
        %add3A_196 = arith.constant 3 : i32
        %add3A_197 = arith.addi %mul3A_195, %add3A_196 : i32
        %lt3A_198 = arith.constant 40 : i32
        %lt3A_199 = arith.cmpi slt, %add3A_197, %lt3A_198 : i32
        %convert_element_type3A_200 = arith.extui %lt3A_199 : i1 to i32
        %cond3A_201 = arith.constant 0 : i32
        %cond3A_202 = arith.cmpi ne, %convert_element_type3A_200, %cond3A_201 : i32
        scf.if %cond3A_202 {
          %mul3A_203 = arith.constant 2 : i32
          %mul3A_204 = arith.muli %mul3A_203, %scan3A_153 : i32
          %add3A_205 = arith.constant 3 : i32
          %add3A_206 = arith.addi %mul3A_204, %add3A_205 : i32
          %dma_start3A_207 = arith.constant 0 : i32
          %dma_start3A_208 = tpu.memref_slice %arg6[%add3A_206, %dma_start3A_207] : memref<40x128xi32, #tpu.memory_space<vmem>> -> memref<1x128xi32, #tpu.memory_space<vmem>>
          %dma_start3A_209 = tpu.memref_squeeze %dma_start3A_208 : memref<1x128xi32, #tpu.memory_space<vmem>> -> memref<128xi32, #tpu.memory_space<vmem>>
          %dma_start3A_210 = arith.constant 0 : i32
          %dma_start3A_211 = arith.constant 0 : i32
          %dma_start3A_212 = tpu.memref_slice %arg4[%arg0, %dma_start3A_210, %dma_start3A_211] : memref<2x10000x128xf32, #tpu.memory_space<hbm>> -> memref<1x10000x128xf32, #tpu.memory_space<hbm>>
          %dma_start3A_213 = tpu.memref_squeeze %dma_start3A_212 : memref<1x10000x128xf32, #tpu.memory_space<hbm>> -> memref<10000x128xf32, #tpu.memory_space<hbm>>
          %dma_start3A_214 = arith.constant 0 : i32
          %dma_start3A_215 = arith.constant 0 : i32
          %dma_start3A_216 = tpu.memref_slice %dma_start3A_213[%dma_start3A_214, %dma_start3A_215] : memref<10000x128xf32, #tpu.memory_space<hbm>> -> memref<10000x128xf32, #tpu.memory_space<hbm>>
          tpu.enqueue_indirect_dma source(%dma_start3A_216 : memref<10000x128xf32, #tpu.memory_space<hbm>>) target(%arg9 : memref<128x128xf32, #tpu.memory_space<vmem>>) offsets(%dma_start3A_209 : memref<128xi32, #tpu.memory_space<vmem>>) semaphore(%arg13 : memref<!tpu.dma_semaphore, #tpu.memory_space<semaphore_mem>>)
        } else {
        }
      }
      %scan3A_152 = arith.constant 20 : i32
    }
    %scan3A_46 = arith.constant 2 : i32
    %barrier3A_47 = arith.constant 0 : index
    tpu.barrier barrier_id(%barrier3A_47)
    %mul3A_48 = arith.constant 640 : i32
    %mul3A_49 = arith.muli %arg1, %mul3A_48 : i32
    %dma_start3A_50 = arith.constant 0 : i32
    %dma_start3A_51 = tpu.memref_slice %arg11[%mul3A_49, %dma_start3A_50] : memref<10240x128xf32, #tpu.memory_space<vmem_shared>> -> memref<128x128xf32, #tpu.memory_space<vmem_shared>>
    %dma_start3A_52 = arith.constant 0 : i32
    %dma_start3A_53 = tpu.memref_slice %arg11[%mul3A_49, %dma_start3A_52] : memref<10240x128xf32, #tpu.memory_space<vmem_shared>> -> memref<128x128xf32, #tpu.memory_space<vmem_shared>>
    tpu.enqueue_dma source(%dma_start3A_53 : memref<128x128xf32, #tpu.memory_space<vmem_shared>>) target(%arg8 : memref<128x128xf32, #tpu.memory_space<vmem>>) target_semaphore(%arg12 : memref<!tpu.dma_semaphore, #tpu.memory_space<semaphore_mem>>)
    %mul3A_54 = arith.constant 640 : i32
    %mul3A_55 = arith.muli %arg1, %mul3A_54 : i32
    %add3A = arith.constant 0 : i32
    %add3A_56 = arith.addi %mul3A_55, %add3A : i32
    %dma_wait3A = arith.constant 0 : i32
    %dma_wait3A_57 = tpu.memref_slice %arg11[%add3A_56, %dma_wait3A] : memref<10240x128xf32, #tpu.memory_space<vmem_shared>> -> memref<128x128xf32, #tpu.memory_space<vmem_shared>>
    %dma_wait3A_58 = arith.constant 0 : i32
    %dma_wait3A_59 = tpu.memref_slice %arg11[%add3A_56, %dma_wait3A_58] : memref<10240x128xf32, #tpu.memory_space<vmem_shared>> -> memref<128x128xf32, #tpu.memory_space<vmem_shared>>
    tpu.wait_dma2 semaphore(%arg12 : memref<!tpu.dma_semaphore, #tpu.memory_space<semaphore_mem>>) src(%dma_wait3A_59 : memref<128x128xf32, #tpu.memory_space<vmem_shared>>) dst(%arg8 : memref<128x128xf32, #tpu.memory_space<vmem>>)
    %mul3A_60 = arith.constant 640 : i32
    %mul3A_61 = arith.muli %arg1, %mul3A_60 : i32
    %add3A_62 = arith.constant 128 : i32
    %add3A_63 = arith.addi %mul3A_61, %add3A_62 : i32
    %dma_start3A_64 = arith.constant 0 : i32
    %dma_start3A_65 = tpu.memref_slice %arg11[%add3A_63, %dma_start3A_64] : memref<10240x128xf32, #tpu.memory_space<vmem_shared>> -> memref<128x128xf32, #tpu.memory_space<vmem_shared>>
    %dma_start3A_66 = arith.constant 0 : i32
    %dma_start3A_67 = tpu.memref_slice %arg11[%add3A_63, %dma_start3A_66] : memref<10240x128xf32, #tpu.memory_space<vmem_shared>> -> memref<128x128xf32, #tpu.memory_space<vmem_shared>>
    tpu.enqueue_dma source(%dma_start3A_67 : memref<128x128xf32, #tpu.memory_space<vmem_shared>>) target(%arg9 : memref<128x128xf32, #tpu.memory_space<vmem>>) target_semaphore(%arg13 : memref<!tpu.dma_semaphore, #tpu.memory_space<semaphore_mem>>)
    %mul3A_68 = arith.constant 640 : i32
    %mul3A_69 = arith.muli %arg1, %mul3A_68 : i32
    %add3A_70 = arith.constant 0 : i32
    %add3A_71 = arith.addi %mul3A_69, %add3A_70 : i32
    "tpu.region"() ({
      %run_scoped3A = tpu.sem_alloc : memref<!tpu.dma_semaphore, #tpu.memory_space<semaphore_mem>>
      %dma_start3A_144 = arith.constant 0 : i32
      %dma_start3A_145 = arith.constant 0 : i32
      %dma_start3A_146 = tpu.memref_slice %arg5[%arg0, %dma_start3A_144, %dma_start3A_145] : memref<2x10240x128xf32, #tpu.memory_space<hbm>> -> memref<1x10240x128xf32, #tpu.memory_space<hbm>>
      %dma_start3A_147 = tpu.memref_squeeze %dma_start3A_146 : memref<1x10240x128xf32, #tpu.memory_space<hbm>> -> memref<10240x128xf32, #tpu.memory_space<hbm>>
      %dma_start3A_148 = arith.constant 0 : i32
      %dma_start3A_149 = tpu.memref_slice %dma_start3A_147[%add3A_71, %dma_start3A_148] : memref<10240x128xf32, #tpu.memory_space<hbm>> -> memref<128x128xf32, #tpu.memory_space<hbm>>
      %dma_start3A_150 = arith.constant 0 : i32
      %dma_start3A_151 = arith.constant 0 : i32
      %dma_start3A_152 = tpu.memref_slice %arg5[%arg0, %dma_start3A_150, %dma_start3A_151] : memref<2x10240x128xf32, #tpu.memory_space<hbm>> -> memref<1x10240x128xf32, #tpu.memory_space<hbm>>
      %dma_start3A_153 = tpu.memref_squeeze %dma_start3A_152 : memref<1x10240x128xf32, #tpu.memory_space<hbm>> -> memref<10240x128xf32, #tpu.memory_space<hbm>>
      %dma_start3A_154 = arith.constant 0 : i32
      %dma_start3A_155 = tpu.memref_slice %dma_start3A_153[%add3A_71, %dma_start3A_154] : memref<10240x128xf32, #tpu.memory_space<hbm>> -> memref<128x128xf32, #tpu.memory_space<hbm>>
      tpu.enqueue_dma source(%arg8 : memref<128x128xf32, #tpu.memory_space<vmem>>) target(%dma_start3A_155 : memref<128x128xf32, #tpu.memory_space<hbm>>) target_semaphore(%run_scoped3A : memref<!tpu.dma_semaphore, #tpu.memory_space<semaphore_mem>>)
      %dma_wait3A_156 = arith.constant 0 : i32
      %dma_wait3A_157 = arith.constant 0 : i32
      %dma_wait3A_158 = tpu.memref_slice %arg5[%arg0, %dma_wait3A_156, %dma_wait3A_157] : memref<2x10240x128xf32, #tpu.memory_space<hbm>> -> memref<1x10240x128xf32, #tpu.memory_space<hbm>>
      %dma_wait3A_159 = tpu.memref_squeeze %dma_wait3A_158 : memref<1x10240x128xf32, #tpu.memory_space<hbm>> -> memref<10240x128xf32, #tpu.memory_space<hbm>>
      %dma_wait3A_160 = arith.constant 0 : i32
      %dma_wait3A_161 = tpu.memref_slice %dma_wait3A_159[%add3A_71, %dma_wait3A_160] : memref<10240x128xf32, #tpu.memory_space<hbm>> -> memref<128x128xf32, #tpu.memory_space<hbm>>
      %dma_wait3A_162 = arith.constant 0 : i32
      %dma_wait3A_163 = arith.constant 0 : i32
      %dma_wait3A_164 = tpu.memref_slice %arg5[%arg0, %dma_wait3A_162, %dma_wait3A_163] : memref<2x10240x128xf32, #tpu.memory_space<hbm>> -> memref<1x10240x128xf32, #tpu.memory_space<hbm>>
      %dma_wait3A_165 = tpu.memref_squeeze %dma_wait3A_164 : memref<1x10240x128xf32, #tpu.memory_space<hbm>> -> memref<10240x128xf32, #tpu.memory_space<hbm>>
      %dma_wait3A_166 = arith.constant 0 : i32
      %dma_wait3A_167 = tpu.memref_slice %dma_wait3A_165[%add3A_71, %dma_wait3A_166] : memref<10240x128xf32, #tpu.memory_space<hbm>> -> memref<128x128xf32, #tpu.memory_space<hbm>>
      tpu.wait_dma2 semaphore(%run_scoped3A : memref<!tpu.dma_semaphore, #tpu.memory_space<semaphore_mem>>) src(%arg8 : memref<128x128xf32, #tpu.memory_space<vmem>>) dst(%dma_wait3A_167 : memref<128x128xf32, #tpu.memory_space<hbm>>)
      tpu.yield
    }) : () -> ()
    %mul3A_72 = arith.constant 640 : i32
    %mul3A_73 = arith.muli %arg1, %mul3A_72 : i32
    %add3A_74 = arith.constant 128 : i32
    %add3A_75 = arith.addi %mul3A_73, %add3A_74 : i32
    %dma_wait3A_76 = arith.constant 0 : i32
    %dma_wait3A_77 = tpu.memref_slice %arg11[%add3A_75, %dma_wait3A_76] : memref<10240x128xf32, #tpu.memory_space<vmem_shared>> -> memref<128x128xf32, #tpu.memory_space<vmem_shared>>
    %dma_wait3A_78 = arith.constant 0 : i32
    %dma_wait3A_79 = tpu.memref_slice %arg11[%add3A_75, %dma_wait3A_78] : memref<10240x128xf32, #tpu.memory_space<vmem_shared>> -> memref<128x128xf32, #tpu.memory_space<vmem_shared>>
    tpu.wait_dma2 semaphore(%arg13 : memref<!tpu.dma_semaphore, #tpu.memory_space<semaphore_mem>>) src(%dma_wait3A_79 : memref<128x128xf32, #tpu.memory_space<vmem_shared>>) dst(%arg9 : memref<128x128xf32, #tpu.memory_space<vmem>>)
    %mul3A_80 = arith.constant 640 : i32
    %mul3A_81 = arith.muli %arg1, %mul3A_80 : i32
    %add3A_82 = arith.constant 256 : i32
    %add3A_83 = arith.addi %mul3A_81, %add3A_82 : i32
    %dma_start3A_84 = arith.constant 0 : i32
    %dma_start3A_85 = tpu.memref_slice %arg11[%add3A_83, %dma_start3A_84] : memref<10240x128xf32, #tpu.memory_space<vmem_shared>> -> memref<128x128xf32, #tpu.memory_space<vmem_shared>>
    %dma_start3A_86 = arith.constant 0 : i32
    %dma_start3A_87 = tpu.memref_slice %arg11[%add3A_83, %dma_start3A_86] : memref<10240x128xf32, #tpu.memory_space<vmem_shared>> -> memref<128x128xf32, #tpu.memory_space<vmem_shared>>
    tpu.enqueue_dma source(%dma_start3A_87 : memref<128x128xf32, #tpu.memory_space<vmem_shared>>) target(%arg8 : memref<128x128xf32, #tpu.memory_space<vmem>>) target_semaphore(%arg12 : memref<!tpu.dma_semaphore, #tpu.memory_space<semaphore_mem>>)
    %mul3A_88 = arith.constant 640 : i32
    %mul3A_89 = arith.muli %arg1, %mul3A_88 : i32
    %add3A_90 = arith.constant 128 : i32
    %add3A_91 = arith.addi %mul3A_89, %add3A_90 : i32
    "tpu.region"() ({
      %run_scoped3A = tpu.sem_alloc : memref<!tpu.dma_semaphore, #tpu.memory_space<semaphore_mem>>
      %dma_start3A_144 = arith.constant 0 : i32
      %dma_start3A_145 = arith.constant 0 : i32
      %dma_start3A_146 = tpu.memref_slice %arg5[%arg0, %dma_start3A_144, %dma_start3A_145] : memref<2x10240x128xf32, #tpu.memory_space<hbm>> -> memref<1x10240x128xf32, #tpu.memory_space<hbm>>
      %dma_start3A_147 = tpu.memref_squeeze %dma_start3A_146 : memref<1x10240x128xf32, #tpu.memory_space<hbm>> -> memref<10240x128xf32, #tpu.memory_space<hbm>>
      %dma_start3A_148 = arith.constant 0 : i32
      %dma_start3A_149 = tpu.memref_slice %dma_start3A_147[%add3A_91, %dma_start3A_148] : memref<10240x128xf32, #tpu.memory_space<hbm>> -> memref<128x128xf32, #tpu.memory_space<hbm>>
      %dma_start3A_150 = arith.constant 0 : i32
      %dma_start3A_151 = arith.constant 0 : i32
      %dma_start3A_152 = tpu.memref_slice %arg5[%arg0, %dma_start3A_150, %dma_start3A_151] : memref<2x10240x128xf32, #tpu.memory_space<hbm>> -> memref<1x10240x128xf32, #tpu.memory_space<hbm>>
      %dma_start3A_153 = tpu.memref_squeeze %dma_start3A_152 : memref<1x10240x128xf32, #tpu.memory_space<hbm>> -> memref<10240x128xf32, #tpu.memory_space<hbm>>
      %dma_start3A_154 = arith.constant 0 : i32
      %dma_start3A_155 = tpu.memref_slice %dma_start3A_153[%add3A_91, %dma_start3A_154] : memref<10240x128xf32, #tpu.memory_space<hbm>> -> memref<128x128xf32, #tpu.memory_space<hbm>>
      tpu.enqueue_dma source(%arg9 : memref<128x128xf32, #tpu.memory_space<vmem>>) target(%dma_start3A_155 : memref<128x128xf32, #tpu.memory_space<hbm>>) target_semaphore(%run_scoped3A : memref<!tpu.dma_semaphore, #tpu.memory_space<semaphore_mem>>)
      %dma_wait3A_156 = arith.constant 0 : i32
      %dma_wait3A_157 = arith.constant 0 : i32
      %dma_wait3A_158 = tpu.memref_slice %arg5[%arg0, %dma_wait3A_156, %dma_wait3A_157] : memref<2x10240x128xf32, #tpu.memory_space<hbm>> -> memref<1x10240x128xf32, #tpu.memory_space<hbm>>
      %dma_wait3A_159 = tpu.memref_squeeze %dma_wait3A_158 : memref<1x10240x128xf32, #tpu.memory_space<hbm>> -> memref<10240x128xf32, #tpu.memory_space<hbm>>
      %dma_wait3A_160 = arith.constant 0 : i32
      %dma_wait3A_161 = tpu.memref_slice %dma_wait3A_159[%add3A_91, %dma_wait3A_160] : memref<10240x128xf32, #tpu.memory_space<hbm>> -> memref<128x128xf32, #tpu.memory_space<hbm>>
      %dma_wait3A_162 = arith.constant 0 : i32
      %dma_wait3A_163 = arith.constant 0 : i32
      %dma_wait3A_164 = tpu.memref_slice %arg5[%arg0, %dma_wait3A_162, %dma_wait3A_163] : memref<2x10240x128xf32, #tpu.memory_space<hbm>> -> memref<1x10240x128xf32, #tpu.memory_space<hbm>>
      %dma_wait3A_165 = tpu.memref_squeeze %dma_wait3A_164 : memref<1x10240x128xf32, #tpu.memory_space<hbm>> -> memref<10240x128xf32, #tpu.memory_space<hbm>>
      %dma_wait3A_166 = arith.constant 0 : i32
      %dma_wait3A_167 = tpu.memref_slice %dma_wait3A_165[%add3A_91, %dma_wait3A_166] : memref<10240x128xf32, #tpu.memory_space<hbm>> -> memref<128x128xf32, #tpu.memory_space<hbm>>
      tpu.wait_dma2 semaphore(%run_scoped3A : memref<!tpu.dma_semaphore, #tpu.memory_space<semaphore_mem>>) src(%arg9 : memref<128x128xf32, #tpu.memory_space<vmem>>) dst(%dma_wait3A_167 : memref<128x128xf32, #tpu.memory_space<hbm>>)
      tpu.yield
    }) : () -> ()
    %mul3A_92 = arith.constant 640 : i32
    %mul3A_93 = arith.muli %arg1, %mul3A_92 : i32
    %add3A_94 = arith.constant 256 : i32
    %add3A_95 = arith.addi %mul3A_93, %add3A_94 : i32
    %dma_wait3A_96 = arith.constant 0 : i32
    %dma_wait3A_97 = tpu.memref_slice %arg11[%add3A_95, %dma_wait3A_96] : memref<10240x128xf32, #tpu.memory_space<vmem_shared>> -> memref<128x128xf32, #tpu.memory_space<vmem_shared>>
    %dma_wait3A_98 = arith.constant 0 : i32
    %dma_wait3A_99 = tpu.memref_slice %arg11[%add3A_95, %dma_wait3A_98] : memref<10240x128xf32, #tpu.memory_space<vmem_shared>> -> memref<128x128xf32, #tpu.memory_space<vmem_shared>>
    tpu.wait_dma2 semaphore(%arg12 : memref<!tpu.dma_semaphore, #tpu.memory_space<semaphore_mem>>) src(%dma_wait3A_99 : memref<128x128xf32, #tpu.memory_space<vmem_shared>>) dst(%arg8 : memref<128x128xf32, #tpu.memory_space<vmem>>)
    %mul3A_100 = arith.constant 640 : i32
    %mul3A_101 = arith.muli %arg1, %mul3A_100 : i32
    %add3A_102 = arith.constant 384 : i32
    %add3A_103 = arith.addi %mul3A_101, %add3A_102 : i32
    %dma_start3A_104 = arith.constant 0 : i32
    %dma_start3A_105 = tpu.memref_slice %arg11[%add3A_103, %dma_start3A_104] : memref<10240x128xf32, #tpu.memory_space<vmem_shared>> -> memref<128x128xf32, #tpu.memory_space<vmem_shared>>
    %dma_start3A_106 = arith.constant 0 : i32
    %dma_start3A_107 = tpu.memref_slice %arg11[%add3A_103, %dma_start3A_106] : memref<10240x128xf32, #tpu.memory_space<vmem_shared>> -> memref<128x128xf32, #tpu.memory_space<vmem_shared>>
    tpu.enqueue_dma source(%dma_start3A_107 : memref<128x128xf32, #tpu.memory_space<vmem_shared>>) target(%arg9 : memref<128x128xf32, #tpu.memory_space<vmem>>) target_semaphore(%arg13 : memref<!tpu.dma_semaphore, #tpu.memory_space<semaphore_mem>>)
    %mul3A_108 = arith.constant 640 : i32
    %mul3A_109 = arith.muli %arg1, %mul3A_108 : i32
    %add3A_110 = arith.constant 256 : i32
    %add3A_111 = arith.addi %mul3A_109, %add3A_110 : i32
    "tpu.region"() ({
      %run_scoped3A = tpu.sem_alloc : memref<!tpu.dma_semaphore, #tpu.memory_space<semaphore_mem>>
      %dma_start3A_144 = arith.constant 0 : i32
      %dma_start3A_145 = arith.constant 0 : i32
      %dma_start3A_146 = tpu.memref_slice %arg5[%arg0, %dma_start3A_144, %dma_start3A_145] : memref<2x10240x128xf32, #tpu.memory_space<hbm>> -> memref<1x10240x128xf32, #tpu.memory_space<hbm>>
      %dma_start3A_147 = tpu.memref_squeeze %dma_start3A_146 : memref<1x10240x128xf32, #tpu.memory_space<hbm>> -> memref<10240x128xf32, #tpu.memory_space<hbm>>
      %dma_start3A_148 = arith.constant 0 : i32
      %dma_start3A_149 = tpu.memref_slice %dma_start3A_147[%add3A_111, %dma_start3A_148] : memref<10240x128xf32, #tpu.memory_space<hbm>> -> memref<128x128xf32, #tpu.memory_space<hbm>>
      %dma_start3A_150 = arith.constant 0 : i32
      %dma_start3A_151 = arith.constant 0 : i32
      %dma_start3A_152 = tpu.memref_slice %arg5[%arg0, %dma_start3A_150, %dma_start3A_151] : memref<2x10240x128xf32, #tpu.memory_space<hbm>> -> memref<1x10240x128xf32, #tpu.memory_space<hbm>>
      %dma_start3A_153 = tpu.memref_squeeze %dma_start3A_152 : memref<1x10240x128xf32, #tpu.memory_space<hbm>> -> memref<10240x128xf32, #tpu.memory_space<hbm>>
      %dma_start3A_154 = arith.constant 0 : i32
      %dma_start3A_155 = tpu.memref_slice %dma_start3A_153[%add3A_111, %dma_start3A_154] : memref<10240x128xf32, #tpu.memory_space<hbm>> -> memref<128x128xf32, #tpu.memory_space<hbm>>
      tpu.enqueue_dma source(%arg8 : memref<128x128xf32, #tpu.memory_space<vmem>>) target(%dma_start3A_155 : memref<128x128xf32, #tpu.memory_space<hbm>>) target_semaphore(%run_scoped3A : memref<!tpu.dma_semaphore, #tpu.memory_space<semaphore_mem>>)
      %dma_wait3A_156 = arith.constant 0 : i32
      %dma_wait3A_157 = arith.constant 0 : i32
      %dma_wait3A_158 = tpu.memref_slice %arg5[%arg0, %dma_wait3A_156, %dma_wait3A_157] : memref<2x10240x128xf32, #tpu.memory_space<hbm>> -> memref<1x10240x128xf32, #tpu.memory_space<hbm>>
      %dma_wait3A_159 = tpu.memref_squeeze %dma_wait3A_158 : memref<1x10240x128xf32, #tpu.memory_space<hbm>> -> memref<10240x128xf32, #tpu.memory_space<hbm>>
      %dma_wait3A_160 = arith.constant 0 : i32
      %dma_wait3A_161 = tpu.memref_slice %dma_wait3A_159[%add3A_111, %dma_wait3A_160] : memref<10240x128xf32, #tpu.memory_space<hbm>> -> memref<128x128xf32, #tpu.memory_space<hbm>>
      %dma_wait3A_162 = arith.constant 0 : i32
      %dma_wait3A_163 = arith.constant 0 : i32
      %dma_wait3A_164 = tpu.memref_slice %arg5[%arg0, %dma_wait3A_162, %dma_wait3A_163] : memref<2x10240x128xf32, #tpu.memory_space<hbm>> -> memref<1x10240x128xf32, #tpu.memory_space<hbm>>
      %dma_wait3A_165 = tpu.memref_squeeze %dma_wait3A_164 : memref<1x10240x128xf32, #tpu.memory_space<hbm>> -> memref<10240x128xf32, #tpu.memory_space<hbm>>
      %dma_wait3A_166 = arith.constant 0 : i32
      %dma_wait3A_167 = tpu.memref_slice %dma_wait3A_165[%add3A_111, %dma_wait3A_166] : memref<10240x128xf32, #tpu.memory_space<hbm>> -> memref<128x128xf32, #tpu.memory_space<hbm>>
      tpu.wait_dma2 semaphore(%run_scoped3A : memref<!tpu.dma_semaphore, #tpu.memory_space<semaphore_mem>>) src(%arg8 : memref<128x128xf32, #tpu.memory_space<vmem>>) dst(%dma_wait3A_167 : memref<128x128xf32, #tpu.memory_space<hbm>>)
      tpu.yield
    }) : () -> ()
    %mul3A_112 = arith.constant 640 : i32
    %mul3A_113 = arith.muli %arg1, %mul3A_112 : i32
    %add3A_114 = arith.constant 384 : i32
    %add3A_115 = arith.addi %mul3A_113, %add3A_114 : i32
    %dma_wait3A_116 = arith.constant 0 : i32
    %dma_wait3A_117 = tpu.memref_slice %arg11[%add3A_115, %dma_wait3A_116] : memref<10240x128xf32, #tpu.memory_space<vmem_shared>> -> memref<128x128xf32, #tpu.memory_space<vmem_shared>>
    %dma_wait3A_118 = arith.constant 0 : i32
    %dma_wait3A_119 = tpu.memref_slice %arg11[%add3A_115, %dma_wait3A_118] : memref<10240x128xf32, #tpu.memory_space<vmem_shared>> -> memref<128x128xf32, #tpu.memory_space<vmem_shared>>
    tpu.wait_dma2 semaphore(%arg13 : memref<!tpu.dma_semaphore, #tpu.memory_space<semaphore_mem>>) src(%dma_wait3A_119 : memref<128x128xf32, #tpu.memory_space<vmem_shared>>) dst(%arg9 : memref<128x128xf32, #tpu.memory_space<vmem>>)
    %mul3A_120 = arith.constant 640 : i32
    %mul3A_121 = arith.muli %arg1, %mul3A_120 : i32
    %add3A_122 = arith.constant 512 : i32
    %add3A_123 = arith.addi %mul3A_121, %add3A_122 : i32
    %dma_start3A_124 = arith.constant 0 : i32
    %dma_start3A_125 = tpu.memref_slice %arg11[%add3A_123, %dma_start3A_124] : memref<10240x128xf32, #tpu.memory_space<vmem_shared>> -> memref<128x128xf32, #tpu.memory_space<vmem_shared>>
    %dma_start3A_126 = arith.constant 0 : i32
    %dma_start3A_127 = tpu.memref_slice %arg11[%add3A_123, %dma_start3A_126] : memref<10240x128xf32, #tpu.memory_space<vmem_shared>> -> memref<128x128xf32, #tpu.memory_space<vmem_shared>>
    tpu.enqueue_dma source(%dma_start3A_127 : memref<128x128xf32, #tpu.memory_space<vmem_shared>>) target(%arg8 : memref<128x128xf32, #tpu.memory_space<vmem>>) target_semaphore(%arg12 : memref<!tpu.dma_semaphore, #tpu.memory_space<semaphore_mem>>)
    %mul3A_128 = arith.constant 640 : i32
    %mul3A_129 = arith.muli %arg1, %mul3A_128 : i32
    %add3A_130 = arith.constant 384 : i32
    %add3A_131 = arith.addi %mul3A_129, %add3A_130 : i32
    "tpu.region"() ({
      %run_scoped3A = tpu.sem_alloc : memref<!tpu.dma_semaphore, #tpu.memory_space<semaphore_mem>>
      %dma_start3A_144 = arith.constant 0 : i32
      %dma_start3A_145 = arith.constant 0 : i32
      %dma_start3A_146 = tpu.memref_slice %arg5[%arg0, %dma_start3A_144, %dma_start3A_145] : memref<2x10240x128xf32, #tpu.memory_space<hbm>> -> memref<1x10240x128xf32, #tpu.memory_space<hbm>>
      %dma_start3A_147 = tpu.memref_squeeze %dma_start3A_146 : memref<1x10240x128xf32, #tpu.memory_space<hbm>> -> memref<10240x128xf32, #tpu.memory_space<hbm>>
      %dma_start3A_148 = arith.constant 0 : i32
      %dma_start3A_149 = tpu.memref_slice %dma_start3A_147[%add3A_131, %dma_start3A_148] : memref<10240x128xf32, #tpu.memory_space<hbm>> -> memref<128x128xf32, #tpu.memory_space<hbm>>
      %dma_start3A_150 = arith.constant 0 : i32
      %dma_start3A_151 = arith.constant 0 : i32
      %dma_start3A_152 = tpu.memref_slice %arg5[%arg0, %dma_start3A_150, %dma_start3A_151] : memref<2x10240x128xf32, #tpu.memory_space<hbm>> -> memref<1x10240x128xf32, #tpu.memory_space<hbm>>
      %dma_start3A_153 = tpu.memref_squeeze %dma_start3A_152 : memref<1x10240x128xf32, #tpu.memory_space<hbm>> -> memref<10240x128xf32, #tpu.memory_space<hbm>>
      %dma_start3A_154 = arith.constant 0 : i32
      %dma_start3A_155 = tpu.memref_slice %dma_start3A_153[%add3A_131, %dma_start3A_154] : memref<10240x128xf32, #tpu.memory_space<hbm>> -> memref<128x128xf32, #tpu.memory_space<hbm>>
      tpu.enqueue_dma source(%arg9 : memref<128x128xf32, #tpu.memory_space<vmem>>) target(%dma_start3A_155 : memref<128x128xf32, #tpu.memory_space<hbm>>) target_semaphore(%run_scoped3A : memref<!tpu.dma_semaphore, #tpu.memory_space<semaphore_mem>>)
      %dma_wait3A_156 = arith.constant 0 : i32
      %dma_wait3A_157 = arith.constant 0 : i32
      %dma_wait3A_158 = tpu.memref_slice %arg5[%arg0, %dma_wait3A_156, %dma_wait3A_157] : memref<2x10240x128xf32, #tpu.memory_space<hbm>> -> memref<1x10240x128xf32, #tpu.memory_space<hbm>>
      %dma_wait3A_159 = tpu.memref_squeeze %dma_wait3A_158 : memref<1x10240x128xf32, #tpu.memory_space<hbm>> -> memref<10240x128xf32, #tpu.memory_space<hbm>>
      %dma_wait3A_160 = arith.constant 0 : i32
      %dma_wait3A_161 = tpu.memref_slice %dma_wait3A_159[%add3A_131, %dma_wait3A_160] : memref<10240x128xf32, #tpu.memory_space<hbm>> -> memref<128x128xf32, #tpu.memory_space<hbm>>
      %dma_wait3A_162 = arith.constant 0 : i32
      %dma_wait3A_163 = arith.constant 0 : i32
      %dma_wait3A_164 = tpu.memref_slice %arg5[%arg0, %dma_wait3A_162, %dma_wait3A_163] : memref<2x10240x128xf32, #tpu.memory_space<hbm>> -> memref<1x10240x128xf32, #tpu.memory_space<hbm>>
      %dma_wait3A_165 = tpu.memref_squeeze %dma_wait3A_164 : memref<1x10240x128xf32, #tpu.memory_space<hbm>> -> memref<10240x128xf32, #tpu.memory_space<hbm>>
      %dma_wait3A_166 = arith.constant 0 : i32
      %dma_wait3A_167 = tpu.memref_slice %dma_wait3A_165[%add3A_131, %dma_wait3A_166] : memref<10240x128xf32, #tpu.memory_space<hbm>> -> memref<128x128xf32, #tpu.memory_space<hbm>>
      tpu.wait_dma2 semaphore(%run_scoped3A : memref<!tpu.dma_semaphore, #tpu.memory_space<semaphore_mem>>) src(%arg9 : memref<128x128xf32, #tpu.memory_space<vmem>>) dst(%dma_wait3A_167 : memref<128x128xf32, #tpu.memory_space<hbm>>)
      tpu.yield
    }) : () -> ()
    %mul3A_132 = arith.constant 640 : i32
    %mul3A_133 = arith.muli %arg1, %mul3A_132 : i32
    %add3A_134 = arith.constant 512 : i32
    %add3A_135 = arith.addi %mul3A_133, %add3A_134 : i32
    %dma_wait3A_136 = arith.constant 0 : i32
    %dma_wait3A_137 = tpu.memref_slice %arg11[%add3A_135, %dma_wait3A_136] : memref<10240x128xf32, #tpu.memory_space<vmem_shared>> -> memref<128x128xf32, #tpu.memory_space<vmem_shared>>
    %dma_wait3A_138 = arith.constant 0 : i32
    %dma_wait3A_139 = tpu.memref_slice %arg11[%add3A_135, %dma_wait3A_138] : memref<10240x128xf32, #tpu.memory_space<vmem_shared>> -> memref<128x128xf32, #tpu.memory_space<vmem_shared>>
    tpu.wait_dma2 semaphore(%arg12 : memref<!tpu.dma_semaphore, #tpu.memory_space<semaphore_mem>>) src(%dma_wait3A_139 : memref<128x128xf32, #tpu.memory_space<vmem_shared>>) dst(%arg8 : memref<128x128xf32, #tpu.memory_space<vmem>>)
    %mul3A_140 = arith.constant 640 : i32
    %mul3A_141 = arith.muli %arg1, %mul3A_140 : i32
    %add3A_142 = arith.constant 512 : i32
    %add3A_143 = arith.addi %mul3A_141, %add3A_142 : i32
    "tpu.region"() ({
      %run_scoped3A = tpu.sem_alloc : memref<!tpu.dma_semaphore, #tpu.memory_space<semaphore_mem>>
      %dma_start3A_144 = arith.constant 0 : i32
      %dma_start3A_145 = arith.constant 0 : i32
      %dma_start3A_146 = tpu.memref_slice %arg5[%arg0, %dma_start3A_144, %dma_start3A_145] : memref<2x10240x128xf32, #tpu.memory_space<hbm>> -> memref<1x10240x128xf32, #tpu.memory_space<hbm>>
      %dma_start3A_147 = tpu.memref_squeeze %dma_start3A_146 : memref<1x10240x128xf32, #tpu.memory_space<hbm>> -> memref<10240x128xf32, #tpu.memory_space<hbm>>
      %dma_start3A_148 = arith.constant 0 : i32
      %dma_start3A_149 = tpu.memref_slice %dma_start3A_147[%add3A_143, %dma_start3A_148] : memref<10240x128xf32, #tpu.memory_space<hbm>> -> memref<128x128xf32, #tpu.memory_space<hbm>>
      %dma_start3A_150 = arith.constant 0 : i32
      %dma_start3A_151 = arith.constant 0 : i32
      %dma_start3A_152 = tpu.memref_slice %arg5[%arg0, %dma_start3A_150, %dma_start3A_151] : memref<2x10240x128xf32, #tpu.memory_space<hbm>> -> memref<1x10240x128xf32, #tpu.memory_space<hbm>>
      %dma_start3A_153 = tpu.memref_squeeze %dma_start3A_152 : memref<1x10240x128xf32, #tpu.memory_space<hbm>> -> memref<10240x128xf32, #tpu.memory_space<hbm>>
      %dma_start3A_154 = arith.constant 0 : i32
      %dma_start3A_155 = tpu.memref_slice %dma_start3A_153[%add3A_143, %dma_start3A_154] : memref<10240x128xf32, #tpu.memory_space<hbm>> -> memref<128x128xf32, #tpu.memory_space<hbm>>
      tpu.enqueue_dma source(%arg8 : memref<128x128xf32, #tpu.memory_space<vmem>>) target(%dma_start3A_155 : memref<128x128xf32, #tpu.memory_space<hbm>>) target_semaphore(%run_scoped3A : memref<!tpu.dma_semaphore, #tpu.memory_space<semaphore_mem>>)
      %dma_wait3A_156 = arith.constant 0 : i32
      %dma_wait3A_157 = arith.constant 0 : i32
      %dma_wait3A_158 = tpu.memref_slice %arg5[%arg0, %dma_wait3A_156, %dma_wait3A_157] : memref<2x10240x128xf32, #tpu.memory_space<hbm>> -> memref<1x10240x128xf32, #tpu.memory_space<hbm>>
      %dma_wait3A_159 = tpu.memref_squeeze %dma_wait3A_158 : memref<1x10240x128xf32, #tpu.memory_space<hbm>> -> memref<10240x128xf32, #tpu.memory_space<hbm>>
      %dma_wait3A_160 = arith.constant 0 : i32
      %dma_wait3A_161 = tpu.memref_slice %dma_wait3A_159[%add3A_143, %dma_wait3A_160] : memref<10240x128xf32, #tpu.memory_space<hbm>> -> memref<128x128xf32, #tpu.memory_space<hbm>>
      %dma_wait3A_162 = arith.constant 0 : i32
      %dma_wait3A_163 = arith.constant 0 : i32
      %dma_wait3A_164 = tpu.memref_slice %arg5[%arg0, %dma_wait3A_162, %dma_wait3A_163] : memref<2x10240x128xf32, #tpu.memory_space<hbm>> -> memref<1x10240x128xf32, #tpu.memory_space<hbm>>
      %dma_wait3A_165 = tpu.memref_squeeze %dma_wait3A_164 : memref<1x10240x128xf32, #tpu.memory_space<hbm>> -> memref<10240x128xf32, #tpu.memory_space<hbm>>
      %dma_wait3A_166 = arith.constant 0 : i32
      %dma_wait3A_167 = tpu.memref_slice %dma_wait3A_165[%add3A_143, %dma_wait3A_166] : memref<10240x128xf32, #tpu.memory_space<hbm>> -> memref<128x128xf32, #tpu.memory_space<hbm>>
      tpu.wait_dma2 semaphore(%run_scoped3A : memref<!tpu.dma_semaphore, #tpu.memory_space<semaphore_mem>>) src(%arg8 : memref<128x128xf32, #tpu.memory_space<vmem>>) dst(%dma_wait3A_167 : memref<128x128xf32, #tpu.memory_space<hbm>>)
      tpu.yield
    }) : () -> ()
    return
  }
}

module attributes {stable_mosaic.version = 14 : i64} {
  func.func @_mm1_body(%arg0: i32, %arg1: memref<1000x256xf32, #tpu.memory_space<vmem>>, %arg2: memref<256x256xf32, #tpu.memory_space<vmem>>, %arg3: memref<2x1x1x1000xf32, #tpu.memory_space<vmem>>, %arg4: memref<2x1000x128xf32, #tpu.memory_space<vmem>>) attributes {dimension_semantics = [#tpu.dimension_semantics<arbitrary>], iteration_bounds = array<i64: 10>, scalar_prefetch = 0 : i64, scratch_operands = 0 : i64, tpu.core_type = #tpu.core_type<tc>, window_params = [{transform_indices = @transform_0, window_bounds = array<i64: 1000, 256>}, {pipeline_mode = #tpu.pipeline_mode<synchronous>, transform_indices = @transform_1, window_bounds = array<i64: 256, 256>}, {transform_indices = @transform_2, window_bounds = array<i64: 2, 1, 1, 1000>}, {transform_indices = @transform_3, window_bounds = array<i64: 2, 1000, 128>}]} {
    %get3A = arith.constant 0 : index
    %get3A_0 = arith.constant 0 : index
    %get3A_1 = arith.constant 0 : index
    %get3A_2 = arith.constant 0 : index
    %get3A_3 = vector.load %arg3[%get3A, %get3A_0, %get3A_1, %get3A_2] : memref<2x1x1x1000xf32, #tpu.memory_space<vmem>>, vector<1x1x1x1000xf32>
    %get3A_4 = vector.shape_cast %get3A_3 : vector<1x1x1x1000xf32> to vector<1x1000xf32>
    %get3A_5 = arith.constant 1 : index
    %get3A_6 = arith.constant 0 : index
    %get3A_7 = arith.constant 0 : index
    %get3A_8 = arith.constant 0 : index
    %get3A_9 = vector.load %arg3[%get3A_5, %get3A_6, %get3A_7, %get3A_8] : memref<2x1x1x1000xf32, #tpu.memory_space<vmem>>, vector<1x1x1x1000xf32>
    %get3A_10 = vector.shape_cast %get3A_9 : vector<1x1x1x1000xf32> to vector<1x1000xf32>
    %add3A = arith.addf %get3A_4, %get3A_10 : vector<1x1000xf32>
    %add3A_11 = arith.constant 1.000000e+00 : f32
    %add3A_12 = vector.broadcast %add3A_11 : f32 to vector<1x1000xf32>
    %add3A_13 = arith.addf %add3A, %add3A_12 : vector<1x1000xf32>
    %max3A = arith.constant 9.99999996E-13 : f32
    %max3A_14 = vector.broadcast %max3A : f32 to vector<1x1000xf32>
    %max3A_15 = arith.maximumf %add3A_13, %max3A_14 : vector<1x1000xf32>
    %rsqrt3A = math.rsqrt %max3A_15 : vector<1x1000xf32>
    %transpose3A = tpu.transpose %rsqrt3A, [1, 0] : vector<1x1000xf32> -> vector<1000x1xf32>
    %get3A_16 = arith.constant 0 : index
    %get3A_17 = arith.constant 0 : index
    %get3A_18 = vector.load %arg1[%get3A_16, %get3A_17] : memref<1000x256xf32, #tpu.memory_space<vmem>>, vector<1000x256xf32>
    %get3A_19 = arith.constant 0 : index
    %get3A_20 = arith.constant 0 : index
    %get3A_21 = vector.load %arg2[%get3A_19, %get3A_20] : memref<256x256xf32, #tpu.memory_space<vmem>>, vector<256x256xf32>
    %dot_general3A = arith.constant dense<0.000000e+00> : vector<1000x256xf32>
    %dot_general3A_22 = tpu.matmul %get3A_18, %get3A_21, %dot_general3A {dimension_numbers = #tpu.dot_dimension_numbers<[1], [0], [0], [1], [0, 0, 1, 1], [], []>, transpose_lhs_hint = false} : vector<1000x256xf32>, vector<256x256xf32>, vector<1000x256xf32> -> vector<1000x256xf32>
    %mul3A = vector.broadcast %transpose3A : vector<1000x1xf32> to vector<1000x256xf32>
    %mul3A_23 = arith.mulf %dot_general3A_22, %mul3A : vector<1000x256xf32>
    %slice3A = vector.extract_strided_slice %mul3A_23 {offsets = [0, 0], sizes = [1000, 128], strides = [1, 1]} : vector<1000x256xf32> to vector<1000x128xf32>
    %swap3A = arith.constant 0 : index
    %swap3A_24 = arith.constant 0 : index
    %swap3A_25 = arith.constant 0 : index
    %swap3A_26 = vector.load %arg4[%swap3A, %swap3A_24, %swap3A_25] : memref<2x1000x128xf32, #tpu.memory_space<vmem>>, vector<1x1000x128xf32>
    %swap3A_27 = vector.shape_cast %swap3A_26 : vector<1x1000x128xf32> to vector<1000x128xf32>
    %swap3A_28 = vector.shape_cast %slice3A : vector<1000x128xf32> to vector<1x1000x128xf32>
    tpu.vector_store %arg4[%swap3A, %swap3A_24, %swap3A_25], %swap3A_28 {strides = array<i32>} : memref<2x1000x128xf32, #tpu.memory_space<vmem>>, vector<1x1000x128xf32>,
    %slice3A_29 = vector.extract_strided_slice %mul3A_23 {offsets = [0, 128], sizes = [1000, 128], strides = [1, 1]} : vector<1000x256xf32> to vector<1000x128xf32>
    %swap3A_30 = arith.constant 1 : index
    %swap3A_31 = arith.constant 0 : index
    %swap3A_32 = arith.constant 0 : index
    %swap3A_33 = vector.load %arg4[%swap3A_30, %swap3A_31, %swap3A_32] : memref<2x1000x128xf32, #tpu.memory_space<vmem>>, vector<1x1000x128xf32>
    %swap3A_34 = vector.shape_cast %swap3A_33 : vector<1x1000x128xf32> to vector<1000x128xf32>
    %swap3A_35 = vector.shape_cast %slice3A_29 : vector<1000x128xf32> to vector<1x1000x128xf32>
    tpu.vector_store %arg4[%swap3A_30, %swap3A_31, %swap3A_32], %swap3A_35 {strides = array<i32>} : memref<2x1000x128xf32, #tpu.memory_space<vmem>>, vector<1x1000x128xf32>,
    return
  }
  func.func @transform_0(%arg0: i32) -> (i32, i32) {
    %c0_i32 = arith.constant 0 : i32
    %c0_i32_0 = arith.constant 0 : i32
    return %arg0, %c0_i32 : i32, i32
  }
  func.func @transform_1(%arg0: i32) -> (i32, i32) {
    %c0_i32 = arith.constant 0 : i32
    %c0_i32_0 = arith.constant 0 : i32
    %c0_i32_1 = arith.constant 0 : i32
    return %c0_i32, %c0_i32_0 : i32, i32
  }
  func.func @transform_2(%arg0: i32) -> (i32, i32, i32, i32) {
    %c0_i32 = arith.constant 0 : i32
    %c0_i32_0 = arith.constant 0 : i32
    %c0_i32_1 = arith.constant 0 : i32
    %c0_i32_2 = arith.constant 0 : i32
    return %c0_i32, %arg0, %c0_i32_0, %c0_i32_1 : i32, i32, i32, i32
  }
  func.func @transform_3(%arg0: i32) -> (i32, i32, i32) {
    %c0_i32 = arith.constant 0 : i32
    %c0_i32_0 = arith.constant 0 : i32
    %c0_i32_1 = arith.constant 0 : i32
    return %c0_i32, %arg0, %c0_i32_0 : i32, i32, i32
  }
}

module attributes {stable_mosaic.version = 14 : i64} {
  func.func @_mm2_body(%arg0: i32, %arg1: memref<2x1000x128xf32, #tpu.memory_space<vmem>>, %arg2: memref<2x1000x128xf32, #tpu.memory_space<vmem>>, %arg3: memref<2x1x1x1000xf32, #tpu.memory_space<vmem>>, %arg4: memref<1x256xf32, #tpu.memory_space<vmem>>, %arg5: memref<256x256xf32, #tpu.memory_space<vmem>>, %arg6: memref<2x1000x128xf32, #tpu.memory_space<vmem>>) attributes {dimension_semantics = [#tpu.dimension_semantics<arbitrary>], iteration_bounds = array<i64: 10>, scalar_prefetch = 0 : i64, scratch_operands = 0 : i64, tpu.core_type = #tpu.core_type<tc>, window_params = [{transform_indices = @transform_0, window_bounds = array<i64: 2, 1000, 128>}, {transform_indices = @transform_1, window_bounds = array<i64: 2, 1000, 128>}, {transform_indices = @transform_2, window_bounds = array<i64: 2, 1, 1, 1000>}, {pipeline_mode = #tpu.pipeline_mode<synchronous>, transform_indices = @transform_3, window_bounds = array<i64: 1, 256>}, {pipeline_mode = #tpu.pipeline_mode<synchronous>, transform_indices = @transform_4, window_bounds = array<i64: 256, 256>}, {transform_indices = @transform_5, window_bounds = array<i64: 2, 1000, 128>}]} {
    %get3A = arith.constant 0 : index
    %get3A_0 = arith.constant 0 : index
    %get3A_1 = arith.constant 0 : index
    %get3A_2 = arith.constant 0 : index
    %get3A_3 = vector.load %arg3[%get3A, %get3A_0, %get3A_1, %get3A_2] : memref<2x1x1x1000xf32, #tpu.memory_space<vmem>>, vector<1x1x1x1000xf32>
    %get3A_4 = vector.shape_cast %get3A_3 : vector<1x1x1x1000xf32> to vector<1x1000xf32>
    %get3A_5 = arith.constant 1 : index
    %get3A_6 = arith.constant 0 : index
    %get3A_7 = arith.constant 0 : index
    %get3A_8 = arith.constant 0 : index
    %get3A_9 = vector.load %arg3[%get3A_5, %get3A_6, %get3A_7, %get3A_8] : memref<2x1x1x1000xf32, #tpu.memory_space<vmem>>, vector<1x1x1x1000xf32>
    %get3A_10 = vector.shape_cast %get3A_9 : vector<1x1x1x1000xf32> to vector<1x1000xf32>
    %add3A = arith.addf %get3A_4, %get3A_10 : vector<1x1000xf32>
    %add3A_11 = arith.constant 1.000000e+00 : f32
    %add3A_12 = vector.broadcast %add3A_11 : f32 to vector<1x1000xf32>
    %add3A_13 = arith.addf %add3A, %add3A_12 : vector<1x1000xf32>
    %max3A = arith.constant 9.99999996E-13 : f32
    %max3A_14 = vector.broadcast %max3A : f32 to vector<1x1000xf32>
    %max3A_15 = arith.maximumf %add3A_13, %max3A_14 : vector<1x1000xf32>
    %rsqrt3A = math.rsqrt %max3A_15 : vector<1x1000xf32>
    %transpose3A = tpu.transpose %rsqrt3A, [1, 0] : vector<1x1000xf32> -> vector<1000x1xf32>
    %get3A_16 = arith.constant 0 : index
    %get3A_17 = arith.constant 0 : index
    %get3A_18 = arith.constant 0 : index
    %get3A_19 = vector.load %arg1[%get3A_16, %get3A_17, %get3A_18] : memref<2x1000x128xf32, #tpu.memory_space<vmem>>, vector<1x1000x128xf32>
    %get3A_20 = vector.shape_cast %get3A_19 : vector<1x1000x128xf32> to vector<1000x128xf32>
    %get3A_21 = arith.constant 1 : index
    %get3A_22 = arith.constant 0 : index
    %get3A_23 = arith.constant 0 : index
    %get3A_24 = vector.load %arg1[%get3A_21, %get3A_22, %get3A_23] : memref<2x1000x128xf32, #tpu.memory_space<vmem>>, vector<1x1000x128xf32>
    %get3A_25 = vector.shape_cast %get3A_24 : vector<1x1000x128xf32> to vector<1000x128xf32>
    %concatenate3A = tpu.concatenate %get3A_20, %get3A_25 in 1 : vector<1000x128xf32>, vector<1000x128xf32> -> vector<1000x256xf32>
    %get3A_26 = arith.constant 0 : index
    %get3A_27 = arith.constant 0 : index
    %get3A_28 = arith.constant 0 : index
    %get3A_29 = vector.load %arg2[%get3A_26, %get3A_27, %get3A_28] : memref<2x1000x128xf32, #tpu.memory_space<vmem>>, vector<1x1000x128xf32>
    %get3A_30 = vector.shape_cast %get3A_29 : vector<1x1000x128xf32> to vector<1000x128xf32>
    %get3A_31 = arith.constant 1 : index
    %get3A_32 = arith.constant 0 : index
    %get3A_33 = arith.constant 0 : index
    %get3A_34 = vector.load %arg2[%get3A_31, %get3A_32, %get3A_33] : memref<2x1000x128xf32, #tpu.memory_space<vmem>>, vector<1x1000x128xf32>
    %get3A_35 = vector.shape_cast %get3A_34 : vector<1x1000x128xf32> to vector<1000x128xf32>
    %concatenate3A_36 = tpu.concatenate %get3A_30, %get3A_35 in 1 : vector<1000x128xf32>, vector<1000x128xf32> -> vector<1000x256xf32>
    %add3A_37 = arith.addf %concatenate3A, %concatenate3A_36 : vector<1000x256xf32>
    %mul3A = vector.broadcast %transpose3A : vector<1000x1xf32> to vector<1000x256xf32>
    %mul3A_38 = arith.mulf %mul3A, %add3A_37 : vector<1000x256xf32>
    %get3A_39 = arith.constant 0 : index
    %get3A_40 = arith.constant 0 : index
    %get3A_41 = vector.load %arg4[%get3A_39, %get3A_40] : memref<1x256xf32, #tpu.memory_space<vmem>>, vector<1x256xf32>
    %add3A_42 = vector.broadcast %get3A_41 : vector<1x256xf32> to vector<1000x256xf32>
    %add3A_43 = arith.addf %mul3A_38, %add3A_42 : vector<1000x256xf32>
    %max3A_44 = arith.constant 0.000000e+00 : f32
    %max3A_45 = vector.broadcast %max3A_44 : f32 to vector<1000x256xf32>
    %max3A_46 = arith.maximumf %add3A_43, %max3A_45 : vector<1000x256xf32>
    %get3A_47 = arith.constant 0 : index
    %get3A_48 = arith.constant 0 : index
    %get3A_49 = vector.load %arg5[%get3A_47, %get3A_48] : memref<256x256xf32, #tpu.memory_space<vmem>>, vector<256x256xf32>
    %dot_general3A = arith.constant dense<0.000000e+00> : vector<1000x256xf32>
    %dot_general3A_50 = tpu.matmul %max3A_46, %get3A_49, %dot_general3A {dimension_numbers = #tpu.dot_dimension_numbers<[1], [0], [0], [1], [0, 0, 1, 1], [], []>, transpose_lhs_hint = false} : vector<1000x256xf32>, vector<256x256xf32>, vector<1000x256xf32> -> vector<1000x256xf32>
    %mul3A_51 = vector.broadcast %transpose3A : vector<1000x1xf32> to vector<1000x256xf32>
    %mul3A_52 = arith.mulf %dot_general3A_50, %mul3A_51 : vector<1000x256xf32>
    %slice3A = vector.extract_strided_slice %mul3A_52 {offsets = [0, 0], sizes = [1000, 128], strides = [1, 1]} : vector<1000x256xf32> to vector<1000x128xf32>
    %swap3A = arith.constant 0 : index
    %swap3A_53 = arith.constant 0 : index
    %swap3A_54 = arith.constant 0 : index
    %swap3A_55 = vector.load %arg6[%swap3A, %swap3A_53, %swap3A_54] : memref<2x1000x128xf32, #tpu.memory_space<vmem>>, vector<1x1000x128xf32>
    %swap3A_56 = vector.shape_cast %swap3A_55 : vector<1x1000x128xf32> to vector<1000x128xf32>
    %swap3A_57 = vector.shape_cast %slice3A : vector<1000x128xf32> to vector<1x1000x128xf32>
    tpu.vector_store %arg6[%swap3A, %swap3A_53, %swap3A_54], %swap3A_57 {strides = array<i32>} : memref<2x1000x128xf32, #tpu.memory_space<vmem>>, vector<1x1000x128xf32>,
    %slice3A_58 = vector.extract_strided_slice %mul3A_52 {offsets = [0, 128], sizes = [1000, 128], strides = [1, 1]} : vector<1000x256xf32> to vector<1000x128xf32>
    %swap3A_59 = arith.constant 1 : index
    %swap3A_60 = arith.constant 0 : index
    %swap3A_61 = arith.constant 0 : index
    %swap3A_62 = vector.load %arg6[%swap3A_59, %swap3A_60, %swap3A_61] : memref<2x1000x128xf32, #tpu.memory_space<vmem>>, vector<1x1000x128xf32>
    %swap3A_63 = vector.shape_cast %swap3A_62 : vector<1x1000x128xf32> to vector<1000x128xf32>
    %swap3A_64 = vector.shape_cast %slice3A_58 : vector<1000x128xf32> to vector<1x1000x128xf32>
    tpu.vector_store %arg6[%swap3A_59, %swap3A_60, %swap3A_61], %swap3A_64 {strides = array<i32>} : memref<2x1000x128xf32, #tpu.memory_space<vmem>>, vector<1x1000x128xf32>,
    return
  }
  func.func @transform_0(%arg0: i32) -> (i32, i32, i32) {
    %c0_i32 = arith.constant 0 : i32
    %c0_i32_0 = arith.constant 0 : i32
    %c0_i32_1 = arith.constant 0 : i32
    return %c0_i32, %arg0, %c0_i32_0 : i32, i32, i32
  }
  func.func @transform_1(%arg0: i32) -> (i32, i32, i32) {
    %c0_i32 = arith.constant 0 : i32
    %c0_i32_0 = arith.constant 0 : i32
    %c0_i32_1 = arith.constant 0 : i32
    return %c0_i32, %arg0, %c0_i32_0 : i32, i32, i32
  }
  func.func @transform_2(%arg0: i32) -> (i32, i32, i32, i32) {
    %c0_i32 = arith.constant 0 : i32
    %c0_i32_0 = arith.constant 0 : i32
    %c0_i32_1 = arith.constant 0 : i32
    %c0_i32_2 = arith.constant 0 : i32
    return %c0_i32, %arg0, %c0_i32_0, %c0_i32_1 : i32, i32, i32, i32
  }
  func.func @transform_3(%arg0: i32) -> (i32, i32) {
    %c0_i32 = arith.constant 0 : i32
    %c0_i32_0 = arith.constant 0 : i32
    %c0_i32_1 = arith.constant 0 : i32
    return %c0_i32, %c0_i32_0 : i32, i32
  }
  func.func @transform_4(%arg0: i32) -> (i32, i32) {
    %c0_i32 = arith.constant 0 : i32
    %c0_i32_0 = arith.constant 0 : i32
    %c0_i32_1 = arith.constant 0 : i32
    return %c0_i32, %c0_i32_0 : i32, i32
  }
  func.func @transform_5(%arg0: i32) -> (i32, i32, i32) {
    %c0_i32 = arith.constant 0 : i32
    %c0_i32_0 = arith.constant 0 : i32
    %c0_i32_1 = arith.constant 0 : i32
    return %c0_i32, %arg0, %c0_i32_0 : i32, i32, i32
  }
}

module attributes {stable_mosaic.version = 14 : i64} {
  func.func @_mm3_body(%arg0: i32, %arg1: memref<2x1000x128xf32, #tpu.memory_space<vmem>>, %arg2: memref<2x1000x128xf32, #tpu.memory_space<vmem>>, %arg3: memref<2x1x1x1000xf32, #tpu.memory_space<vmem>>, %arg4: memref<1x256xf32, #tpu.memory_space<vmem>>, %arg5: memref<1000x256xf32, #tpu.memory_space<vmem>>) attributes {dimension_semantics = [#tpu.dimension_semantics<arbitrary>], iteration_bounds = array<i64: 10>, scalar_prefetch = 0 : i64, scratch_operands = 0 : i64, tpu.core_type = #tpu.core_type<tc>, window_params = [{transform_indices = @transform_0, window_bounds = array<i64: 2, 1000, 128>}, {transform_indices = @transform_1, window_bounds = array<i64: 2, 1000, 128>}, {transform_indices = @transform_2, window_bounds = array<i64: 2, 1, 1, 1000>}, {pipeline_mode = #tpu.pipeline_mode<synchronous>, transform_indices = @transform_3, window_bounds = array<i64: 1, 256>}, {transform_indices = @transform_4, window_bounds = array<i64: 1000, 256>}]} {
    %get3A = arith.constant 0 : index
    %get3A_0 = arith.constant 0 : index
    %get3A_1 = arith.constant 0 : index
    %get3A_2 = arith.constant 0 : index
    %get3A_3 = vector.load %arg3[%get3A, %get3A_0, %get3A_1, %get3A_2] : memref<2x1x1x1000xf32, #tpu.memory_space<vmem>>, vector<1x1x1x1000xf32>
    %get3A_4 = vector.shape_cast %get3A_3 : vector<1x1x1x1000xf32> to vector<1x1000xf32>
    %get3A_5 = arith.constant 1 : index
    %get3A_6 = arith.constant 0 : index
    %get3A_7 = arith.constant 0 : index
    %get3A_8 = arith.constant 0 : index
    %get3A_9 = vector.load %arg3[%get3A_5, %get3A_6, %get3A_7, %get3A_8] : memref<2x1x1x1000xf32, #tpu.memory_space<vmem>>, vector<1x1x1x1000xf32>
    %get3A_10 = vector.shape_cast %get3A_9 : vector<1x1x1x1000xf32> to vector<1x1000xf32>
    %add3A = arith.addf %get3A_4, %get3A_10 : vector<1x1000xf32>
    %add3A_11 = arith.constant 1.000000e+00 : f32
    %add3A_12 = vector.broadcast %add3A_11 : f32 to vector<1x1000xf32>
    %add3A_13 = arith.addf %add3A, %add3A_12 : vector<1x1000xf32>
    %max3A = arith.constant 9.99999996E-13 : f32
    %max3A_14 = vector.broadcast %max3A : f32 to vector<1x1000xf32>
    %max3A_15 = arith.maximumf %add3A_13, %max3A_14 : vector<1x1000xf32>
    %rsqrt3A = math.rsqrt %max3A_15 : vector<1x1000xf32>
    %transpose3A = tpu.transpose %rsqrt3A, [1, 0] : vector<1x1000xf32> -> vector<1000x1xf32>
    %get3A_16 = arith.constant 0 : index
    %get3A_17 = arith.constant 0 : index
    %get3A_18 = arith.constant 0 : index
    %get3A_19 = vector.load %arg1[%get3A_16, %get3A_17, %get3A_18] : memref<2x1000x128xf32, #tpu.memory_space<vmem>>, vector<1x1000x128xf32>
    %get3A_20 = vector.shape_cast %get3A_19 : vector<1x1000x128xf32> to vector<1000x128xf32>
    %get3A_21 = arith.constant 1 : index
    %get3A_22 = arith.constant 0 : index
    %get3A_23 = arith.constant 0 : index
    %get3A_24 = vector.load %arg1[%get3A_21, %get3A_22, %get3A_23] : memref<2x1000x128xf32, #tpu.memory_space<vmem>>, vector<1x1000x128xf32>
    %get3A_25 = vector.shape_cast %get3A_24 : vector<1x1000x128xf32> to vector<1000x128xf32>
    %concatenate3A = tpu.concatenate %get3A_20, %get3A_25 in 1 : vector<1000x128xf32>, vector<1000x128xf32> -> vector<1000x256xf32>
    %get3A_26 = arith.constant 0 : index
    %get3A_27 = arith.constant 0 : index
    %get3A_28 = arith.constant 0 : index
    %get3A_29 = vector.load %arg2[%get3A_26, %get3A_27, %get3A_28] : memref<2x1000x128xf32, #tpu.memory_space<vmem>>, vector<1x1000x128xf32>
    %get3A_30 = vector.shape_cast %get3A_29 : vector<1x1000x128xf32> to vector<1000x128xf32>
    %get3A_31 = arith.constant 1 : index
    %get3A_32 = arith.constant 0 : index
    %get3A_33 = arith.constant 0 : index
    %get3A_34 = vector.load %arg2[%get3A_31, %get3A_32, %get3A_33] : memref<2x1000x128xf32, #tpu.memory_space<vmem>>, vector<1x1000x128xf32>
    %get3A_35 = vector.shape_cast %get3A_34 : vector<1x1000x128xf32> to vector<1000x128xf32>
    %concatenate3A_36 = tpu.concatenate %get3A_30, %get3A_35 in 1 : vector<1000x128xf32>, vector<1000x128xf32> -> vector<1000x256xf32>
    %add3A_37 = arith.addf %concatenate3A, %concatenate3A_36 : vector<1000x256xf32>
    %mul3A = vector.broadcast %transpose3A : vector<1000x1xf32> to vector<1000x256xf32>
    %mul3A_38 = arith.mulf %mul3A, %add3A_37 : vector<1000x256xf32>
    %get3A_39 = arith.constant 0 : index
    %get3A_40 = arith.constant 0 : index
    %get3A_41 = vector.load %arg4[%get3A_39, %get3A_40] : memref<1x256xf32, #tpu.memory_space<vmem>>, vector<1x256xf32>
    %add3A_42 = vector.broadcast %get3A_41 : vector<1x256xf32> to vector<1000x256xf32>
    %add3A_43 = arith.addf %mul3A_38, %add3A_42 : vector<1000x256xf32>
    %max3A_44 = arith.constant 0.000000e+00 : f32
    %max3A_45 = vector.broadcast %max3A_44 : f32 to vector<1000x256xf32>
    %max3A_46 = arith.maximumf %add3A_43, %max3A_45 : vector<1000x256xf32>
    %swap3A = arith.constant 0 : index
    %swap3A_47 = arith.constant 0 : index
    %swap3A_48 = vector.load %arg5[%swap3A, %swap3A_47] : memref<1000x256xf32, #tpu.memory_space<vmem>>, vector<1000x256xf32>
    tpu.vector_store %arg5[%swap3A, %swap3A_47], %max3A_46 {strides = array<i32>} : memref<1000x256xf32, #tpu.memory_space<vmem>>, vector<1000x256xf32>,
    return
  }
  func.func @transform_0(%arg0: i32) -> (i32, i32, i32) {
    %c0_i32 = arith.constant 0 : i32
    %c0_i32_0 = arith.constant 0 : i32
    %c0_i32_1 = arith.constant 0 : i32
    return %c0_i32, %arg0, %c0_i32_0 : i32, i32, i32
  }
  func.func @transform_1(%arg0: i32) -> (i32, i32, i32) {
    %c0_i32 = arith.constant 0 : i32
    %c0_i32_0 = arith.constant 0 : i32
    %c0_i32_1 = arith.constant 0 : i32
    return %c0_i32, %arg0, %c0_i32_0 : i32, i32, i32
  }
  func.func @transform_2(%arg0: i32) -> (i32, i32, i32, i32) {
    %c0_i32 = arith.constant 0 : i32
    %c0_i32_0 = arith.constant 0 : i32
    %c0_i32_1 = arith.constant 0 : i32
    %c0_i32_2 = arith.constant 0 : i32
    return %c0_i32, %arg0, %c0_i32_0, %c0_i32_1 : i32, i32, i32, i32
  }
  func.func @transform_3(%arg0: i32) -> (i32, i32) {
    %c0_i32 = arith.constant 0 : i32
    %c0_i32_0 = arith.constant 0 : i32
    %c0_i32_1 = arith.constant 0 : i32
    return %c0_i32, %c0_i32_0 : i32, i32
  }
  func.func @transform_4(%arg0: i32) -> (i32, i32) {
    %c0_i32 = arith.constant 0 : i32
    %c0_i32_0 = arith.constant 0 : i32
    return %arg0, %c0_i32 : i32, i32
  }
}

</mosaic_0001>

<sc_bundles>
// kernel: kernel.11.cloned.1.call-start
scs
__scs_entry_jumppad:
0x0: {  	(pc) =	sbr.rel $0x88, $3  }
0x1: {  	(tag) =	ssettag $0x0;
	lr =	simm.s32 $0x1  }
0x2: {  	[smem:$0x3F9B] =	sst lr;
	_ =	strace $0xD0000000  }
0x3: {  	_ = 	snop  }
0x4: {  	_ = 	snop  }
0x5: {  	_ = 	snop  }
0x6: {  	_ = 	snop  }
0x7: {  	_ = 	snop  }
__scs_overlays_trampoline_lowered:
0x8: {  	[smem:$0x3FAA] =	sst s0  }
0x9: {  	[smem:$0x3FAB] =	sst s1  }
0xa: {  	[smem:$0x3FAC] =	sst s2  }
0xb: {  	[smem:$0x3FAD] =	sst s3  }
0xc: {  	[smem:$0x3FAE] =	sst s4  }
0xd: {  	[smem:$0x3FAF] =	sst s5  }
0xe: {  	[smem:$0x3FB0] =	sst s6  }
0xf: {  	[smem:$0x3FB1] =	sst s7  }
0x10: {  	[smem:$0x3FB2] =	sst s8  }
0x11: {  	[smem:$0x3FB3] =	sst s9;
	s0 =	simm.s32 @!p0 $0x0  }
0x12: {  	s1 =	sld [smem:$0x3F99];
	s0 =	simm.s32 @p0 $0x1  }
0x13: {  	[smem:$0x3FB4] =	sst s0;
	s0 =	simm.s32 @!p1 $0x0  }
0x14: {  	s2 =	sld [smem:$0x3F98];
	s0 =	simm.s32 @p1 $0x1  }
0x15: {  	[smem:$0x3FB5] =	sst s0;
	s0 =	simm.s32 @!p2 $0x0  }
0x16: {  	s3 =	sld [smem:$0x3FDB];
	s0 =	simm.s32 @p2 $0x1  }
0x17: {  	s4 =	simm.s32 $0x1BF5;
	[smem:$0x3FB7] =	sst s0  }
0x18: {  	s0 =	sld [smem:$0x3F9A];
	_ =	swait.ge [sflag:s4], $0x0  }
0x19: {  	s7 =	sld [smem:$0x3F9B]  }
0x1a: {  	s8 =	sadd.s32 $0xFFFFE003, lr  }
0x1b: {  	s9 =	sadd.s32 $0xFFFFFEF7, lr;
	s5 =	simm.s32 $0xFFFFFFFF;
	p2 =	slt.u32 s8, $0xFFFFF086  }
0x1c: {  	p1 =	slt.u32 s9, $0xF7A;
	s5 =	simm.s32 @!p2 $0x0  }
0x1d: {  	s5 =	simm.s32 @p1 $0x1;
	p0 =	seq.s32 s7, s2  }
0x1e: {  	s7 =	smul.u32 @!p0 $0xF7A, s2;
	p2 =	seq.s32 @!p0 s5, $0x0  }
0x1f: {  	s9 =	smul.u32 $0xF7A, s1;
	s8 =	simm.s32 @!p0 $0x1BF5;
	p2 =	por !p2, p0  }
0x20: {  	[sflag:s8] =	ssyncset.s32 @!p0 $0xFFFFF086;
	s6 =	sadd.s32 @!p0 s3, s7;
	s7 =	simm.s32 @!p0 $0x108  }
0x21: {  	s3 =	sadd.s32 s3, s9;
	s6 =	sadd.s32 @!p0 $0x88, s6;
	s7 =	simm.s32 @p2 $0x1082  }
0x22: {  	[simem:s7], [sflag:s8] =	dma.local @!p0 [hbm:s6], $0xF7A  }
0x23: {  	s9 =	sor.u32 $0xD0000000, s2;
	s6 =	simm.s32 $0x108;
	_ =	swait.ge @!p0 [sflag:s8], $0x0  }
0x24: {  	s3 =	sadd.s32 $0x88, s3;
	s6 =	simm.s32 @!p1 $0x1082;
	[sflag:s4] =	ssyncset.s32 $0xFFFFF086  }
0x25: {  	[simem:s6], [sflag:s4] =	dma.local [hbm:s3], $0xF7A  }
0x26: {  	[smem:$0x3F9B] =	sst s1;
	(tag) =	ssettag s2;
	_ =	strace s9  }
0x27: {  	s1 =	sld [smem:$0x3FAB]  }
0x28: {  	s2 =	sld [smem:$0x3FAC]  }
0x29: {  	s4 =	sld [smem:$0x3FAE]  }
0x2a: {  	p0 =	seq.s32 s5, $0x0;
	s5 =	sld [smem:$0x3FAF]  }
0x2b: {  	s6 =	sld [smem:$0x3FB0]  }
0x2c: {  	s7 =	sld [smem:$0x3FB1]  }
0x2d: {  	s3 =	simm.s32 $0x108;
	s8 =	sld [smem:$0x3FB2]  }
0x2e: {  	s3 =	simm.s32 @!p0 $0x1082;
	s9 =	sld [smem:$0x3FB3]  }
0x2f: {  	lr =	sadd.s32 s0, s3;
	s0 =	sld [smem:$0x3FAA]  }
0x30: {  	s3 =	sld [smem:$0x3FAD]  }
0x31: {  	[smem:$0x3FB6] =	sst s10  }
0x32: {  	s10 =	sld [smem:$0x3FB4];
	_ =	sdelay $0x3  }
0x33: {  	p0 =	seq.s32 s10, $0x1;
	s10 =	sld [smem:$0x3FB6];
	_ =	sdelay $0x3  }
0x34: {  	[smem:$0x3FB6] =	sst s10  }
0x35: {  	s10 =	sld [smem:$0x3FB5];
	_ =	sdelay $0x3  }
0x36: {  	p1 =	seq.s32 s10, $0x1;
	s10 =	sld [smem:$0x3FB6];
	_ =	sdelay $0x3  }
0x37: {  	[smem:$0x3FB6] =	sst s10  }
0x38: {  	s10 =	sld [smem:$0x3FB7]  }
0x39: {  	_ = 	snop;
	(pc) =	sbr.ind lr, $3  }
0x3a: {  	_ = 	snop  }
0x3b: {  	_ = 	snop  }
0x3c: {  	p2 =	seq.s32 s10, $0x1;
	s10 =	sld [smem:$0x3FB6]  }
0x3d: {  	_ =	shalt  }
0x3e: {  	_ =	shalt  }
0x3f: {  	_ =	shalt  }
0x40: {  	_ =	shalt  }
0x41: {  	_ =	shalt  }
0x42: {  	_ =	shalt  }
0x43: {  	_ =	shalt  }
0x44: {  	_ =	shalt  }
0x45: {  	_ =	shalt  }
0x46: {  	_ =	shalt  }
0x47: {  	_ =	shalt  }
0x48: {  	_ =	shalt  }
0x49: {  	_ =	shalt  }
0x4a: {  	_ =	shalt  }
0x4b: {  	_ =	shalt  }
0x4c: {  	_ =	shalt  }
0x4d: {  	_ =	shalt  }
0x4e: {  	_ =	shalt  }
0x4f: {  	_ =	shalt  }
0x50: {  	_ =	shalt  }
0x51: {  	_ =	shalt  }
0x52: {  	_ =	shalt  }
0x53: {  	_ =	shalt  }
0x54: {  	_ =	shalt  }
0x55: {  	_ =	shalt  }
0x56: {  	_ =	shalt  }
0x57: {  	_ =	shalt  }
0x58: {  	_ =	shalt  }
0x59: {  	_ =	shalt  }
0x5a: {  	_ =	shalt  }
0x5b: {  	_ =	shalt  }
0x5c: {  	_ =	shalt  }
0x5d: {  	_ =	shalt  }
0x5e: {  	_ =	shalt  }
0x5f: {  	_ =	shalt  }
0x60: {  	_ =	shalt  }
0x61: {  	_ =	shalt  }
0x62: {  	_ =	shalt  }
0x63: {  	_ =	shalt  }
0x64: {  	_ =	shalt  }
0x65: {  	_ =	shalt  }
0x66: {  	_ =	shalt  }
0x67: {  	_ =	shalt  }
0x68: {  	_ =	shalt  }
0x69: {  	_ =	shalt  }
0x6a: {  	_ =	shalt  }
0x6b: {  	_ =	shalt  }
0x6c: {  	_ =	shalt  }
0x6d: {  	_ =	shalt  }
0x6e: {  	_ =	shalt  }
0x6f: {  	_ =	shalt  }
0x70: {  	_ =	shalt  }
0x71: {  	_ =	shalt  }
0x72: {  	_ =	shalt  }
0x73: {  	_ =	shalt  }
0x74: {  	_ =	shalt  }
0x75: {  	_ =	shalt  }
0x76: {  	_ =	shalt  }
0x77: {  	_ =	shalt  }
0x78: {  	_ =	shalt  }
0x79: {  	_ =	shalt  }
0x7a: {  	_ =	shalt  }
0x7b: {  	_ =	shalt  }
0x7c: {  	_ =	shalt  }
0x7d: {  	_ =	shalt  }
0x7e: {  	_ =	shalt  }
0x7f: {  	_ =	shalt  }
0x80: {  	_ =	shalt  }
0x81: {  	_ =	shalt  }
0x82: {  	_ =	shalt  }
0x83: {  	_ =	shalt  }
0x84: {  	_ =	shalt  }
0x85: {  	_ =	shalt  }
0x86: {  	_ =	shalt  }
0x87: {  	_ =	shalt  }
.Lfunc_end0:
.L_simem_size_0:
called_computation.1_lowered:
.L_overlay_start_0:
0x88: {  	s2 =	sld [smem:$0x3FD9]  }
0x89: {  	s3 =	sld [smem:$0x3FFE];
	_ =	sdelay $0x1  }
0x8a: {  	s1 =	srdreg.scid  }
0x8b: {  	s0 =	sand.u32 $0x1, s1  }
0x8c: {  	s17 =	sshll.u32 s0, $0xA;
	s2 =	sadd.s32 s3, s2  }
0x8d: {  	s2 =	sadd.s32 s2, s17  }
0x8e: {  	[smem:$0x3FC2] =	sst s2  }
0x8f: {  	_ = 	snop  }
0x90: {  	s2 =	sld [smem:$0x3FD0];
	(tm) =	ssettm $0x1  }
0x91: {  	s18 =	sld [smem:$0x3FFB];
	_ =	sdelay $0x3  }
0x92: {  	_ =	strace s18  }
0x93: {  	s3 =	sld [smem:$0x3FFC];
	_ =	sdelay $0x3  }
0x94: {  	_ =	strace s3  }
0x95: {  	s3 =	sld [smem:$0x3FFD];
	_ =	sdelay $0x3  }
0x96: {  	_ =	strace s3  }
0x97: {  	_ =	strace $0x8FFFFFFF  }
0x98: {  	s19 =	sld [smem:$0x3FDB];
	_ =	sdelay $0x1  }
0x99: {  	s4 =	simm.s32 $_scs_section_size  }
0x9a: {  	s5 =	simm.s32 $_size__tile_overlayer_lowered;
	s6 =	simm.s32 $_tile_overlayer_lowered  }
0x9b: {  	s22 =	simm.s32 $0x1BFF;
	s21 =	sshll.u32 s6, $0x1;
	s3 =	sadd.s32 s4, s19  }
0x9c: {  	s7 =	simm.s32 $0x0;
	s20 =	sshll.u32 s5, $0x1;
	s5 =	sadd.s32 s21, s3  }
0x9d: {  	[timem:s7], [sflag:s22] =	dma.local [hbm:s5], s20  }
0x9e: {  	_ =	swait.ge [sflag:s22], s20  }
0x9f: {  	s4 =	ssub.s32 $0x0, s20;
	[sflag:s22] =	ssyncset.done $0x0  }
0xa0: {  	[sflag:s22] =	ssyncadd.s32 s4;
	_ =	sdelay $0x1  }
0xa1: {  	s23 =	simm.s32 $0x1B8B  }
0xa2: {  	_ =	swait.ge [sflag:s23], $0x1  }
0xa3: {  	[sflag:s23] =	ssyncset.done $0x0  }
0xa4: {  	s25 =	simm.s32 $0x1B8E;
	s24 =	sld [smem:$0x3FFE];
	[sflag:s23] =	ssyncadd.s32 $0xFFFFFFFF  }
0xa5: {  	s26 =	simm.s32 $execute0_lowered;
	[smem:$0x3FD2] =	sst s25  }
0xa6: {  	s5 =	sshll.u32 s26, $0x1;
	_ =	strace $0x80000049;
	[dreg:$0x1] =	wrdreg $0xFFFFFFFF  }
0xa7: {  	s28 =	simm.s32 $_size_execute0_lowered;
	s3 =	sadd.s32 s3, s5;
	[dreg:$0x0] =	wrdreg $0x0  }
0xa8: {  	s5 =	sshll.u32 s28, $0x1;
	[dreg:$0x2] =	wrdreg s3  }
0xa9: {  	[dreg:$0x3] =	wrdreg s5  }
0xaa: {  	[dreg:$0x4] =	wrdreg $0xC0  }
0xab: {  	_ =	task [dreg:s7], $0x5FFFF  }
0xac: {  	[dreg:$0x1] =	wrdreg $0xFFFFFFFF  }
0xad: {  	[dreg:$0x0] =	wrdreg $0x60  }
0xae: {  	[dreg:$0x2] =	wrdreg s24  }
0xaf: {  	[dreg:$0x3] =	wrdreg s2  }
0xb0: {  	[dreg:$0x4] =	wrdreg $0xB8000  }
0xb1: {  	[dreg:$0x5] =	wrdreg $0x9  }
0xb2: {  	_ =	task.clear_ibuf [dreg:s7], $0x6FFFF;
	_ =	strace $0x90000049  }
0xb3: {  	s29 =	simm.s32 $0x9;
	_ =	strace $0x8000004B  }
0xb4: {  	_ =	swait.ge [sflag:s29], $0x1  }
0xb5: {  	[sflag:s29] =	ssyncadd.s32 $0xFFFFFFFF  }
0xb6: {  	_ =	strace $0x9000004B  }
0xb7: {  	_ =	sfence  }
0xb8: {  	s30 =	sld [smem:$0x0];
	_ =	sdelay $0x2  }
0xb9: {  	s31 =	sshll.u32 s1, $0xD;
	s1 =	sshrl.u32 s1, $0x2  }
0xba: {  	s3 =	sand.u32 $0x4000, s31;
	s1 =	sadd.s32 s1, s30  }
0xbb: {  	s0 =	sor.u32 s3, s0;
	s1 =	sshll.u32 s1, $0x11  }
0xbc: {  	s0 =	sor.u32 s1, s0  }
0xbd: {  	s0 =	sadd.s32 $0x8F2B, s0  }
0xbe: {  	[sflag:s0] =	ssyncadd.remote.s32 $0x1  }
0xbf: {  	_ =	sfence.sel $0xFFFF  }
0xc0: {  	[dreg:$0x0] =	wrdreg $0xFFFFFFFF;
	(pc) =	sbr.abs _section_cstart, $3  }
0xc1: {  	[dreg:$0x1] =	wrdreg $0xFFFFFFFF  }
0xc2: {  	_ =	task.clear_ibuf [dreg:s7], $0x2FFFF;
	_ =	strace $0x9FFFFFFF  }
0xc3: {  	(tm) =	ssettm $0x7FFFFFFF  }
tec
execute0_lowered:
.L_overlay_start_1:
0x0: {  	(tag) =	ssettag $0x1  }
0x1: {  	s0 =	rddreg [dreg:$0x0]  }
0x2: {  	s3 =	rddreg [dreg:$0x1];
	s12 =	stileid.u32  }
0x3: {  	s1 =	rddreg [dreg:$0x2];
	s6 =	smul.u32 $0x500, s12  }
0x4: {  	s2 =	simm.s32 $0x0;
	s4 =	srdreg.scid;
	s11 =	smul.u32 $0x50000, s12  }
0x5: {  	[smem:$0x7FF] =	sst s2;
	s21 =	smul.u32 $0x2800, s12  }
0x6: {  	s4 =	sand.u32 $0x1, s4;
	s9 =	sadd.s32 $0x1A00, s0;
	s23 =	smul.u32 $0x280, s12  }
0x7: {  	s10 =	sadd.s32 $0x6A00, s0;
	s5 =	smul.u32 $0x28000, s4;
	s7 =	ssub.s32 $0x2, s4  }
0x8: {  	_ =	strace $0x8000004A;
	s4 =	smul.u32 $0x27100, s4;
	s8 =	sshrl.u32 s7, $0x1  }
0x9: {  	s22 =	sadd.s32 s9, s6;
	s6 =	sadd.s32 s10, s6;
	s24 =	sshrl.u32 s11, $0x2  }
0xa: {  	[dreg:$0x4] =	wrdreg s21;
	s25 =	sshrl.u32 s21, $0x3;
	s28 =	sadd.s32 $0x80, s23  }
0xb: {  	s30 =	sadd.s32 $0x100, s23;
	s14 =	sadd.s32 $0x180, s23;
	[dreg:$0x5] =	wrdreg s22  }
0xc: {  	s0 =	sadd.s32 s5, s0;
	s20 =	ssub.s32 s7, s8;
	[dreg:$0x6] =	wrdreg s6  }
0xd: {  	s7 =	sadd.s32 s3, s4;
	s8 =	sadd.s32 s24, s1;
	s26 =	sadd.s32 $0x280, s25  }
0xe: {  	s29 =	sshll.u32 s28, $0x7;
	s15 =	sshll.u32 s28, $0x4;
	s16 =	sshll.u32 s14, $0x7  }
0xf: {  	s6 =	sadd.s32 $0x200, s23;
	s17 =	sshll.u32 s30, $0x4;
	s9 =	sadd.s32 s9, s26  }
0x10: {  	s3 =	sadd.s32 s10, s26;
	s10 =	sshll.u32 s30, $0x7;
	s12 =	sadd.s32 $0xBA00, s0  }
0x11: {  	s4 =	sadd.s32 s16, s1;
	s18 =	sshll.u32 s6, $0x7;
	[dreg:$0x7] =	wrdreg s9  }
0x12: {  	s0 =	sshll.u32 s14, $0x4;
	s6 =	sshll.u32 s6, $0x4;
	[dreg:$0x8] =	wrdreg s3  }
0x13: {  	s5 =	smax.u32 s20, $0x1;
	s19 =	sadd.s32 $0x1000, s8;
	[dreg:$0xb] =	wrdreg s4  }
0x14: {  	s20 =	sadd.s32 $0x2000, s8;
	s21 =	sadd.s32 $0x3000, s8;
	[dreg:$0xd] =	wrdreg s5  }
0x15: {  	s22 =	sadd.s32 $0x4000, s8;
	s23 =	sadd.s32 $0x5000, s8;
	[dreg:$0xe] =	wrdreg s19  }
0x16: {  	s26 =	sadd.s32 $0x6000, s8;
	s28 =	sadd.s32 $0x7000, s8;
	[dreg:$0xf] =	wrdreg s20  }
0x17: {  	s30 =	sadd.s32 $0x9000, s8;
	s31 =	sadd.s32 $0xA000, s8;
	[dreg:$0x10] =	wrdreg s21  }
0x18: {  	s11 =	sadd.s32 $0x12000, s8;
	s14 =	simm.s32 $0x4;
	[dreg:$0x11] =	wrdreg s22  }
0x19: {  	s16 =	simm.s32 $0x80;
	s9 =	sadd.s32 s29, s1;
	[dreg:$0x12] =	wrdreg s23  }
0x1a: {  	s13 =	sadd.s32 s10, s1;
	s3 =	sadd.s32 s15, s12;
	[dreg:$0x17] =	wrdreg s26  }
0x1b: {  	s24 =	sadd.s32 s17, s12;
	s0 =	sadd.s32 s0, s12;
	[dreg:$0x18] =	wrdreg s28  }
0x1c: {  	s25 =	sadd.s32 s6, s12;
	s29 =	sadd.s32 $0x8000, s8;
	[dreg:$0x1a] =	wrdreg s30  }
0x1d: {  	s5 =	sadd.s32 $0xD000, s8;
	s6 =	sadd.s32 $0xE000, s8;
	[dreg:$0x9] =	wrdreg s9  }
0x1e: {  	s4 =	sadd.s32 $0x10000, s8;
	s10 =	sadd.s32 $0x11000, s8;
	[dreg:$0xa] =	wrdreg s13  }
0x1f: {  	s15 =	simm.s32 $0x1400;
	s17 =	simm.s32 $0x2800;
	[dreg:$0x13] =	wrdreg s3  }
0x20: {  	s19 =	simm.s32 $0xA800;
	s20 =	simm.s32 $0x3;
	[dreg:$0x14] =	wrdreg s24  }
0x21: {  	s21 =	simm.s32 $0x1;
	s22 =	simm.s32 $0x2;
	[dreg:$0x15] =	wrdreg s0  }
0x22: {  	s23 =	simm.s32 $0x2700;
	s9 =	sadd.s32 s18, s1;
	[dreg:$0x16] =	wrdreg s25  }
0x23: {  	[dreg:$0x19] =	wrdreg s29;
	s0 =	sadd.s32 $0xB000, s8;
	s3 =	sadd.s32 $0xC000, s8  }
0x24: {  	s13 =	sadd.s32 $0x13000, s8;
	s18 =	simm.s32 $0x6800;
	s24 =	simm.s32 $0x2780  }
0x25: {  	v0 =	vimm.f32 $0.0e+00;
	s25 =	simm.s32 $0x0;
	[dreg:$0xc] =	wrdreg s9;
	s9 =	sadd.s32 $0xF000, s8  }
.LBB2_1:
0x26: {  	s26 =	rddreg [dreg:$0x5]  }
0x27: {  	[tilespmem:s2], [sflag:$0x4] =	stream.linear.gather [hbm4b:s26+s2], $0x1400, $0x38;
	[tilespmem:$0x1F800] =	vst v63  }
0x28: {  	_ =	swait.ge [sflag:s14], $0x1400  }
0x29: {  	[sflag:s14] =	ssyncset.done $0x0  }
0x2a: {  	s30 =	rddreg [dreg:$0x6];
	[sflag:s14] =	ssyncadd.s32 $0xFFFFEC00  }
0x2b: {  	[tilespmem:s15], [sflag:$0x4] =	stream.linear.gather [hbm4b:s30+s2], $0x1400, $0x38;
	[tilespmem:$0x1F800] =	vst v63  }
0x2c: {  	_ =	swait.ge [sflag:s14], $0x1400  }
0x2d: {  	s30 =	sand.u32 $0x3E00, s2;
	[sflag:s14] =	ssyncset.done $0x0  }
0x2e: {  	s28 =	sand.u32 $0x70, s2;
	s29 =	sshrl.u32 s30, $0x2;
	[sflag:s14] =	ssyncadd.s32 $0xFFFFEC00  }
0x2f: {  	[tilespmem:s17], [sflag:$0x1] =	stream.indirect.gather [hbm4b:s7+s16], $0x80, s2, s16, $0xb8;
	[tilespmem:$0x1F800] =	vst v63  }
0x30: {  	s26 =	simm.s32 $0x40;
	s29 =	sor.u32 s28, s29;
	s28 =	simm.s32 $0x0  }
0x31: {  	[tilespmem:s18], [sflag:$0x2] =	stream.indirect.gather [hbm4b:s7+s16], $0x80, s16, s16, $0xb8;
	[tilespmem:$0x1F800] =	vst v63  }
.LBB2_2:
0x32: {  	p0 =	sne.s32 s26, $0x3FC0  }
0x33: {  	[tilespmem:s29+$0xA800] =	vst v0;
	s28 =	sadd.s32 $0x10, s28;
	s29 =	smov.u32 s26;
	s26 =	sadd.s32 $0x40, s26  }
.Ltmp0:
0x34: {  	(pc) =	sbr.rel @p0 .LBB2_2-.Ltmp0, $4  }
0x35: {  	_ = 	snop  }
0x36: {  	s29 =	sand.u32 $0x3E00, s29  }
0x37: {  	s30 =	sand.u32 $0x70, s28;
	s29 =	sshrl.u32 s29, $0x2  }
0x38: {  	s29 =	sor.u32 s30, s29  }
0x39: {  	[tilespmem:s29+$0xA800] =	vst v0  }
0x3a: {  	[spmem:s8] =	stream.linear.scatter [tilespmem:s19], [sflag:$0x3], $0x1000, $0x38;
	[tilespmem:$0x1F800] =	vst v63  }
0x3b: {  	s26 =	rddreg [dreg:$0xe]  }
0x3c: {  	[spmem:s26] =	stream.linear.scatter [tilespmem:s19], [sflag:$0x3], $0x1000, $0x38;
	[tilespmem:$0x1F800] =	vst v63  }
0x3d: {  	s30 =	rddreg [dreg:$0xf]  }
0x3e: {  	[spmem:s30] =	stream.linear.scatter [tilespmem:s19], [sflag:$0x3], $0x1000, $0x38;
	[tilespmem:$0x1F800] =	vst v63  }
0x3f: {  	s29 =	rddreg [dreg:$0x10]  }
0x40: {  	[spmem:s29] =	stream.linear.scatter [tilespmem:s19], [sflag:$0x3], $0x1000, $0x38;
	[tilespmem:$0x1F800] =	vst v63  }
0x41: {  	s30 =	rddreg [dreg:$0x11]  }
0x42: {  	[spmem:s30] =	stream.linear.scatter [tilespmem:s19], [sflag:$0x3], $0x1000, $0x38;
	[tilespmem:$0x1F800] =	vst v63  }
0x43: {  	s29 =	rddreg [dreg:$0x12]  }
0x44: {  	[spmem:s29] =	stream.linear.scatter [tilespmem:s19], [sflag:$0x3], $0x1000, $0x38;
	[tilespmem:$0x1F800] =	vst v63  }
0x45: {  	s30 =	rddreg [dreg:$0x17]  }
0x46: {  	[spmem:s30] =	stream.linear.scatter [tilespmem:s19], [sflag:$0x3], $0x1000, $0x38;
	[tilespmem:$0x1F800] =	vst v63  }
0x47: {  	s29 =	rddreg [dreg:$0x18]  }
0x48: {  	[spmem:s29] =	stream.linear.scatter [tilespmem:s19], [sflag:$0x3], $0x1000, $0x38;
	[tilespmem:$0x1F800] =	vst v63  }
0x49: {  	s30 =	rddreg [dreg:$0x19]  }
0x4a: {  	[spmem:s30] =	stream.linear.scatter [tilespmem:s19], [sflag:$0x3], $0x1000, $0x38;
	[tilespmem:$0x1F800] =	vst v63  }
0x4b: {  	s29 =	rddreg [dreg:$0x1a]  }
0x4c: {  	[spmem:s29] =	stream.linear.scatter [tilespmem:s19], [sflag:$0x3], $0x1000, $0x38;
	[tilespmem:$0x1F800] =	vst v63  }
0x4d: {  	_ = 	snop  }
0x4e: {  	[spmem:s31] =	stream.linear.scatter [tilespmem:s19], [sflag:$0x3], $0x1000, $0x38;
	[tilespmem:$0x1F800] =	vst v63  }
0x4f: {  	_ = 	snop  }
0x50: {  	[spmem:s0] =	stream.linear.scatter [tilespmem:s19], [sflag:$0x3], $0x1000, $0x38;
	[tilespmem:$0x1F800] =	vst v63  }
0x51: {  	_ = 	snop  }
0x52: {  	[spmem:s3] =	stream.linear.scatter [tilespmem:s19], [sflag:$0x3], $0x1000, $0x38;
	[tilespmem:$0x1F800] =	vst v63  }
0x53: {  	_ = 	snop  }
0x54: {  	[spmem:s5] =	stream.linear.scatter [tilespmem:s19], [sflag:$0x3], $0x1000, $0x38;
	[tilespmem:$0x1F800] =	vst v63  }
0x55: {  	_ = 	snop  }
0x56: {  	[spmem:s6] =	stream.linear.scatter [tilespmem:s19], [sflag:$0x3], $0x1000, $0x38;
	[tilespmem:$0x1F800] =	vst v63  }
0x57: {  	_ = 	snop  }
0x58: {  	[spmem:s9] =	stream.linear.scatter [tilespmem:s19], [sflag:$0x3], $0x1000, $0x38;
	[tilespmem:$0x1F800] =	vst v63  }
0x59: {  	_ = 	snop  }
0x5a: {  	[spmem:s4] =	stream.linear.scatter [tilespmem:s19], [sflag:$0x3], $0x1000, $0x38;
	[tilespmem:$0x1F800] =	vst v63  }
0x5b: {  	_ = 	snop  }
0x5c: {  	[spmem:s10] =	stream.linear.scatter [tilespmem:s19], [sflag:$0x3], $0x1000, $0x38;
	[tilespmem:$0x1F800] =	vst v63  }
0x5d: {  	_ = 	snop  }
0x5e: {  	[spmem:s11] =	stream.linear.scatter [tilespmem:s19], [sflag:$0x3], $0x1000, $0x38;
	[tilespmem:$0x1F800] =	vst v63  }
0x5f: {  	_ = 	snop  }
0x60: {  	[spmem:s13] =	stream.linear.scatter [tilespmem:s19], [sflag:$0x3], $0x1000, $0x38;
	[tilespmem:$0x1F800] =	vst v63  }
0x61: {  	_ =	swait.ge [sflag:s20], $0x1000  }
0x62: {  	[sflag:s20] =	ssyncset.done $0x0  }
0x63: {  	[sflag:s20] =	ssyncadd.s32 $0xFFFFF000  }
0x64: {  	_ =	swait.ge [sflag:s20], $0x1000  }
0x65: {  	[sflag:s20] =	ssyncset.done $0x0  }
0x66: {  	[sflag:s20] =	ssyncadd.s32 $0xFFFFF000  }
0x67: {  	_ =	swait.ge [sflag:s20], $0x1000  }
0x68: {  	[sflag:s20] =	ssyncset.done $0x0  }
0x69: {  	[sflag:s20] =	ssyncadd.s32 $0xFFFFF000  }
0x6a: {  	_ =	swait.ge [sflag:s20], $0x1000  }
0x6b: {  	[sflag:s20] =	ssyncset.done $0x0  }
0x6c: {  	[sflag:s20] =	ssyncadd.s32 $0xFFFFF000  }
0x6d: {  	_ =	swait.ge [sflag:s20], $0x1000  }
0x6e: {  	[sflag:s20] =	ssyncset.done $0x0  }
0x6f: {  	[sflag:s20] =	ssyncadd.s32 $0xFFFFF000  }
0x70: {  	_ =	swait.ge [sflag:s20], $0x1000  }
0x71: {  	[sflag:s20] =	ssyncset.done $0x0  }
0x72: {  	[sflag:s20] =	ssyncadd.s32 $0xFFFFF000  }
0x73: {  	_ =	swait.ge [sflag:s20], $0x1000  }
0x74: {  	[sflag:s20] =	ssyncset.done $0x0  }
0x75: {  	[sflag:s20] =	ssyncadd.s32 $0xFFFFF000  }
0x76: {  	_ =	swait.ge [sflag:s20], $0x1000  }
0x77: {  	[sflag:s20] =	ssyncset.done $0x0  }
0x78: {  	[sflag:s20] =	ssyncadd.s32 $0xFFFFF000  }
0x79: {  	_ =	swait.ge [sflag:s20], $0x1000  }
0x7a: {  	[sflag:s20] =	ssyncset.done $0x0  }
0x7b: {  	[sflag:s20] =	ssyncadd.s32 $0xFFFFF000  }
0x7c: {  	_ =	swait.ge [sflag:s20], $0x1000  }
0x7d: {  	[sflag:s20] =	ssyncset.done $0x0  }
0x7e: {  	[sflag:s20] =	ssyncadd.s32 $0xFFFFF000  }
0x7f: {  	_ =	swait.ge [sflag:s20], $0x1000  }
0x80: {  	[sflag:s20] =	ssyncset.done $0x0  }
0x81: {  	[sflag:s20] =	ssyncadd.s32 $0xFFFFF000  }
0x82: {  	_ =	swait.ge [sflag:s20], $0x1000  }
0x83: {  	[sflag:s20] =	ssyncset.done $0x0  }
0x84: {  	[sflag:s20] =	ssyncadd.s32 $0xFFFFF000  }
0x85: {  	_ =	swait.ge [sflag:s20], $0x1000  }
0x86: {  	[sflag:s20] =	ssyncset.done $0x0  }
0x87: {  	[sflag:s20] =	ssyncadd.s32 $0xFFFFF000  }
0x88: {  	_ =	swait.ge [sflag:s20], $0x1000  }
0x89: {  	[sflag:s20] =	ssyncset.done $0x0  }
0x8a: {  	[sflag:s20] =	ssyncadd.s32 $0xFFFFF000  }
0x8b: {  	_ =	swait.ge [sflag:s20], $0x1000  }
0x8c: {  	[sflag:s20] =	ssyncset.done $0x0  }
0x8d: {  	[sflag:s20] =	ssyncadd.s32 $0xFFFFF000  }
0x8e: {  	_ =	swait.ge [sflag:s20], $0x1000  }
0x8f: {  	[sflag:s20] =	ssyncset.done $0x0  }
0x90: {  	[sflag:s20] =	ssyncadd.s32 $0xFFFFF000  }
0x91: {  	_ =	swait.ge [sflag:s20], $0x1000  }
0x92: {  	[sflag:s20] =	ssyncset.done $0x0  }
0x93: {  	[sflag:s20] =	ssyncadd.s32 $0xFFFFF000  }
0x94: {  	_ =	swait.ge [sflag:s20], $0x1000  }
0x95: {  	[sflag:s20] =	ssyncset.done $0x0  }
0x96: {  	[sflag:s20] =	ssyncadd.s32 $0xFFFFF000  }
0x97: {  	_ =	swait.ge [sflag:s20], $0x1000  }
0x98: {  	[sflag:s20] =	ssyncset.done $0x0  }
0x99: {  	[sflag:s20] =	ssyncadd.s32 $0xFFFFF000  }
0x9a: {  	_ =	swait.ge [sflag:s20], $0x1000  }
0x9b: {  	[sflag:s20] =	ssyncset.done $0x0  }
0x9c: {  	[sflag:s20] =	ssyncadd.s32 $0xFFFFF000  }
0x9d: {  	[bflag:$0x0] =	sbarrier.arrive $0xFFFF  }
0x9e: {  	_ =	swait.ge [sflag:s21], $0x4000  }
0x9f: {  	[sflag:s21] =	ssyncset.done $0x0  }
0xa0: {  	s30 =	simm.s32 $0x1400;
	[sflag:s21] =	ssyncadd.s32 $0xFFFFC000  }
0xa1: {  	[spmem:s1] =	stream.indirect.scatter.add.f32 [tilespmem:s17], [sflag:$0x4], $0x80, s30, s16, $0xb8;
	[tilespmem:$0x1F800] =	vst v63  }
0xa2: {  	_ =	swait.ge [sflag:s14], $0x4000  }
0xa3: {  	[sflag:s14] =	ssyncset.done $0x0  }
0xa4: {  	s29 =	simm.s32 $0x100;
	[sflag:s14] =	ssyncadd.s32 $0xFFFFC000  }
0xa5: {  	[tilespmem:s17], [sflag:$0x1] =	stream.indirect.gather [hbm4b:s7+s16], $0x80, s29, s16, $0xb8;
	[tilespmem:$0x1F800] =	vst v63  }
0xa6: {  	_ =	swait.ge [sflag:s22], $0x4000  }
0xa7: {  	[sflag:s22] =	ssyncset.done $0x0  }
0xa8: {  	s30 =	simm.s32 $0x1480;
	[sflag:s22] =	ssyncadd.s32 $0xFFFFC000  }
0xa9: {  	[spmem:s1] =	stream.indirect.scatter.add.f32 [tilespmem:s18], [sflag:$0x4], $0x80, s30, s16, $0xb8;
	[tilespmem:$0x1F800] =	vst v63  }
0xaa: {  	_ =	swait.ge [sflag:s14], $0x4000  }
0xab: {  	[sflag:s14] =	ssyncset.done $0x0  }
0xac: {  	s28 =	simm.s32 $0x180;
	s26 =	simm.s32 $0x400;
	[sflag:s14] =	ssyncadd.s32 $0xFFFFC000  }
.LBB2_4:
0xad: {  	[tilespmem:s18], [sflag:$0x2] =	stream.indirect.gather [hbm4b:s7+s16], $0x80, s28, s16, $0xb8;
	[tilespmem:$0x1F800] =	vst v63  }
0xae: {  	s28 =	smov.u32 s26  }
0xaf: {  	p0 =	sne.s32 s26, $0x4800;
	s26 =	sadd.s32 $0x400, s26;
	_ =	swait.ge [sflag:s21], $0x4000  }
0xb0: {  	s28 =	sshra.s32 s28, $0x2;
	[sflag:s21] =	ssyncset.done $0x0  }
0xb1: {  	s29 =	sadd.s32 $0x1400, s28;
	[sflag:s21] =	ssyncadd.s32 $0xFFFFC000  }
0xb2: {  	[spmem:s1] =	stream.indirect.scatter.add.f32 [tilespmem:s17], [sflag:$0x4], $0x80, s29, s16, $0xb8;
	[tilespmem:$0x1F800] =	vst v63  }
0xb3: {  	_ =	swait.ge [sflag:s14], $0x4000  }
0xb4: {  	[sflag:s14] =	ssyncset.done $0x0  }
0xb5: {  	s29 =	sadd.s32 $0x100, s28;
	[sflag:s14] =	ssyncadd.s32 $0xFFFFC000  }
0xb6: {  	[tilespmem:s17], [sflag:$0x1] =	stream.indirect.gather [hbm4b:s7+s16], $0x80, s29, s16, $0xb8;
	[tilespmem:$0x1F800] =	vst v63  }
0xb7: {  	_ =	swait.ge [sflag:s22], $0x4000  }
0xb8: {  	[sflag:s22] =	ssyncset.done $0x0  }
.Ltmp1:
0xb9: {  	s29 =	sadd.s32 $0x1480, s28;
	[sflag:s22] =	ssyncadd.s32 $0xFFFFC000;
	(pc) =	sbr.rel @p0 .LBB2_4-.Ltmp1, $4  }
0xba: {  	[spmem:s1] =	stream.indirect.scatter.add.f32 [tilespmem:s18], [sflag:$0x4], $0x80, s29, s16, $0xb8;
	[tilespmem:$0x1F800] =	vst v63  }
0xbb: {  	_ =	swait.ge [sflag:s14], $0x4000  }
0xbc: {  	[sflag:s14] =	ssyncset.done $0x0  }
0xbd: {  	s28 =	sadd.s32 $0x180, s28;
	[sflag:s14] =	ssyncadd.s32 $0xFFFFC000  }
0xbe: {  	[tilespmem:s18], [sflag:$0x2] =	stream.indirect.gather [hbm4b:s7+s16], $0x80, s28, s16, $0xb8;
	[tilespmem:$0x1F800] =	vst v63  }
0xbf: {  	_ =	swait.ge [sflag:s21], $0x4000  }
0xc0: {  	[sflag:s21] =	ssyncset.done $0x0  }
0xc1: {  	[sflag:s21] =	ssyncadd.s32 $0xFFFFC000  }
0xc2: {  	[spmem:s1] =	stream.indirect.scatter.add.f32 [tilespmem:s17], [sflag:$0x4], $0x80, s23, s16, $0xb8;
	[tilespmem:$0x1F800] =	vst v63  }
0xc3: {  	_ =	swait.ge [sflag:s14], $0x4000  }
0xc4: {  	[sflag:s14] =	ssyncset.done $0x0  }
0xc5: {  	[sflag:s14] =	ssyncadd.s32 $0xFFFFC000  }
0xc6: {  	_ =	swait.ge [sflag:s22], $0x4000  }
0xc7: {  	[sflag:s22] =	ssyncset.done $0x0  }
0xc8: {  	[sflag:s22] =	ssyncadd.s32 $0xFFFFC000  }
0xc9: {  	[spmem:s1] =	stream.indirect.scatter.add.f32 [tilespmem:s18], [sflag:$0x4], $0x80, s24, s16, $0xb8;
	[tilespmem:$0x1F800] =	vst v63  }
0xca: {  	_ =	swait.ge [sflag:s14], $0x4000  }
0xcb: {  	[sflag:s14] =	ssyncset.done $0x0  }
0xcc: {  	s26 =	simm.s32 $0x0;
	s28 =	rddreg [dreg:$0x7];
	[sflag:s14] =	ssyncadd.s32 $0xFFFFC000  }
0xcd: {  	[tilespmem:s26], [sflag:$0x4] =	stream.linear.gather [hbm4b:s28+s26], $0x1400, $0x38;
	[tilespmem:$0x1F800] =	vst v63  }
0xce: {  	_ =	swait.ge [sflag:s14], $0x1400  }
0xcf: {  	[sflag:s14] =	ssyncset.done $0x0  }
0xd0: {  	s28 =	rddreg [dreg:$0x8];
	[sflag:s14] =	ssyncadd.s32 $0xFFFFEC00  }
0xd1: {  	[tilespmem:s15], [sflag:$0x4] =	stream.linear.gather [hbm4b:s28+s26], $0x1400, $0x38;
	[tilespmem:$0x1F800] =	vst v63  }
0xd2: {  	_ =	swait.ge [sflag:s14], $0x1400  }
0xd3: {  	[sflag:s14] =	ssyncset.done $0x0  }
0xd4: {  	[sflag:s14] =	ssyncadd.s32 $0xFFFFEC00  }
0xd5: {  	[tilespmem:s17], [sflag:$0x1] =	stream.indirect.gather [hbm4b:s7+s16], $0x80, s26, s16, $0xb8;
	[tilespmem:$0x1F800] =	vst v63  }
0xd6: {  	_ = 	snop  }
0xd7: {  	[tilespmem:s18], [sflag:$0x2] =	stream.indirect.gather [hbm4b:s7+s16], $0x80, s16, s16, $0xb8;
	[tilespmem:$0x1F800] =	vst v63  }
0xd8: {  	_ =	swait.ge [sflag:s21], $0x4000  }
0xd9: {  	[sflag:s21] =	ssyncset.done $0x0  }
0xda: {  	s30 =	simm.s32 $0x1400;
	[sflag:s21] =	ssyncadd.s32 $0xFFFFC000  }
0xdb: {  	[spmem:s1] =	stream.indirect.scatter.add.f32 [tilespmem:s17], [sflag:$0x4], $0x80, s30, s16, $0xb8;
	[tilespmem:$0x1F800] =	vst v63  }
0xdc: {  	_ =	swait.ge [sflag:s14], $0x4000  }
0xdd: {  	[sflag:s14] =	ssyncset.done $0x0  }
0xde: {  	s29 =	simm.s32 $0x100;
	[sflag:s14] =	ssyncadd.s32 $0xFFFFC000  }
0xdf: {  	[tilespmem:s17], [sflag:$0x1] =	stream.indirect.gather [hbm4b:s7+s16], $0x80, s29, s16, $0xb8;
	[tilespmem:$0x1F800] =	vst v63  }
0xe0: {  	_ =	swait.ge [sflag:s22], $0x4000  }
0xe1: {  	[sflag:s22] =	ssyncset.done $0x0  }
0xe2: {  	s30 =	simm.s32 $0x1480;
	[sflag:s22] =	ssyncadd.s32 $0xFFFFC000  }
0xe3: {  	[spmem:s1] =	stream.indirect.scatter.add.f32 [tilespmem:s18], [sflag:$0x4], $0x80, s30, s16, $0xb8;
	[tilespmem:$0x1F800] =	vst v63  }
0xe4: {  	_ =	swait.ge [sflag:s14], $0x4000  }
0xe5: {  	[sflag:s14] =	ssyncset.done $0x0  }
0xe6: {  	s28 =	simm.s32 $0x180;
	s26 =	simm.s32 $0x400;
	[sflag:s14] =	ssyncadd.s32 $0xFFFFC000  }
.LBB2_6:
0xe7: {  	[tilespmem:s18], [sflag:$0x2] =	stream.indirect.gather [hbm4b:s7+s16], $0x80, s28, s16, $0xb8;
	[tilespmem:$0x1F800] =	vst v63  }
0xe8: {  	s28 =	smov.u32 s26  }
0xe9: {  	p0 =	sne.s32 s26, $0x4800;
	s26 =	sadd.s32 $0x400, s26;
	_ =	swait.ge [sflag:s21], $0x4000  }
0xea: {  	s28 =	sshra.s32 s28, $0x2;
	[sflag:s21] =	ssyncset.done $0x0  }
0xeb: {  	s29 =	sadd.s32 $0x1400, s28;
	[sflag:s21] =	ssyncadd.s32 $0xFFFFC000  }
0xec: {  	[spmem:s1] =	stream.indirect.scatter.add.f32 [tilespmem:s17], [sflag:$0x4], $0x80, s29, s16, $0xb8;
	[tilespmem:$0x1F800] =	vst v63  }
0xed: {  	_ =	swait.ge [sflag:s14], $0x4000  }
0xee: {  	[sflag:s14] =	ssyncset.done $0x0  }
0xef: {  	s29 =	sadd.s32 $0x100, s28;
	[sflag:s14] =	ssyncadd.s32 $0xFFFFC000  }
0xf0: {  	[tilespmem:s17], [sflag:$0x1] =	stream.indirect.gather [hbm4b:s7+s16], $0x80, s29, s16, $0xb8;
	[tilespmem:$0x1F800] =	vst v63  }
0xf1: {  	_ =	swait.ge [sflag:s22], $0x4000  }
0xf2: {  	[sflag:s22] =	ssyncset.done $0x0  }
.Ltmp2:
0xf3: {  	s29 =	sadd.s32 $0x1480, s28;
	[sflag:s22] =	ssyncadd.s32 $0xFFFFC000;
	(pc) =	sbr.rel @p0 .LBB2_6-.Ltmp2, $4  }
0xf4: {  	[spmem:s1] =	stream.indirect.scatter.add.f32 [tilespmem:s18], [sflag:$0x4], $0x80, s29, s16, $0xb8;
	[tilespmem:$0x1F800] =	vst v63  }
0xf5: {  	_ =	swait.ge [sflag:s14], $0x4000  }
0xf6: {  	[sflag:s14] =	ssyncset.done $0x0  }
0xf7: {  	s28 =	sadd.s32 $0x180, s28;
	[sflag:s14] =	ssyncadd.s32 $0xFFFFC000  }
0xf8: {  	[tilespmem:s18], [sflag:$0x2] =	stream.indirect.gather [hbm4b:s7+s16], $0x80, s28, s16, $0xb8;
	[tilespmem:$0x1F800] =	vst v63  }
0xf9: {  	_ =	swait.ge [sflag:s21], $0x4000  }
0xfa: {  	[sflag:s21] =	ssyncset.done $0x0  }
0xfb: {  	[sflag:s21] =	ssyncadd.s32 $0xFFFFC000  }
0xfc: {  	[spmem:s1] =	stream.indirect.scatter.add.f32 [tilespmem:s17], [sflag:$0x4], $0x80, s23, s16, $0xb8;
	[tilespmem:$0x1F800] =	vst v63  }
0xfd: {  	_ =	swait.ge [sflag:s14], $0x4000  }
0xfe: {  	[sflag:s14] =	ssyncset.done $0x0  }
0xff: {  	[sflag:s14] =	ssyncadd.s32 $0xFFFFC000  }
0x100: {  	_ =	swait.ge [sflag:s22], $0x4000  }
0x101: {  	[sflag:s22] =	ssyncset.done $0x0  }
0x102: {  	[sflag:s22] =	ssyncadd.s32 $0xFFFFC000  }
0x103: {  	[spmem:s1] =	stream.indirect.scatter.add.f32 [tilespmem:s18], [sflag:$0x4], $0x80, s24, s16, $0xb8;
	[tilespmem:$0x1F800] =	vst v63  }
0x104: {  	_ =	swait.ge [sflag:s14], $0x4000  }
0x105: {  	[sflag:s14] =	ssyncset.done $0x0  }
0x106: {  	[sflag:s14] =	ssyncadd.s32 $0xFFFFC000  }
0x107: {  	[bflag:$0x0] =	sbarrier.arrive $0xFFFF  }
0x108: {  	[tilespmem:s17], [sflag:$0x1] =	stream.linear.gather [spmem:s8], $0x4000, $0x38;
	[tilespmem:$0x1F800] =	vst v63  }
0x109: {  	_ =	swait.ge [sflag:s21], $0x4000  }
0x10a: {  	[sflag:s21] =	ssyncset.done $0x0;
	s26 =	rddreg [dreg:$0x9]  }
0x10b: {  	s28 =	rddreg [dreg:$0x4];
	[sflag:s21] =	ssyncadd.s32 $0xFFFFC000  }
0x10c: {  	[tilespmem:s18], [sflag:$0x2] =	stream.linear.gather [spmem:s26], $0x4000, $0x38;
	[tilespmem:$0x1F800] =	vst v63  }
0x10d: {  	s26 =	sadd.s32 s28, s12  }
0x10e: {  	[hbm4b:s26+s2] =	stream.linear.scatter [tilespmem:s17], [sflag:$0x4], $0x4000, $0x38;
	[tilespmem:$0x1F800] =	vst v63  }
0x10f: {  	_ =	swait.ge [sflag:s14], $0x4000  }
0x110: {  	[sflag:s14] =	ssyncset.done $0x0  }
0x111: {  	[sflag:s14] =	ssyncadd.s32 $0xFFFFC000  }
0x112: {  	_ =	swait.ge [sflag:s22], $0x4000  }
0x113: {  	[sflag:s22] =	ssyncset.done $0x0  }
0x114: {  	s29 =	rddreg [dreg:$0xa];
	[sflag:s22] =	ssyncadd.s32 $0xFFFFC000  }
0x115: {  	[tilespmem:s17], [sflag:$0x1] =	stream.linear.gather [spmem:s29], $0x4000, $0x38;
	[tilespmem:$0x1F800] =	vst v63  }
0x116: {  	s30 =	rddreg [dreg:$0x13]  }
0x117: {  	[hbm4b:s30+s2] =	stream.linear.scatter [tilespmem:s18], [sflag:$0x4], $0x4000, $0x38;
	[tilespmem:$0x1F800] =	vst v63  }
0x118: {  	_ =	swait.ge [sflag:s14], $0x4000  }
0x119: {  	[sflag:s14] =	ssyncset.done $0x0  }
0x11a: {  	[sflag:s14] =	ssyncadd.s32 $0xFFFFC000  }
0x11b: {  	_ =	swait.ge [sflag:s21], $0x4000  }
0x11c: {  	[sflag:s21] =	ssyncset.done $0x0  }
0x11d: {  	s28 =	rddreg [dreg:$0xb];
	[sflag:s21] =	ssyncadd.s32 $0xFFFFC000  }
0x11e: {  	[tilespmem:s18], [sflag:$0x2] =	stream.linear.gather [spmem:s28], $0x4000, $0x38;
	[tilespmem:$0x1F800] =	vst v63  }
0x11f: {  	s29 =	rddreg [dreg:$0x14]  }
0x120: {  	[hbm4b:s29+s2] =	stream.linear.scatter [tilespmem:s17], [sflag:$0x4], $0x4000, $0x38;
	[tilespmem:$0x1F800] =	vst v63  }
0x121: {  	_ =	swait.ge [sflag:s14], $0x4000  }
0x122: {  	[sflag:s14] =	ssyncset.done $0x0  }
0x123: {  	[sflag:s14] =	ssyncadd.s32 $0xFFFFC000  }
0x124: {  	_ =	swait.ge [sflag:s22], $0x4000  }
0x125: {  	[sflag:s22] =	ssyncset.done $0x0  }
0x126: {  	s30 =	rddreg [dreg:$0xc];
	[sflag:s22] =	ssyncadd.s32 $0xFFFFC000  }
0x127: {  	[tilespmem:s17], [sflag:$0x1] =	stream.linear.gather [spmem:s30], $0x4000, $0x38;
	[tilespmem:$0x1F800] =	vst v63  }
0x128: {  	s28 =	rddreg [dreg:$0x15]  }
0x129: {  	[hbm4b:s28+s2] =	stream.linear.scatter [tilespmem:s18], [sflag:$0x4], $0x4000, $0x38;
	[tilespmem:$0x1F800] =	vst v63  }
0x12a: {  	_ =	swait.ge [sflag:s14], $0x4000  }
0x12b: {  	[sflag:s14] =	ssyncset.done $0x0  }
0x12c: {  	[sflag:s14] =	ssyncadd.s32 $0xFFFFC000  }
0x12d: {  	_ =	swait.ge [sflag:s21], $0x4000  }
0x12e: {  	[sflag:s21] =	ssyncset.done $0x0  }
0x12f: {  	s29 =	rddreg [dreg:$0x16];
	[sflag:s21] =	ssyncadd.s32 $0xFFFFC000  }
0x130: {  	[hbm4b:s29+s2] =	stream.linear.scatter [tilespmem:s17], [sflag:$0x4], $0x4000, $0x38;
	[tilespmem:$0x1F800] =	vst v63  }
0x131: {  	_ =	swait.ge [sflag:s14], $0x4000  }
0x132: {  	s25 =	sadd.s32 $0x1, s25;
	s30 =	rddreg [dreg:$0xd]  }
0x133: {  	p0 =	sne.s32 s25, s30  }
.Ltmp3:
0x134: {  	_ = 	snop;
	(pc) =	sbr.rel @p0 .LBB2_1-.Ltmp3, $3  }
0x135: {  	_ =	sdelay $0x1  }
0x136: {  	[sflag:s14] =	ssyncset.done $0x0  }
0x137: {  	[sflag:s14] =	ssyncadd.s32 $0xFFFFC000  }
0x138: {  	_ =	sfence.sel $0x180000  }
0x139: {  	[bflag:$0x0] =	sbarrier.arrive $0xFFFF  }
0x13a: {  	_ =	strace $0x9000004A  }
0x13b: {  	s0 =	stileid.u32;
	[bflag:$0x2] =	sbarrier.arrive $0xFFFF  }
0x13c: {  	p0 =	sne.s32 s0, $0x0;
	s0 =	rddreg [dreg:$0x3]  }
0x13d: {  	s0 =	sadd.s32 @!p0 $0x100000, s0  }
0x13e: {  	[sflag:s0] =	ssyncadd.tile.s32 @!p0 $0x1;
	_ =	shalt  }
.Lfunc_end2:
_tile_overlayer_lowered:
.L_overlay_start_2:
0x13f: {  	(tag) =	ssettag $0x2  }
0x140: {  	s0 =	rddreg [dreg:$0x0];
	s2 =	stileid.u32  }
0x141: {  	s1 =	rddreg [dreg:$0x1];
	p0 =	sne.s32 s2, $0x0  }
0x142: {  	s3 =	rddreg [dreg:$0x2];
	[bflag:$0x3] =	sbarrier.arrive $0xFFFF;
	s2 =	simm.s32 @!p0 $0x1C04  }
0x143: {  	[timem:s3], [sflag:s2] =	dma.local @!p0 [hbm:s0], s1  }
0x144: {  	s0 =	simm.s32 @!p0 $0x4  }
0x145: {  	_ =	swait.ge @!p0 [sflag:s0], s1  }
0x146: {  	s1 =	ssub.s32 @!p0 $0x0, s1;
	[sflag:s0] =	ssyncset.done @!p0 $0x0  }
0x147: {  	[sflag:s0] =	ssyncadd.s32 @!p0 s1  }
0x148: {  	[bflag:$0x3] =	sbarrier.arrive $0xFFFF  }
0x149: {  	_ =	shalt  }

// kernel: kernel.14.cloned.1.call-start
scs
__scs_entry_jumppad:
0x0: {  	(pc) =	sbr.rel $0x88, $3  }
0x1: {  	(tag) =	ssettag $0x0;
	lr =	simm.s32 $0x1  }
0x2: {  	[smem:$0x3F9B] =	sst lr;
	_ =	strace $0xD0000000  }
0x3: {  	_ = 	snop  }
0x4: {  	_ = 	snop  }
0x5: {  	_ = 	snop  }
0x6: {  	_ = 	snop  }
0x7: {  	_ = 	snop  }
__scs_overlays_trampoline_lowered:
0x8: {  	[smem:$0x3FAA] =	sst s0  }
0x9: {  	[smem:$0x3FAB] =	sst s1  }
0xa: {  	[smem:$0x3FAC] =	sst s2  }
0xb: {  	[smem:$0x3FAD] =	sst s3  }
0xc: {  	[smem:$0x3FAE] =	sst s4  }
0xd: {  	[smem:$0x3FAF] =	sst s5  }
0xe: {  	[smem:$0x3FB0] =	sst s6  }
0xf: {  	[smem:$0x3FB1] =	sst s7  }
0x10: {  	[smem:$0x3FB2] =	sst s8  }
0x11: {  	[smem:$0x3FB3] =	sst s9;
	s0 =	simm.s32 @!p0 $0x0  }
0x12: {  	s1 =	sld [smem:$0x3F99];
	s0 =	simm.s32 @p0 $0x1  }
0x13: {  	[smem:$0x3FB4] =	sst s0;
	s0 =	simm.s32 @!p1 $0x0  }
0x14: {  	s2 =	sld [smem:$0x3F98];
	s0 =	simm.s32 @p1 $0x1  }
0x15: {  	[smem:$0x3FB5] =	sst s0;
	s0 =	simm.s32 @!p2 $0x0  }
0x16: {  	s3 =	sld [smem:$0x3FDB];
	s0 =	simm.s32 @p2 $0x1  }
0x17: {  	s4 =	simm.s32 $0x1BF5;
	[smem:$0x3FB7] =	sst s0  }
0x18: {  	s0 =	sld [smem:$0x3F9A];
	_ =	swait.ge [sflag:s4], $0x0  }
0x19: {  	s7 =	sld [smem:$0x3F9B]  }
0x1a: {  	s8 =	sadd.s32 $0xFFFFE003, lr  }
0x1b: {  	s9 =	sadd.s32 $0xFFFFFEF7, lr;
	s5 =	simm.s32 $0xFFFFFFFF;
	p2 =	slt.u32 s8, $0xFFFFF086  }
0x1c: {  	p1 =	slt.u32 s9, $0xF7A;
	s5 =	simm.s32 @!p2 $0x0  }
0x1d: {  	s5 =	simm.s32 @p1 $0x1;
	p0 =	seq.s32 s7, s2  }
0x1e: {  	s7 =	smul.u32 @!p0 $0xF7A, s2;
	p2 =	seq.s32 @!p0 s5, $0x0  }
0x1f: {  	s9 =	smul.u32 $0xF7A, s1;
	s8 =	simm.s32 @!p0 $0x1BF5;
	p2 =	por !p2, p0  }
0x20: {  	[sflag:s8] =	ssyncset.s32 @!p0 $0xFFFFF086;
	s6 =	sadd.s32 @!p0 s3, s7;
	s7 =	simm.s32 @!p0 $0x108  }
0x21: {  	s3 =	sadd.s32 s3, s9;
	s6 =	sadd.s32 @!p0 $0x88, s6;
	s7 =	simm.s32 @p2 $0x1082  }
0x22: {  	[simem:s7], [sflag:s8] =	dma.local @!p0 [hbm:s6], $0xF7A  }
0x23: {  	s9 =	sor.u32 $0xD0000000, s2;
	s6 =	simm.s32 $0x108;
	_ =	swait.ge @!p0 [sflag:s8], $0x0  }
0x24: {  	s3 =	sadd.s32 $0x88, s3;
	s6 =	simm.s32 @!p1 $0x1082;
	[sflag:s4] =	ssyncset.s32 $0xFFFFF086  }
0x25: {  	[simem:s6], [sflag:s4] =	dma.local [hbm:s3], $0xF7A  }
0x26: {  	[smem:$0x3F9B] =	sst s1;
	(tag) =	ssettag s2;
	_ =	strace s9  }
0x27: {  	s1 =	sld [smem:$0x3FAB]  }
0x28: {  	s2 =	sld [smem:$0x3FAC]  }
0x29: {  	s4 =	sld [smem:$0x3FAE]  }
0x2a: {  	p0 =	seq.s32 s5, $0x0;
	s5 =	sld [smem:$0x3FAF]  }
0x2b: {  	s6 =	sld [smem:$0x3FB0]  }
0x2c: {  	s7 =	sld [smem:$0x3FB1]  }
0x2d: {  	s3 =	simm.s32 $0x108;
	s8 =	sld [smem:$0x3FB2]  }
0x2e: {  	s3 =	simm.s32 @!p0 $0x1082;
	s9 =	sld [smem:$0x3FB3]  }
0x2f: {  	lr =	sadd.s32 s0, s3;
	s0 =	sld [smem:$0x3FAA]  }
0x30: {  	s3 =	sld [smem:$0x3FAD]  }
0x31: {  	[smem:$0x3FB6] =	sst s10  }
0x32: {  	s10 =	sld [smem:$0x3FB4];
	_ =	sdelay $0x3  }
0x33: {  	p0 =	seq.s32 s10, $0x1;
	s10 =	sld [smem:$0x3FB6];
	_ =	sdelay $0x3  }
0x34: {  	[smem:$0x3FB6] =	sst s10  }
0x35: {  	s10 =	sld [smem:$0x3FB5];
	_ =	sdelay $0x3  }
0x36: {  	p1 =	seq.s32 s10, $0x1;
	s10 =	sld [smem:$0x3FB6];
	_ =	sdelay $0x3  }
0x37: {  	[smem:$0x3FB6] =	sst s10  }
0x38: {  	s10 =	sld [smem:$0x3FB7]  }
0x39: {  	_ = 	snop;
	(pc) =	sbr.ind lr, $3  }
0x3a: {  	_ = 	snop  }
0x3b: {  	_ = 	snop  }
0x3c: {  	p2 =	seq.s32 s10, $0x1;
	s10 =	sld [smem:$0x3FB6]  }
0x3d: {  	_ =	shalt  }
0x3e: {  	_ =	shalt  }
0x3f: {  	_ =	shalt  }
0x40: {  	_ =	shalt  }
0x41: {  	_ =	shalt  }
0x42: {  	_ =	shalt  }
0x43: {  	_ =	shalt  }
0x44: {  	_ =	shalt  }
0x45: {  	_ =	shalt  }
0x46: {  	_ =	shalt  }
0x47: {  	_ =	shalt  }
0x48: {  	_ =	shalt  }
0x49: {  	_ =	shalt  }
0x4a: {  	_ =	shalt  }
0x4b: {  	_ =	shalt  }
0x4c: {  	_ =	shalt  }
0x4d: {  	_ =	shalt  }
0x4e: {  	_ =	shalt  }
0x4f: {  	_ =	shalt  }
0x50: {  	_ =	shalt  }
0x51: {  	_ =	shalt  }
0x52: {  	_ =	shalt  }
0x53: {  	_ =	shalt  }
0x54: {  	_ =	shalt  }
0x55: {  	_ =	shalt  }
0x56: {  	_ =	shalt  }
0x57: {  	_ =	shalt  }
0x58: {  	_ =	shalt  }
0x59: {  	_ =	shalt  }
0x5a: {  	_ =	shalt  }
0x5b: {  	_ =	shalt  }
0x5c: {  	_ =	shalt  }
0x5d: {  	_ =	shalt  }
0x5e: {  	_ =	shalt  }
0x5f: {  	_ =	shalt  }
0x60: {  	_ =	shalt  }
0x61: {  	_ =	shalt  }
0x62: {  	_ =	shalt  }
0x63: {  	_ =	shalt  }
0x64: {  	_ =	shalt  }
0x65: {  	_ =	shalt  }
0x66: {  	_ =	shalt  }
0x67: {  	_ =	shalt  }
0x68: {  	_ =	shalt  }
0x69: {  	_ =	shalt  }
0x6a: {  	_ =	shalt  }
0x6b: {  	_ =	shalt  }
0x6c: {  	_ =	shalt  }
0x6d: {  	_ =	shalt  }
0x6e: {  	_ =	shalt  }
0x6f: {  	_ =	shalt  }
0x70: {  	_ =	shalt  }
0x71: {  	_ =	shalt  }
0x72: {  	_ =	shalt  }
0x73: {  	_ =	shalt  }
0x74: {  	_ =	shalt  }
0x75: {  	_ =	shalt  }
0x76: {  	_ =	shalt  }
0x77: {  	_ =	shalt  }
0x78: {  	_ =	shalt  }
0x79: {  	_ =	shalt  }
0x7a: {  	_ =	shalt  }
0x7b: {  	_ =	shalt  }
0x7c: {  	_ =	shalt  }
0x7d: {  	_ =	shalt  }
0x7e: {  	_ =	shalt  }
0x7f: {  	_ =	shalt  }
0x80: {  	_ =	shalt  }
0x81: {  	_ =	shalt  }
0x82: {  	_ =	shalt  }
0x83: {  	_ =	shalt  }
0x84: {  	_ =	shalt  }
0x85: {  	_ =	shalt  }
0x86: {  	_ =	shalt  }
0x87: {  	_ =	shalt  }
.Lfunc_end0:
.L_simem_size_0:
called_computation.2_lowered:
.L_overlay_start_0:
0x88: {  	s2 =	sld [smem:$0x3FD9]  }
0x89: {  	s3 =	sld [smem:$0x3FFE];
	_ =	sdelay $0x1  }
0x8a: {  	s1 =	srdreg.scid  }
0x8b: {  	s0 =	sand.u32 $0x1, s1  }
0x8c: {  	s17 =	sshll.u32 s0, $0xA;
	s2 =	sadd.s32 s3, s2  }
0x8d: {  	s2 =	sadd.s32 s2, s17  }
0x8e: {  	[smem:$0x3FC2] =	sst s2  }
0x8f: {  	_ = 	snop  }
0x90: {  	s2 =	sld [smem:$0x3FD0];
	(tm) =	ssettm $0x1  }
0x91: {  	s18 =	sld [smem:$0x3FFB];
	_ =	sdelay $0x3  }
0x92: {  	_ =	strace s18  }
0x93: {  	s3 =	sld [smem:$0x3FFC];
	_ =	sdelay $0x3  }
0x94: {  	_ =	strace s3  }
0x95: {  	s3 =	sld [smem:$0x3FFD];
	_ =	sdelay $0x3  }
0x96: {  	_ =	strace s3  }
0x97: {  	_ =	strace $0x8FFFFFFF  }
0x98: {  	s19 =	sld [smem:$0x3FDB];
	_ =	sdelay $0x1  }
0x99: {  	s4 =	simm.s32 $_scs_section_size  }
0x9a: {  	s5 =	simm.s32 $_size__tile_overlayer_lowered;
	s6 =	simm.s32 $_tile_overlayer_lowered  }
0x9b: {  	s22 =	simm.s32 $0x1BFF;
	s21 =	sshll.u32 s6, $0x1;
	s3 =	sadd.s32 s4, s19  }
0x9c: {  	s7 =	simm.s32 $0x0;
	s20 =	sshll.u32 s5, $0x1;
	s5 =	sadd.s32 s21, s3  }
0x9d: {  	[timem:s7], [sflag:s22] =	dma.local [hbm:s5], s20  }
0x9e: {  	_ =	swait.ge [sflag:s22], s20  }
0x9f: {  	s4 =	ssub.s32 $0x0, s20;
	[sflag:s22] =	ssyncset.done $0x0  }
0xa0: {  	[sflag:s22] =	ssyncadd.s32 s4;
	_ =	sdelay $0x1  }
0xa1: {  	s23 =	simm.s32 $0x1B8B  }
0xa2: {  	_ =	swait.ge [sflag:s23], $0x1  }
0xa3: {  	[sflag:s23] =	ssyncset.done $0x0  }
0xa4: {  	s25 =	simm.s32 $0x1B8E;
	s24 =	sld [smem:$0x3FFE];
	[sflag:s23] =	ssyncadd.s32 $0xFFFFFFFF  }
0xa5: {  	s26 =	simm.s32 $execute0_lowered;
	[smem:$0x3FD2] =	sst s25  }
0xa6: {  	s5 =	sshll.u32 s26, $0x1;
	_ =	strace $0x8000004C;
	[dreg:$0x1] =	wrdreg $0xFFFFFFFF  }
0xa7: {  	s28 =	simm.s32 $_size_execute0_lowered;
	s3 =	sadd.s32 s3, s5;
	[dreg:$0x0] =	wrdreg $0x0  }
0xa8: {  	s5 =	sshll.u32 s28, $0x1;
	[dreg:$0x2] =	wrdreg s3  }
0xa9: {  	[dreg:$0x3] =	wrdreg s5  }
0xaa: {  	[dreg:$0x4] =	wrdreg $0xC0  }
0xab: {  	_ =	task [dreg:s7], $0x5FFFF  }
0xac: {  	[dreg:$0x1] =	wrdreg $0xFFFFFFFF  }
0xad: {  	[dreg:$0x0] =	wrdreg $0x60  }
0xae: {  	[dreg:$0x2] =	wrdreg s24  }
0xaf: {  	[dreg:$0x3] =	wrdreg s2  }
0xb0: {  	[dreg:$0x4] =	wrdreg $0xB8000  }
0xb1: {  	[dreg:$0x5] =	wrdreg $0x9  }
0xb2: {  	_ =	task.clear_ibuf [dreg:s7], $0x6FFFF;
	_ =	strace $0x9000004C  }
0xb3: {  	s29 =	simm.s32 $0x9;
	_ =	strace $0x8000004E  }
0xb4: {  	_ =	swait.ge [sflag:s29], $0x1  }
0xb5: {  	[sflag:s29] =	ssyncadd.s32 $0xFFFFFFFF  }
0xb6: {  	_ =	strace $0x9000004E  }
0xb7: {  	_ =	sfence  }
0xb8: {  	s30 =	sld [smem:$0x0];
	_ =	sdelay $0x2  }
0xb9: {  	s31 =	sshll.u32 s1, $0xD;
	s1 =	sshrl.u32 s1, $0x2  }
0xba: {  	s3 =	sand.u32 $0x4000, s31;
	s1 =	sadd.s32 s1, s30  }
0xbb: {  	s0 =	sor.u32 s3, s0;
	s1 =	sshll.u32 s1, $0x11  }
0xbc: {  	s0 =	sor.u32 s1, s0  }
0xbd: {  	s0 =	sadd.s32 $0x8F2B, s0  }
0xbe: {  	[sflag:s0] =	ssyncadd.remote.s32 $0x1  }
0xbf: {  	_ =	sfence.sel $0xFFFF  }
0xc0: {  	[dreg:$0x0] =	wrdreg $0xFFFFFFFF;
	(pc) =	sbr.abs _section_cstart, $3  }
0xc1: {  	[dreg:$0x1] =	wrdreg $0xFFFFFFFF  }
0xc2: {  	_ =	task.clear_ibuf [dreg:s7], $0x2FFFF;
	_ =	strace $0x9FFFFFFF  }
0xc3: {  	(tm) =	ssettm $0x7FFFFFFF  }
tec
execute0_lowered:
.L_overlay_start_1:
0x0: {  	(tag) =	ssettag $0x1  }
0x1: {  	s0 =	rddreg [dreg:$0x0]  }
0x2: {  	s3 =	rddreg [dreg:$0x1];
	s12 =	stileid.u32  }
0x3: {  	s1 =	rddreg [dreg:$0x2];
	s6 =	smul.u32 $0x500, s12  }
0x4: {  	s2 =	simm.s32 $0x0;
	s4 =	srdreg.scid;
	s11 =	smul.u32 $0x50000, s12  }
0x5: {  	[smem:$0x7FF] =	sst s2;
	s21 =	smul.u32 $0x2800, s12  }
0x6: {  	s4 =	sand.u32 $0x1, s4;
	s9 =	sadd.s32 $0x1A00, s0;
	s23 =	smul.u32 $0x280, s12  }
0x7: {  	s10 =	sadd.s32 $0x6A00, s0;
	s5 =	smul.u32 $0x28000, s4;
	s7 =	ssub.s32 $0x2, s4  }
0x8: {  	_ =	strace $0x8000004D;
	s4 =	smul.u32 $0x27100, s4;
	s8 =	sshrl.u32 s7, $0x1  }
0x9: {  	s22 =	sadd.s32 s9, s6;
	s6 =	sadd.s32 s10, s6;
	s24 =	sshrl.u32 s11, $0x2  }
0xa: {  	[dreg:$0x4] =	wrdreg s21;
	s25 =	sshrl.u32 s21, $0x3;
	s28 =	sadd.s32 $0x80, s23  }
0xb: {  	s30 =	sadd.s32 $0x100, s23;
	s14 =	sadd.s32 $0x180, s23;
	[dreg:$0x5] =	wrdreg s22  }
0xc: {  	s0 =	sadd.s32 s5, s0;
	s20 =	ssub.s32 s7, s8;
	[dreg:$0x6] =	wrdreg s6  }
0xd: {  	s7 =	sadd.s32 s3, s4;
	s8 =	sadd.s32 s24, s1;
	s26 =	sadd.s32 $0x280, s25  }
0xe: {  	s29 =	sshll.u32 s28, $0x7;
	s15 =	sshll.u32 s28, $0x4;
	s16 =	sshll.u32 s14, $0x7  }
0xf: {  	s6 =	sadd.s32 $0x200, s23;
	s17 =	sshll.u32 s30, $0x4;
	s9 =	sadd.s32 s9, s26  }
0x10: {  	s3 =	sadd.s32 s10, s26;
	s10 =	sshll.u32 s30, $0x7;
	s12 =	sadd.s32 $0xBA00, s0  }
0x11: {  	s4 =	sadd.s32 s16, s1;
	s18 =	sshll.u32 s6, $0x7;
	[dreg:$0x7] =	wrdreg s9  }
0x12: {  	s0 =	sshll.u32 s14, $0x4;
	s6 =	sshll.u32 s6, $0x4;
	[dreg:$0x8] =	wrdreg s3  }
0x13: {  	s5 =	smax.u32 s20, $0x1;
	s19 =	sadd.s32 $0x1000, s8;
	[dreg:$0xb] =	wrdreg s4  }
0x14: {  	s20 =	sadd.s32 $0x2000, s8;
	s21 =	sadd.s32 $0x3000, s8;
	[dreg:$0xd] =	wrdreg s5  }
0x15: {  	s22 =	sadd.s32 $0x4000, s8;
	s23 =	sadd.s32 $0x5000, s8;
	[dreg:$0xe] =	wrdreg s19  }
0x16: {  	s26 =	sadd.s32 $0x6000, s8;
	s28 =	sadd.s32 $0x7000, s8;
	[dreg:$0xf] =	wrdreg s20  }
0x17: {  	s30 =	sadd.s32 $0x9000, s8;
	s31 =	sadd.s32 $0xA000, s8;
	[dreg:$0x10] =	wrdreg s21  }
0x18: {  	s11 =	sadd.s32 $0x12000, s8;
	s14 =	simm.s32 $0x4;
	[dreg:$0x11] =	wrdreg s22  }
0x19: {  	s16 =	simm.s32 $0x80;
	s9 =	sadd.s32 s29, s1;
	[dreg:$0x12] =	wrdreg s23  }
0x1a: {  	s13 =	sadd.s32 s10, s1;
	s3 =	sadd.s32 s15, s12;
	[dreg:$0x17] =	wrdreg s26  }
0x1b: {  	s24 =	sadd.s32 s17, s12;
	s0 =	sadd.s32 s0, s12;
	[dreg:$0x18] =	wrdreg s28  }
0x1c: {  	s25 =	sadd.s32 s6, s12;
	s29 =	sadd.s32 $0x8000, s8;
	[dreg:$0x1a] =	wrdreg s30  }
0x1d: {  	s5 =	sadd.s32 $0xD000, s8;
	s6 =	sadd.s32 $0xE000, s8;
	[dreg:$0x9] =	wrdreg s9  }
0x1e: {  	s4 =	sadd.s32 $0x10000, s8;
	s10 =	sadd.s32 $0x11000, s8;
	[dreg:$0xa] =	wrdreg s13  }
0x1f: {  	s15 =	simm.s32 $0x1400;
	s17 =	simm.s32 $0x2800;
	[dreg:$0x13] =	wrdreg s3  }
0x20: {  	s19 =	simm.s32 $0xA800;
	s20 =	simm.s32 $0x3;
	[dreg:$0x14] =	wrdreg s24  }
0x21: {  	s21 =	simm.s32 $0x1;
	s22 =	simm.s32 $0x2;
	[dreg:$0x15] =	wrdreg s0  }
0x22: {  	s23 =	simm.s32 $0x2700;
	s9 =	sadd.s32 s18, s1;
	[dreg:$0x16] =	wrdreg s25  }
0x23: {  	[dreg:$0x19] =	wrdreg s29;
	s0 =	sadd.s32 $0xB000, s8;
	s3 =	sadd.s32 $0xC000, s8  }
0x24: {  	s13 =	sadd.s32 $0x13000, s8;
	s18 =	simm.s32 $0x6800;
	s24 =	simm.s32 $0x2780  }
0x25: {  	v0 =	vimm.f32 $0.0e+00;
	s25 =	simm.s32 $0x0;
	[dreg:$0xc] =	wrdreg s9;
	s9 =	sadd.s32 $0xF000, s8  }
.LBB2_1:
0x26: {  	s26 =	rddreg [dreg:$0x5]  }
0x27: {  	[tilespmem:s2], [sflag:$0x4] =	stream.linear.gather [hbm4b:s26+s2], $0x1400, $0x38;
	[tilespmem:$0x1F800] =	vst v63  }
0x28: {  	_ =	swait.ge [sflag:s14], $0x1400  }
0x29: {  	[sflag:s14] =	ssyncset.done $0x0  }
0x2a: {  	s30 =	rddreg [dreg:$0x6];
	[sflag:s14] =	ssyncadd.s32 $0xFFFFEC00  }
0x2b: {  	[tilespmem:s15], [sflag:$0x4] =	stream.linear.gather [hbm4b:s30+s2], $0x1400, $0x38;
	[tilespmem:$0x1F800] =	vst v63  }
0x2c: {  	_ =	swait.ge [sflag:s14], $0x1400  }
0x2d: {  	s30 =	sand.u32 $0x3E00, s2;
	[sflag:s14] =	ssyncset.done $0x0  }
0x2e: {  	s28 =	sand.u32 $0x70, s2;
	s29 =	sshrl.u32 s30, $0x2;
	[sflag:s14] =	ssyncadd.s32 $0xFFFFEC00  }
0x2f: {  	[tilespmem:s17], [sflag:$0x1] =	stream.indirect.gather [hbm4b:s7+s16], $0x80, s2, s16, $0xb8;
	[tilespmem:$0x1F800] =	vst v63  }
0x30: {  	s26 =	simm.s32 $0x40;
	s29 =	sor.u32 s28, s29;
	s28 =	simm.s32 $0x0  }
0x31: {  	[tilespmem:s18], [sflag:$0x2] =	stream.indirect.gather [hbm4b:s7+s16], $0x80, s16, s16, $0xb8;
	[tilespmem:$0x1F800] =	vst v63  }
.LBB2_2:
0x32: {  	p0 =	sne.s32 s26, $0x3FC0  }
0x33: {  	[tilespmem:s29+$0xA800] =	vst v0;
	s28 =	sadd.s32 $0x10, s28;
	s29 =	smov.u32 s26;
	s26 =	sadd.s32 $0x40, s26  }
.Ltmp0:
0x34: {  	(pc) =	sbr.rel @p0 .LBB2_2-.Ltmp0, $4  }
0x35: {  	_ = 	snop  }
0x36: {  	s29 =	sand.u32 $0x3E00, s29  }
0x37: {  	s30 =	sand.u32 $0x70, s28;
	s29 =	sshrl.u32 s29, $0x2  }
0x38: {  	s29 =	sor.u32 s30, s29  }
0x39: {  	[tilespmem:s29+$0xA800] =	vst v0  }
0x3a: {  	[spmem:s8] =	stream.linear.scatter [tilespmem:s19], [sflag:$0x3], $0x1000, $0x38;
	[tilespmem:$0x1F800] =	vst v63  }
0x3b: {  	s26 =	rddreg [dreg:$0xe]  }
0x3c: {  	[spmem:s26] =	stream.linear.scatter [tilespmem:s19], [sflag:$0x3], $0x1000, $0x38;
	[tilespmem:$0x1F800] =	vst v63  }
0x3d: {  	s30 =	rddreg [dreg:$0xf]  }
0x3e: {  	[spmem:s30] =	stream.linear.scatter [tilespmem:s19], [sflag:$0x3], $0x1000, $0x38;
	[tilespmem:$0x1F800] =	vst v63  }
0x3f: {  	s29 =	rddreg [dreg:$0x10]  }
0x40: {  	[spmem:s29] =	stream.linear.scatter [tilespmem:s19], [sflag:$0x3], $0x1000, $0x38;
	[tilespmem:$0x1F800] =	vst v63  }
0x41: {  	s30 =	rddreg [dreg:$0x11]  }
0x42: {  	[spmem:s30] =	stream.linear.scatter [tilespmem:s19], [sflag:$0x3], $0x1000, $0x38;
	[tilespmem:$0x1F800] =	vst v63  }
0x43: {  	s29 =	rddreg [dreg:$0x12]  }
0x44: {  	[spmem:s29] =	stream.linear.scatter [tilespmem:s19], [sflag:$0x3], $0x1000, $0x38;
	[tilespmem:$0x1F800] =	vst v63  }
0x45: {  	s30 =	rddreg [dreg:$0x17]  }
0x46: {  	[spmem:s30] =	stream.linear.scatter [tilespmem:s19], [sflag:$0x3], $0x1000, $0x38;
	[tilespmem:$0x1F800] =	vst v63  }
0x47: {  	s29 =	rddreg [dreg:$0x18]  }
0x48: {  	[spmem:s29] =	stream.linear.scatter [tilespmem:s19], [sflag:$0x3], $0x1000, $0x38;
	[tilespmem:$0x1F800] =	vst v63  }
0x49: {  	s30 =	rddreg [dreg:$0x19]  }
0x4a: {  	[spmem:s30] =	stream.linear.scatter [tilespmem:s19], [sflag:$0x3], $0x1000, $0x38;
	[tilespmem:$0x1F800] =	vst v63  }
0x4b: {  	s29 =	rddreg [dreg:$0x1a]  }
0x4c: {  	[spmem:s29] =	stream.linear.scatter [tilespmem:s19], [sflag:$0x3], $0x1000, $0x38;
	[tilespmem:$0x1F800] =	vst v63  }
0x4d: {  	_ = 	snop  }
0x4e: {  	[spmem:s31] =	stream.linear.scatter [tilespmem:s19], [sflag:$0x3], $0x1000, $0x38;
	[tilespmem:$0x1F800] =	vst v63  }
0x4f: {  	_ = 	snop  }
0x50: {  	[spmem:s0] =	stream.linear.scatter [tilespmem:s19], [sflag:$0x3], $0x1000, $0x38;
	[tilespmem:$0x1F800] =	vst v63  }
0x51: {  	_ = 	snop  }
0x52: {  	[spmem:s3] =	stream.linear.scatter [tilespmem:s19], [sflag:$0x3], $0x1000, $0x38;
	[tilespmem:$0x1F800] =	vst v63  }
0x53: {  	_ = 	snop  }
0x54: {  	[spmem:s5] =	stream.linear.scatter [tilespmem:s19], [sflag:$0x3], $0x1000, $0x38;
	[tilespmem:$0x1F800] =	vst v63  }
0x55: {  	_ = 	snop  }
0x56: {  	[spmem:s6] =	stream.linear.scatter [tilespmem:s19], [sflag:$0x3], $0x1000, $0x38;
	[tilespmem:$0x1F800] =	vst v63  }
0x57: {  	_ = 	snop  }
0x58: {  	[spmem:s9] =	stream.linear.scatter [tilespmem:s19], [sflag:$0x3], $0x1000, $0x38;
	[tilespmem:$0x1F800] =	vst v63  }
0x59: {  	_ = 	snop  }
0x5a: {  	[spmem:s4] =	stream.linear.scatter [tilespmem:s19], [sflag:$0x3], $0x1000, $0x38;
	[tilespmem:$0x1F800] =	vst v63  }
0x5b: {  	_ = 	snop  }
0x5c: {  	[spmem:s10] =	stream.linear.scatter [tilespmem:s19], [sflag:$0x3], $0x1000, $0x38;
	[tilespmem:$0x1F800] =	vst v63  }
0x5d: {  	_ = 	snop  }
0x5e: {  	[spmem:s11] =	stream.linear.scatter [tilespmem:s19], [sflag:$0x3], $0x1000, $0x38;
	[tilespmem:$0x1F800] =	vst v63  }
0x5f: {  	_ = 	snop  }
0x60: {  	[spmem:s13] =	stream.linear.scatter [tilespmem:s19], [sflag:$0x3], $0x1000, $0x38;
	[tilespmem:$0x1F800] =	vst v63  }
0x61: {  	_ =	swait.ge [sflag:s20], $0x1000  }
0x62: {  	[sflag:s20] =	ssyncset.done $0x0  }
0x63: {  	[sflag:s20] =	ssyncadd.s32 $0xFFFFF000  }
0x64: {  	_ =	swait.ge [sflag:s20], $0x1000  }
0x65: {  	[sflag:s20] =	ssyncset.done $0x0  }
0x66: {  	[sflag:s20] =	ssyncadd.s32 $0xFFFFF000  }
0x67: {  	_ =	swait.ge [sflag:s20], $0x1000  }
0x68: {  	[sflag:s20] =	ssyncset.done $0x0  }
0x69: {  	[sflag:s20] =	ssyncadd.s32 $0xFFFFF000  }
0x6a: {  	_ =	swait.ge [sflag:s20], $0x1000  }
0x6b: {  	[sflag:s20] =	ssyncset.done $0x0  }
0x6c: {  	[sflag:s20] =	ssyncadd.s32 $0xFFFFF000  }
0x6d: {  	_ =	swait.ge [sflag:s20], $0x1000  }
0x6e: {  	[sflag:s20] =	ssyncset.done $0x0  }
0x6f: {  	[sflag:s20] =	ssyncadd.s32 $0xFFFFF000  }
0x70: {  	_ =	swait.ge [sflag:s20], $0x1000  }
0x71: {  	[sflag:s20] =	ssyncset.done $0x0  }
0x72: {  	[sflag:s20] =	ssyncadd.s32 $0xFFFFF000  }
0x73: {  	_ =	swait.ge [sflag:s20], $0x1000  }
0x74: {  	[sflag:s20] =	ssyncset.done $0x0  }
0x75: {  	[sflag:s20] =	ssyncadd.s32 $0xFFFFF000  }
0x76: {  	_ =	swait.ge [sflag:s20], $0x1000  }
0x77: {  	[sflag:s20] =	ssyncset.done $0x0  }
0x78: {  	[sflag:s20] =	ssyncadd.s32 $0xFFFFF000  }
0x79: {  	_ =	swait.ge [sflag:s20], $0x1000  }
0x7a: {  	[sflag:s20] =	ssyncset.done $0x0  }
0x7b: {  	[sflag:s20] =	ssyncadd.s32 $0xFFFFF000  }
0x7c: {  	_ =	swait.ge [sflag:s20], $0x1000  }
0x7d: {  	[sflag:s20] =	ssyncset.done $0x0  }
0x7e: {  	[sflag:s20] =	ssyncadd.s32 $0xFFFFF000  }
0x7f: {  	_ =	swait.ge [sflag:s20], $0x1000  }
0x80: {  	[sflag:s20] =	ssyncset.done $0x0  }
0x81: {  	[sflag:s20] =	ssyncadd.s32 $0xFFFFF000  }
0x82: {  	_ =	swait.ge [sflag:s20], $0x1000  }
0x83: {  	[sflag:s20] =	ssyncset.done $0x0  }
0x84: {  	[sflag:s20] =	ssyncadd.s32 $0xFFFFF000  }
0x85: {  	_ =	swait.ge [sflag:s20], $0x1000  }
0x86: {  	[sflag:s20] =	ssyncset.done $0x0  }
0x87: {  	[sflag:s20] =	ssyncadd.s32 $0xFFFFF000  }
0x88: {  	_ =	swait.ge [sflag:s20], $0x1000  }
0x89: {  	[sflag:s20] =	ssyncset.done $0x0  }
0x8a: {  	[sflag:s20] =	ssyncadd.s32 $0xFFFFF000  }
0x8b: {  	_ =	swait.ge [sflag:s20], $0x1000  }
0x8c: {  	[sflag:s20] =	ssyncset.done $0x0  }
0x8d: {  	[sflag:s20] =	ssyncadd.s32 $0xFFFFF000  }
0x8e: {  	_ =	swait.ge [sflag:s20], $0x1000  }
0x8f: {  	[sflag:s20] =	ssyncset.done $0x0  }
0x90: {  	[sflag:s20] =	ssyncadd.s32 $0xFFFFF000  }
0x91: {  	_ =	swait.ge [sflag:s20], $0x1000  }
0x92: {  	[sflag:s20] =	ssyncset.done $0x0  }
0x93: {  	[sflag:s20] =	ssyncadd.s32 $0xFFFFF000  }
0x94: {  	_ =	swait.ge [sflag:s20], $0x1000  }
0x95: {  	[sflag:s20] =	ssyncset.done $0x0  }
0x96: {  	[sflag:s20] =	ssyncadd.s32 $0xFFFFF000  }
0x97: {  	_ =	swait.ge [sflag:s20], $0x1000  }
0x98: {  	[sflag:s20] =	ssyncset.done $0x0  }
0x99: {  	[sflag:s20] =	ssyncadd.s32 $0xFFFFF000  }
0x9a: {  	_ =	swait.ge [sflag:s20], $0x1000  }
0x9b: {  	[sflag:s20] =	ssyncset.done $0x0  }
0x9c: {  	[sflag:s20] =	ssyncadd.s32 $0xFFFFF000  }
0x9d: {  	[bflag:$0x0] =	sbarrier.arrive $0xFFFF  }
0x9e: {  	_ =	swait.ge [sflag:s21], $0x4000  }
0x9f: {  	[sflag:s21] =	ssyncset.done $0x0  }
0xa0: {  	s30 =	simm.s32 $0x1400;
	[sflag:s21] =	ssyncadd.s32 $0xFFFFC000  }
0xa1: {  	[spmem:s1] =	stream.indirect.scatter.add.f32 [tilespmem:s17], [sflag:$0x4], $0x80, s30, s16, $0xb8;
	[tilespmem:$0x1F800] =	vst v63  }
0xa2: {  	_ =	swait.ge [sflag:s14], $0x4000  }
0xa3: {  	[sflag:s14] =	ssyncset.done $0x0  }
0xa4: {  	s29 =	simm.s32 $0x100;
	[sflag:s14] =	ssyncadd.s32 $0xFFFFC000  }
0xa5: {  	[tilespmem:s17], [sflag:$0x1] =	stream.indirect.gather [hbm4b:s7+s16], $0x80, s29, s16, $0xb8;
	[tilespmem:$0x1F800] =	vst v63  }
0xa6: {  	_ =	swait.ge [sflag:s22], $0x4000  }
0xa7: {  	[sflag:s22] =	ssyncset.done $0x0  }
0xa8: {  	s30 =	simm.s32 $0x1480;
	[sflag:s22] =	ssyncadd.s32 $0xFFFFC000  }
0xa9: {  	[spmem:s1] =	stream.indirect.scatter.add.f32 [tilespmem:s18], [sflag:$0x4], $0x80, s30, s16, $0xb8;
	[tilespmem:$0x1F800] =	vst v63  }
0xaa: {  	_ =	swait.ge [sflag:s14], $0x4000  }
0xab: {  	[sflag:s14] =	ssyncset.done $0x0  }
0xac: {  	s28 =	simm.s32 $0x180;
	s26 =	simm.s32 $0x400;
	[sflag:s14] =	ssyncadd.s32 $0xFFFFC000  }
.LBB2_4:
0xad: {  	[tilespmem:s18], [sflag:$0x2] =	stream.indirect.gather [hbm4b:s7+s16], $0x80, s28, s16, $0xb8;
	[tilespmem:$0x1F800] =	vst v63  }
0xae: {  	s28 =	smov.u32 s26  }
0xaf: {  	p0 =	sne.s32 s26, $0x4800;
	s26 =	sadd.s32 $0x400, s26;
	_ =	swait.ge [sflag:s21], $0x4000  }
0xb0: {  	s28 =	sshra.s32 s28, $0x2;
	[sflag:s21] =	ssyncset.done $0x0  }
0xb1: {  	s29 =	sadd.s32 $0x1400, s28;
	[sflag:s21] =	ssyncadd.s32 $0xFFFFC000  }
0xb2: {  	[spmem:s1] =	stream.indirect.scatter.add.f32 [tilespmem:s17], [sflag:$0x4], $0x80, s29, s16, $0xb8;
	[tilespmem:$0x1F800] =	vst v63  }
0xb3: {  	_ =	swait.ge [sflag:s14], $0x4000  }
0xb4: {  	[sflag:s14] =	ssyncset.done $0x0  }
0xb5: {  	s29 =	sadd.s32 $0x100, s28;
	[sflag:s14] =	ssyncadd.s32 $0xFFFFC000  }
0xb6: {  	[tilespmem:s17], [sflag:$0x1] =	stream.indirect.gather [hbm4b:s7+s16], $0x80, s29, s16, $0xb8;
	[tilespmem:$0x1F800] =	vst v63  }
0xb7: {  	_ =	swait.ge [sflag:s22], $0x4000  }
0xb8: {  	[sflag:s22] =	ssyncset.done $0x0  }
.Ltmp1:
0xb9: {  	s29 =	sadd.s32 $0x1480, s28;
	[sflag:s22] =	ssyncadd.s32 $0xFFFFC000;
	(pc) =	sbr.rel @p0 .LBB2_4-.Ltmp1, $4  }
0xba: {  	[spmem:s1] =	stream.indirect.scatter.add.f32 [tilespmem:s18], [sflag:$0x4], $0x80, s29, s16, $0xb8;
	[tilespmem:$0x1F800] =	vst v63  }
0xbb: {  	_ =	swait.ge [sflag:s14], $0x4000  }
0xbc: {  	[sflag:s14] =	ssyncset.done $0x0  }
0xbd: {  	s28 =	sadd.s32 $0x180, s28;
	[sflag:s14] =	ssyncadd.s32 $0xFFFFC000  }
0xbe: {  	[tilespmem:s18], [sflag:$0x2] =	stream.indirect.gather [hbm4b:s7+s16], $0x80, s28, s16, $0xb8;
	[tilespmem:$0x1F800] =	vst v63  }
0xbf: {  	_ =	swait.ge [sflag:s21], $0x4000  }
0xc0: {  	[sflag:s21] =	ssyncset.done $0x0  }
0xc1: {  	[sflag:s21] =	ssyncadd.s32 $0xFFFFC000  }
0xc2: {  	[spmem:s1] =	stream.indirect.scatter.add.f32 [tilespmem:s17], [sflag:$0x4], $0x80, s23, s16, $0xb8;
	[tilespmem:$0x1F800] =	vst v63  }
0xc3: {  	_ =	swait.ge [sflag:s14], $0x4000  }
0xc4: {  	[sflag:s14] =	ssyncset.done $0x0  }
0xc5: {  	[sflag:s14] =	ssyncadd.s32 $0xFFFFC000  }
0xc6: {  	_ =	swait.ge [sflag:s22], $0x4000  }
0xc7: {  	[sflag:s22] =	ssyncset.done $0x0  }
0xc8: {  	[sflag:s22] =	ssyncadd.s32 $0xFFFFC000  }
0xc9: {  	[spmem:s1] =	stream.indirect.scatter.add.f32 [tilespmem:s18], [sflag:$0x4], $0x80, s24, s16, $0xb8;
	[tilespmem:$0x1F800] =	vst v63  }
0xca: {  	_ =	swait.ge [sflag:s14], $0x4000  }
0xcb: {  	[sflag:s14] =	ssyncset.done $0x0  }
0xcc: {  	s26 =	simm.s32 $0x0;
	s28 =	rddreg [dreg:$0x7];
	[sflag:s14] =	ssyncadd.s32 $0xFFFFC000  }
0xcd: {  	[tilespmem:s26], [sflag:$0x4] =	stream.linear.gather [hbm4b:s28+s26], $0x1400, $0x38;
	[tilespmem:$0x1F800] =	vst v63  }
0xce: {  	_ =	swait.ge [sflag:s14], $0x1400  }
0xcf: {  	[sflag:s14] =	ssyncset.done $0x0  }
0xd0: {  	s28 =	rddreg [dreg:$0x8];
	[sflag:s14] =	ssyncadd.s32 $0xFFFFEC00  }
0xd1: {  	[tilespmem:s15], [sflag:$0x4] =	stream.linear.gather [hbm4b:s28+s26], $0x1400, $0x38;
	[tilespmem:$0x1F800] =	vst v63  }
0xd2: {  	_ =	swait.ge [sflag:s14], $0x1400  }
0xd3: {  	[sflag:s14] =	ssyncset.done $0x0  }
0xd4: {  	[sflag:s14] =	ssyncadd.s32 $0xFFFFEC00  }
0xd5: {  	[tilespmem:s17], [sflag:$0x1] =	stream.indirect.gather [hbm4b:s7+s16], $0x80, s26, s16, $0xb8;
	[tilespmem:$0x1F800] =	vst v63  }
0xd6: {  	_ = 	snop  }
0xd7: {  	[tilespmem:s18], [sflag:$0x2] =	stream.indirect.gather [hbm4b:s7+s16], $0x80, s16, s16, $0xb8;
	[tilespmem:$0x1F800] =	vst v63  }
0xd8: {  	_ =	swait.ge [sflag:s21], $0x4000  }
0xd9: {  	[sflag:s21] =	ssyncset.done $0x0  }
0xda: {  	s30 =	simm.s32 $0x1400;
	[sflag:s21] =	ssyncadd.s32 $0xFFFFC000  }
0xdb: {  	[spmem:s1] =	stream.indirect.scatter.add.f32 [tilespmem:s17], [sflag:$0x4], $0x80, s30, s16, $0xb8;
	[tilespmem:$0x1F800] =	vst v63  }
0xdc: {  	_ =	swait.ge [sflag:s14], $0x4000  }
0xdd: {  	[sflag:s14] =	ssyncset.done $0x0  }
0xde: {  	s29 =	simm.s32 $0x100;
	[sflag:s14] =	ssyncadd.s32 $0xFFFFC000  }
0xdf: {  	[tilespmem:s17], [sflag:$0x1] =	stream.indirect.gather [hbm4b:s7+s16], $0x80, s29, s16, $0xb8;
	[tilespmem:$0x1F800] =	vst v63  }
0xe0: {  	_ =	swait.ge [sflag:s22], $0x4000  }
0xe1: {  	[sflag:s22] =	ssyncset.done $0x0  }
0xe2: {  	s30 =	simm.s32 $0x1480;
	[sflag:s22] =	ssyncadd.s32 $0xFFFFC000  }
0xe3: {  	[spmem:s1] =	stream.indirect.scatter.add.f32 [tilespmem:s18], [sflag:$0x4], $0x80, s30, s16, $0xb8;
	[tilespmem:$0x1F800] =	vst v63  }
0xe4: {  	_ =	swait.ge [sflag:s14], $0x4000  }
0xe5: {  	[sflag:s14] =	ssyncset.done $0x0  }
0xe6: {  	s28 =	simm.s32 $0x180;
	s26 =	simm.s32 $0x400;
	[sflag:s14] =	ssyncadd.s32 $0xFFFFC000  }
.LBB2_6:
0xe7: {  	[tilespmem:s18], [sflag:$0x2] =	stream.indirect.gather [hbm4b:s7+s16], $0x80, s28, s16, $0xb8;
	[tilespmem:$0x1F800] =	vst v63  }
0xe8: {  	s28 =	smov.u32 s26  }
0xe9: {  	p0 =	sne.s32 s26, $0x4800;
	s26 =	sadd.s32 $0x400, s26;
	_ =	swait.ge [sflag:s21], $0x4000  }
0xea: {  	s28 =	sshra.s32 s28, $0x2;
	[sflag:s21] =	ssyncset.done $0x0  }
0xeb: {  	s29 =	sadd.s32 $0x1400, s28;
	[sflag:s21] =	ssyncadd.s32 $0xFFFFC000  }
0xec: {  	[spmem:s1] =	stream.indirect.scatter.add.f32 [tilespmem:s17], [sflag:$0x4], $0x80, s29, s16, $0xb8;
	[tilespmem:$0x1F800] =	vst v63  }
0xed: {  	_ =	swait.ge [sflag:s14], $0x4000  }
0xee: {  	[sflag:s14] =	ssyncset.done $0x0  }
0xef: {  	s29 =	sadd.s32 $0x100, s28;
	[sflag:s14] =	ssyncadd.s32 $0xFFFFC000  }
0xf0: {  	[tilespmem:s17], [sflag:$0x1] =	stream.indirect.gather [hbm4b:s7+s16], $0x80, s29, s16, $0xb8;
	[tilespmem:$0x1F800] =	vst v63  }
0xf1: {  	_ =	swait.ge [sflag:s22], $0x4000  }
0xf2: {  	[sflag:s22] =	ssyncset.done $0x0  }
.Ltmp2:
0xf3: {  	s29 =	sadd.s32 $0x1480, s28;
	[sflag:s22] =	ssyncadd.s32 $0xFFFFC000;
	(pc) =	sbr.rel @p0 .LBB2_6-.Ltmp2, $4  }
0xf4: {  	[spmem:s1] =	stream.indirect.scatter.add.f32 [tilespmem:s18], [sflag:$0x4], $0x80, s29, s16, $0xb8;
	[tilespmem:$0x1F800] =	vst v63  }
0xf5: {  	_ =	swait.ge [sflag:s14], $0x4000  }
0xf6: {  	[sflag:s14] =	ssyncset.done $0x0  }
0xf7: {  	s28 =	sadd.s32 $0x180, s28;
	[sflag:s14] =	ssyncadd.s32 $0xFFFFC000  }
0xf8: {  	[tilespmem:s18], [sflag:$0x2] =	stream.indirect.gather [hbm4b:s7+s16], $0x80, s28, s16, $0xb8;
	[tilespmem:$0x1F800] =	vst v63  }
0xf9: {  	_ =	swait.ge [sflag:s21], $0x4000  }
0xfa: {  	[sflag:s21] =	ssyncset.done $0x0  }
0xfb: {  	[sflag:s21] =	ssyncadd.s32 $0xFFFFC000  }
0xfc: {  	[spmem:s1] =	stream.indirect.scatter.add.f32 [tilespmem:s17], [sflag:$0x4], $0x80, s23, s16, $0xb8;
	[tilespmem:$0x1F800] =	vst v63  }
0xfd: {  	_ =	swait.ge [sflag:s14], $0x4000  }
0xfe: {  	[sflag:s14] =	ssyncset.done $0x0  }
0xff: {  	[sflag:s14] =	ssyncadd.s32 $0xFFFFC000  }
0x100: {  	_ =	swait.ge [sflag:s22], $0x4000  }
0x101: {  	[sflag:s22] =	ssyncset.done $0x0  }
0x102: {  	[sflag:s22] =	ssyncadd.s32 $0xFFFFC000  }
0x103: {  	[spmem:s1] =	stream.indirect.scatter.add.f32 [tilespmem:s18], [sflag:$0x4], $0x80, s24, s16, $0xb8;
	[tilespmem:$0x1F800] =	vst v63  }
0x104: {  	_ =	swait.ge [sflag:s14], $0x4000  }
0x105: {  	[sflag:s14] =	ssyncset.done $0x0  }
0x106: {  	[sflag:s14] =	ssyncadd.s32 $0xFFFFC000  }
0x107: {  	[bflag:$0x0] =	sbarrier.arrive $0xFFFF  }
0x108: {  	[tilespmem:s17], [sflag:$0x1] =	stream.linear.gather [spmem:s8], $0x4000, $0x38;
	[tilespmem:$0x1F800] =	vst v63  }
0x109: {  	_ =	swait.ge [sflag:s21], $0x4000  }
0x10a: {  	[sflag:s21] =	ssyncset.done $0x0;
	s26 =	rddreg [dreg:$0x9]  }
0x10b: {  	s28 =	rddreg [dreg:$0x4];
	[sflag:s21] =	ssyncadd.s32 $0xFFFFC000  }
0x10c: {  	[tilespmem:s18], [sflag:$0x2] =	stream.linear.gather [spmem:s26], $0x4000, $0x38;
	[tilespmem:$0x1F800] =	vst v63  }
0x10d: {  	s26 =	sadd.s32 s28, s12  }
0x10e: {  	[hbm4b:s26+s2] =	stream.linear.scatter [tilespmem:s17], [sflag:$0x4], $0x4000, $0x38;
	[tilespmem:$0x1F800] =	vst v63  }
0x10f: {  	_ =	swait.ge [sflag:s14], $0x4000  }
0x110: {  	[sflag:s14] =	ssyncset.done $0x0  }
0x111: {  	[sflag:s14] =	ssyncadd.s32 $0xFFFFC000  }
0x112: {  	_ =	swait.ge [sflag:s22], $0x4000  }
0x113: {  	[sflag:s22] =	ssyncset.done $0x0  }
0x114: {  	s29 =	rddreg [dreg:$0xa];
	[sflag:s22] =	ssyncadd.s32 $0xFFFFC000  }
0x115: {  	[tilespmem:s17], [sflag:$0x1] =	stream.linear.gather [spmem:s29], $0x4000, $0x38;
	[tilespmem:$0x1F800] =	vst v63  }
0x116: {  	s30 =	rddreg [dreg:$0x13]  }
0x117: {  	[hbm4b:s30+s2] =	stream.linear.scatter [tilespmem:s18], [sflag:$0x4], $0x4000, $0x38;
	[tilespmem:$0x1F800] =	vst v63  }
0x118: {  	_ =	swait.ge [sflag:s14], $0x4000  }
0x119: {  	[sflag:s14] =	ssyncset.done $0x0  }
0x11a: {  	[sflag:s14] =	ssyncadd.s32 $0xFFFFC000  }
0x11b: {  	_ =	swait.ge [sflag:s21], $0x4000  }
0x11c: {  	[sflag:s21] =	ssyncset.done $0x0  }
0x11d: {  	s28 =	rddreg [dreg:$0xb];
	[sflag:s21] =	ssyncadd.s32 $0xFFFFC000  }
0x11e: {  	[tilespmem:s18], [sflag:$0x2] =	stream.linear.gather [spmem:s28], $0x4000, $0x38;
	[tilespmem:$0x1F800] =	vst v63  }
0x11f: {  	s29 =	rddreg [dreg:$0x14]  }
0x120: {  	[hbm4b:s29+s2] =	stream.linear.scatter [tilespmem:s17], [sflag:$0x4], $0x4000, $0x38;
	[tilespmem:$0x1F800] =	vst v63  }
0x121: {  	_ =	swait.ge [sflag:s14], $0x4000  }
0x122: {  	[sflag:s14] =	ssyncset.done $0x0  }
0x123: {  	[sflag:s14] =	ssyncadd.s32 $0xFFFFC000  }
0x124: {  	_ =	swait.ge [sflag:s22], $0x4000  }
0x125: {  	[sflag:s22] =	ssyncset.done $0x0  }
0x126: {  	s30 =	rddreg [dreg:$0xc];
	[sflag:s22] =	ssyncadd.s32 $0xFFFFC000  }
0x127: {  	[tilespmem:s17], [sflag:$0x1] =	stream.linear.gather [spmem:s30], $0x4000, $0x38;
	[tilespmem:$0x1F800] =	vst v63  }
0x128: {  	s28 =	rddreg [dreg:$0x15]  }
0x129: {  	[hbm4b:s28+s2] =	stream.linear.scatter [tilespmem:s18], [sflag:$0x4], $0x4000, $0x38;
	[tilespmem:$0x1F800] =	vst v63  }
0x12a: {  	_ =	swait.ge [sflag:s14], $0x4000  }
0x12b: {  	[sflag:s14] =	ssyncset.done $0x0  }
0x12c: {  	[sflag:s14] =	ssyncadd.s32 $0xFFFFC000  }
0x12d: {  	_ =	swait.ge [sflag:s21], $0x4000  }
0x12e: {  	[sflag:s21] =	ssyncset.done $0x0  }
0x12f: {  	s29 =	rddreg [dreg:$0x16];
	[sflag:s21] =	ssyncadd.s32 $0xFFFFC000  }
0x130: {  	[hbm4b:s29+s2] =	stream.linear.scatter [tilespmem:s17], [sflag:$0x4], $0x4000, $0x38;
	[tilespmem:$0x1F800] =	vst v63  }
0x131: {  	_ =	swait.ge [sflag:s14], $0x4000  }
0x132: {  	s25 =	sadd.s32 $0x1, s25;
	s30 =	rddreg [dreg:$0xd]  }
0x133: {  	p0 =	sne.s32 s25, s30  }
.Ltmp3:
0x134: {  	_ = 	snop;
	(pc) =	sbr.rel @p0 .LBB2_1-.Ltmp3, $3  }
0x135: {  	_ =	sdelay $0x1  }
0x136: {  	[sflag:s14] =	ssyncset.done $0x0  }
0x137: {  	[sflag:s14] =	ssyncadd.s32 $0xFFFFC000  }
0x138: {  	_ =	sfence.sel $0x180000  }
0x139: {  	[bflag:$0x0] =	sbarrier.arrive $0xFFFF  }
0x13a: {  	_ =	strace $0x9000004D  }
0x13b: {  	s0 =	stileid.u32;
	[bflag:$0x2] =	sbarrier.arrive $0xFFFF  }
0x13c: {  	p0 =	sne.s32 s0, $0x0;
	s0 =	rddreg [dreg:$0x3]  }
0x13d: {  	s0 =	sadd.s32 @!p0 $0x100000, s0  }
0x13e: {  	[sflag:s0] =	ssyncadd.tile.s32 @!p0 $0x1;
	_ =	shalt  }
.Lfunc_end2:
_tile_overlayer_lowered:
.L_overlay_start_2:
0x13f: {  	(tag) =	ssettag $0x2  }
0x140: {  	s0 =	rddreg [dreg:$0x0];
	s2 =	stileid.u32  }
0x141: {  	s1 =	rddreg [dreg:$0x1];
	p0 =	sne.s32 s2, $0x0  }
0x142: {  	s3 =	rddreg [dreg:$0x2];
	[bflag:$0x3] =	sbarrier.arrive $0xFFFF;
	s2 =	simm.s32 @!p0 $0x1C04  }
0x143: {  	[timem:s3], [sflag:s2] =	dma.local @!p0 [hbm:s0], s1  }
0x144: {  	s0 =	simm.s32 @!p0 $0x4  }
0x145: {  	_ =	swait.ge @!p0 [sflag:s0], s1  }
0x146: {  	s1 =	ssub.s32 @!p0 $0x0, s1;
	[sflag:s0] =	ssyncset.done @!p0 $0x0  }
0x147: {  	[sflag:s0] =	ssyncadd.s32 @!p0 s1  }
0x148: {  	[bflag:$0x3] =	sbarrier.arrive $0xFFFF  }
0x149: {  	_ =	shalt  }

// kernel: kernel.8.cloned.1.call-start
scs
__scs_entry_jumppad:
0x0: {  	(pc) =	sbr.rel $0x88, $3  }
0x1: {  	(tag) =	ssettag $0x0;
	lr =	simm.s32 $0x1  }
0x2: {  	[smem:$0x3F9B] =	sst lr;
	_ =	strace $0xD0000000  }
0x3: {  	_ = 	snop  }
0x4: {  	_ = 	snop  }
0x5: {  	_ = 	snop  }
0x6: {  	_ = 	snop  }
0x7: {  	_ = 	snop  }
__scs_overlays_trampoline_lowered:
0x8: {  	[smem:$0x3FAA] =	sst s0  }
0x9: {  	[smem:$0x3FAB] =	sst s1  }
0xa: {  	[smem:$0x3FAC] =	sst s2  }
0xb: {  	[smem:$0x3FAD] =	sst s3  }
0xc: {  	[smem:$0x3FAE] =	sst s4  }
0xd: {  	[smem:$0x3FAF] =	sst s5  }
0xe: {  	[smem:$0x3FB0] =	sst s6  }
0xf: {  	[smem:$0x3FB1] =	sst s7  }
0x10: {  	[smem:$0x3FB2] =	sst s8  }
0x11: {  	[smem:$0x3FB3] =	sst s9;
	s0 =	simm.s32 @!p0 $0x0  }
0x12: {  	s1 =	sld [smem:$0x3F99];
	s0 =	simm.s32 @p0 $0x1  }
0x13: {  	[smem:$0x3FB4] =	sst s0;
	s0 =	simm.s32 @!p1 $0x0  }
0x14: {  	s2 =	sld [smem:$0x3F98];
	s0 =	simm.s32 @p1 $0x1  }
0x15: {  	[smem:$0x3FB5] =	sst s0;
	s0 =	simm.s32 @!p2 $0x0  }
0x16: {  	s3 =	sld [smem:$0x3FDB];
	s0 =	simm.s32 @p2 $0x1  }
0x17: {  	s4 =	simm.s32 $0x1BF5;
	[smem:$0x3FB7] =	sst s0  }
0x18: {  	s0 =	sld [smem:$0x3F9A];
	_ =	swait.ge [sflag:s4], $0x0  }
0x19: {  	s7 =	sld [smem:$0x3F9B]  }
0x1a: {  	s8 =	sadd.s32 $0xFFFFE003, lr  }
0x1b: {  	s9 =	sadd.s32 $0xFFFFFEF7, lr;
	s5 =	simm.s32 $0xFFFFFFFF;
	p2 =	slt.u32 s8, $0xFFFFF086  }
0x1c: {  	p1 =	slt.u32 s9, $0xF7A;
	s5 =	simm.s32 @!p2 $0x0  }
0x1d: {  	s5 =	simm.s32 @p1 $0x1;
	p0 =	seq.s32 s7, s2  }
0x1e: {  	s7 =	smul.u32 @!p0 $0xF7A, s2;
	p2 =	seq.s32 @!p0 s5, $0x0  }
0x1f: {  	s9 =	smul.u32 $0xF7A, s1;
	s8 =	simm.s32 @!p0 $0x1BF5;
	p2 =	por !p2, p0  }
0x20: {  	[sflag:s8] =	ssyncset.s32 @!p0 $0xFFFFF086;
	s6 =	sadd.s32 @!p0 s3, s7;
	s7 =	simm.s32 @!p0 $0x108  }
0x21: {  	s3 =	sadd.s32 s3, s9;
	s6 =	sadd.s32 @!p0 $0x88, s6;
	s7 =	simm.s32 @p2 $0x1082  }
0x22: {  	[simem:s7], [sflag:s8] =	dma.local @!p0 [hbm:s6], $0xF7A  }
0x23: {  	s9 =	sor.u32 $0xD0000000, s2;
	s6 =	simm.s32 $0x108;
	_ =	swait.ge @!p0 [sflag:s8], $0x0  }
0x24: {  	s3 =	sadd.s32 $0x88, s3;
	s6 =	simm.s32 @!p1 $0x1082;
	[sflag:s4] =	ssyncset.s32 $0xFFFFF086  }
0x25: {  	[simem:s6], [sflag:s4] =	dma.local [hbm:s3], $0xF7A  }
0x26: {  	[smem:$0x3F9B] =	sst s1;
	(tag) =	ssettag s2;
	_ =	strace s9  }
0x27: {  	s1 =	sld [smem:$0x3FAB]  }
0x28: {  	s2 =	sld [smem:$0x3FAC]  }
0x29: {  	s4 =	sld [smem:$0x3FAE]  }
0x2a: {  	p0 =	seq.s32 s5, $0x0;
	s5 =	sld [smem:$0x3FAF]  }
0x2b: {  	s6 =	sld [smem:$0x3FB0]  }
0x2c: {  	s7 =	sld [smem:$0x3FB1]  }
0x2d: {  	s3 =	simm.s32 $0x108;
	s8 =	sld [smem:$0x3FB2]  }
0x2e: {  	s3 =	simm.s32 @!p0 $0x1082;
	s9 =	sld [smem:$0x3FB3]  }
0x2f: {  	lr =	sadd.s32 s0, s3;
	s0 =	sld [smem:$0x3FAA]  }
0x30: {  	s3 =	sld [smem:$0x3FAD]  }
0x31: {  	[smem:$0x3FB6] =	sst s10  }
0x32: {  	s10 =	sld [smem:$0x3FB4];
	_ =	sdelay $0x3  }
0x33: {  	p0 =	seq.s32 s10, $0x1;
	s10 =	sld [smem:$0x3FB6];
	_ =	sdelay $0x3  }
0x34: {  	[smem:$0x3FB6] =	sst s10  }
0x35: {  	s10 =	sld [smem:$0x3FB5];
	_ =	sdelay $0x3  }
0x36: {  	p1 =	seq.s32 s10, $0x1;
	s10 =	sld [smem:$0x3FB6];
	_ =	sdelay $0x3  }
0x37: {  	[smem:$0x3FB6] =	sst s10  }
0x38: {  	s10 =	sld [smem:$0x3FB7]  }
0x39: {  	_ = 	snop;
	(pc) =	sbr.ind lr, $3  }
0x3a: {  	_ = 	snop  }
0x3b: {  	_ = 	snop  }
0x3c: {  	p2 =	seq.s32 s10, $0x1;
	s10 =	sld [smem:$0x3FB6]  }
0x3d: {  	_ =	shalt  }
0x3e: {  	_ =	shalt  }
0x3f: {  	_ =	shalt  }
0x40: {  	_ =	shalt  }
0x41: {  	_ =	shalt  }
0x42: {  	_ =	shalt  }
0x43: {  	_ =	shalt  }
0x44: {  	_ =	shalt  }
0x45: {  	_ =	shalt  }
0x46: {  	_ =	shalt  }
0x47: {  	_ =	shalt  }
0x48: {  	_ =	shalt  }
0x49: {  	_ =	shalt  }
0x4a: {  	_ =	shalt  }
0x4b: {  	_ =	shalt  }
0x4c: {  	_ =	shalt  }
0x4d: {  	_ =	shalt  }
0x4e: {  	_ =	shalt  }
0x4f: {  	_ =	shalt  }
0x50: {  	_ =	shalt  }
0x51: {  	_ =	shalt  }
0x52: {  	_ =	shalt  }
0x53: {  	_ =	shalt  }
0x54: {  	_ =	shalt  }
0x55: {  	_ =	shalt  }
0x56: {  	_ =	shalt  }
0x57: {  	_ =	shalt  }
0x58: {  	_ =	shalt  }
0x59: {  	_ =	shalt  }
0x5a: {  	_ =	shalt  }
0x5b: {  	_ =	shalt  }
0x5c: {  	_ =	shalt  }
0x5d: {  	_ =	shalt  }
0x5e: {  	_ =	shalt  }
0x5f: {  	_ =	shalt  }
0x60: {  	_ =	shalt  }
0x61: {  	_ =	shalt  }
0x62: {  	_ =	shalt  }
0x63: {  	_ =	shalt  }
0x64: {  	_ =	shalt  }
0x65: {  	_ =	shalt  }
0x66: {  	_ =	shalt  }
0x67: {  	_ =	shalt  }
0x68: {  	_ =	shalt  }
0x69: {  	_ =	shalt  }
0x6a: {  	_ =	shalt  }
0x6b: {  	_ =	shalt  }
0x6c: {  	_ =	shalt  }
0x6d: {  	_ =	shalt  }
0x6e: {  	_ =	shalt  }
0x6f: {  	_ =	shalt  }
0x70: {  	_ =	shalt  }
0x71: {  	_ =	shalt  }
0x72: {  	_ =	shalt  }
0x73: {  	_ =	shalt  }
0x74: {  	_ =	shalt  }
0x75: {  	_ =	shalt  }
0x76: {  	_ =	shalt  }
0x77: {  	_ =	shalt  }
0x78: {  	_ =	shalt  }
0x79: {  	_ =	shalt  }
0x7a: {  	_ =	shalt  }
0x7b: {  	_ =	shalt  }
0x7c: {  	_ =	shalt  }
0x7d: {  	_ =	shalt  }
0x7e: {  	_ =	shalt  }
0x7f: {  	_ =	shalt  }
0x80: {  	_ =	shalt  }
0x81: {  	_ =	shalt  }
0x82: {  	_ =	shalt  }
0x83: {  	_ =	shalt  }
0x84: {  	_ =	shalt  }
0x85: {  	_ =	shalt  }
0x86: {  	_ =	shalt  }
0x87: {  	_ =	shalt  }
.Lfunc_end0:
.L_simem_size_0:
called_computation_lowered:
.L_overlay_start_0:
0x88: {  	s2 =	sld [smem:$0x3FD9]  }
0x89: {  	s3 =	sld [smem:$0x3FFE];
	_ =	sdelay $0x1  }
0x8a: {  	s1 =	srdreg.scid  }
0x8b: {  	s0 =	sand.u32 $0x1, s1  }
0x8c: {  	s17 =	sshll.u32 s0, $0xA;
	s2 =	sadd.s32 s3, s2  }
0x8d: {  	s2 =	sadd.s32 s2, s17  }
0x8e: {  	[smem:$0x3FC2] =	sst s2  }
0x8f: {  	_ = 	snop  }
0x90: {  	s2 =	sld [smem:$0x3FD0];
	(tm) =	ssettm $0x1  }
0x91: {  	s18 =	sld [smem:$0x3FFB];
	_ =	sdelay $0x3  }
0x92: {  	_ =	strace s18  }
0x93: {  	s3 =	sld [smem:$0x3FFC];
	_ =	sdelay $0x3  }
0x94: {  	_ =	strace s3  }
0x95: {  	s3 =	sld [smem:$0x3FFD];
	_ =	sdelay $0x3  }
0x96: {  	_ =	strace s3  }
0x97: {  	_ =	strace $0x8FFFFFFF  }
0x98: {  	s19 =	sld [smem:$0x3FDB];
	_ =	sdelay $0x1  }
0x99: {  	s4 =	simm.s32 $_scs_section_size  }
0x9a: {  	s5 =	simm.s32 $_size__tile_overlayer_lowered;
	s6 =	simm.s32 $_tile_overlayer_lowered  }
0x9b: {  	s22 =	simm.s32 $0x1BFF;
	s21 =	sshll.u32 s6, $0x1;
	s3 =	sadd.s32 s4, s19  }
0x9c: {  	s7 =	simm.s32 $0x0;
	s20 =	sshll.u32 s5, $0x1;
	s5 =	sadd.s32 s21, s3  }
0x9d: {  	[timem:s7], [sflag:s22] =	dma.local [hbm:s5], s20  }
0x9e: {  	_ =	swait.ge [sflag:s22], s20  }
0x9f: {  	s4 =	ssub.s32 $0x0, s20;
	[sflag:s22] =	ssyncset.done $0x0  }
0xa0: {  	[sflag:s22] =	ssyncadd.s32 s4;
	_ =	sdelay $0x1  }
0xa1: {  	s23 =	simm.s32 $0x1B8B  }
0xa2: {  	_ =	swait.ge [sflag:s23], $0x1  }
0xa3: {  	[sflag:s23] =	ssyncset.done $0x0  }
0xa4: {  	s25 =	simm.s32 $0x1B8E;
	s24 =	sld [smem:$0x3FFE];
	[sflag:s23] =	ssyncadd.s32 $0xFFFFFFFF  }
0xa5: {  	s26 =	simm.s32 $execute0_lowered;
	[smem:$0x3FD2] =	sst s25  }
0xa6: {  	s5 =	sshll.u32 s26, $0x1;
	_ =	strace $0x80000046;
	[dreg:$0x1] =	wrdreg $0xFFFFFFFF  }
0xa7: {  	s28 =	simm.s32 $_size_execute0_lowered;
	s3 =	sadd.s32 s3, s5;
	[dreg:$0x0] =	wrdreg $0x0  }
0xa8: {  	s5 =	sshll.u32 s28, $0x1;
	[dreg:$0x2] =	wrdreg s3  }
0xa9: {  	[dreg:$0x3] =	wrdreg s5  }
0xaa: {  	[dreg:$0x4] =	wrdreg $0xC0  }
0xab: {  	_ =	task [dreg:s7], $0x5FFFF  }
0xac: {  	[dreg:$0x1] =	wrdreg $0xFFFFFFFF  }
0xad: {  	[dreg:$0x0] =	wrdreg $0x60  }
0xae: {  	[dreg:$0x2] =	wrdreg s24  }
0xaf: {  	[dreg:$0x3] =	wrdreg s2  }
0xb0: {  	[dreg:$0x4] =	wrdreg $0x17000  }
0xb1: {  	[dreg:$0x5] =	wrdreg $0x9  }
0xb2: {  	_ =	task.clear_ibuf [dreg:s7], $0x6FFFF;
	_ =	strace $0x90000046  }
0xb3: {  	s29 =	simm.s32 $0x9;
	_ =	strace $0x80000048  }
0xb4: {  	_ =	swait.ge [sflag:s29], $0x1  }
0xb5: {  	[sflag:s29] =	ssyncadd.s32 $0xFFFFFFFF  }
0xb6: {  	_ =	strace $0x90000048  }
0xb7: {  	_ =	sfence  }
0xb8: {  	s30 =	sld [smem:$0x0];
	_ =	sdelay $0x2  }
0xb9: {  	s31 =	sshll.u32 s1, $0xD;
	s1 =	sshrl.u32 s1, $0x2  }
0xba: {  	s3 =	sand.u32 $0x4000, s31;
	s1 =	sadd.s32 s1, s30  }
0xbb: {  	s0 =	sor.u32 s3, s0;
	s1 =	sshll.u32 s1, $0x11  }
0xbc: {  	s0 =	sor.u32 s1, s0  }
0xbd: {  	s0 =	sadd.s32 $0x8F2B, s0  }
0xbe: {  	[sflag:s0] =	ssyncadd.remote.s32 $0x1  }
0xbf: {  	_ =	sfence.sel $0xFFFF  }
0xc0: {  	[dreg:$0x0] =	wrdreg $0xFFFFFFFF;
	(pc) =	sbr.abs _section_cstart, $3  }
0xc1: {  	[dreg:$0x1] =	wrdreg $0xFFFFFFFF  }
0xc2: {  	_ =	task.clear_ibuf [dreg:s7], $0x2FFFF;
	_ =	strace $0x9FFFFFFF  }
0xc3: {  	(tm) =	ssettm $0x7FFFFFFF  }
tec
execute0_lowered:
.L_overlay_start_1:
0x0: {  	(tag) =	ssettag $0x1  }
0x1: {  	s0 =	rddreg [dreg:$0x0]  }
0x2: {  	s1 =	rddreg [dreg:$0x1]  }
0x3: {  	s2 =	rddreg [dreg:$0x2]  }
0x4: {  	s3 =	srdreg.scid;
	s6 =	stileid.u32;
	s9 =	simm.s32 $0x1480  }
0x5: {  	s10 =	simm.s32 $0x80;
	s11 =	simm.s32 $0x1400;
	s12 =	simm.s32 $0xB80  }
0x6: {  	s13 =	simm.s32 $0xC00;
	s14 =	simm.s32 $0xC80;
	s15 =	simm.s32 $0xD00  }
0x7: {  	s16 =	simm.s32 $0xD80;
	s17 =	simm.s32 $0xE00;
	s18 =	simm.s32 $0xE80  }
0x8: {  	s19 =	simm.s32 $0xF00;
	s20 =	simm.s32 $0xF80;
	s21 =	simm.s32 $0x1000  }
0x9: {  	s22 =	simm.s32 $0x1080;
	s23 =	simm.s32 $0x1100;
	s24 =	simm.s32 $0x1180  }
0xa: {  	s25 =	simm.s32 $0x1200;
	s26 =	simm.s32 $0x1280;
	s28 =	simm.s32 $0x1300  }
0xb: {  	s29 =	simm.s32 $0x1380;
	s30 =	simm.s32 $0x1;
	s31 =	simm.s32 $0x0  }
0xc: {  	s4 =	sand.u32 $0x1, s3;
	s5 =	sshll.u32 s6, $0x1;
	s6 =	smul.u32 $0x280, s6  }
0xd: {  	s3 =	simm.s32 $0x0;
	s5 =	sor.u32 s4, s5;
	s7 =	smul.u32 $0x2800, s4  }
0xe: {  	[smem:$0x7FF] =	sst s3;
	s4 =	ssub.s32 $0x2, s4;
	s5 =	smul.u32 $0x280, s5  }
0xf: {  	_ =	strace $0x80000047;
	s8 =	sshrl.u32 s4, $0x1;
	s7 =	sadd.s32 s6, s7  }
0x10: {  	s8 =	ssub.s32 s4, s8;
	s0 =	sadd.s32 s5, s0;
	s7 =	sshrl.u32 s7, $0x3  }
0x11: {  	s5 =	sadd.s32 s6, s2;
	s4 =	sadd.s32 $0x6A00, s0;
	s6 =	sadd.s32 s1, s7  }
0x12: {  	v0 =	vimm.f32 $0.0e+00;
	v1 =	vimm.f32 $1.000000000e+00;
	s7 =	smax.u32 s8, $0x1;
	s8 =	simm.s32 $0x2;
	s1 =	simm.s32 $0xB00  }
.LBB2_1:
0x13: {  	[tilespmem:s3], [sflag:$0x2] =	stream.linear.gather [hbm4b:s4+s3], $0x1400, $0x38;
	[tilespmem:$0x1980] =	vst v63  }
0x14: {  	_ =	swait.ge [sflag:s8], $0x1400  }
0x15: {  	[sflag:s8] =	ssyncset.done $0x0  }
0x16: {  	[sflag:s8] =	ssyncadd.s32 $0xFFFFEC00  }
0x17: {  	[tilespmem:$0x1480] =	vst v0  }
0x18: {  	[tilespmem:$0x1490] =	vst v0  }
0x19: {  	[tilespmem:$0x14A0] =	vst v0  }
0x1a: {  	[tilespmem:$0x14B0] =	vst v0  }
0x1b: {  	[tilespmem:$0x14C0] =	vst v0  }
0x1c: {  	[tilespmem:$0x14D0] =	vst v0  }
0x1d: {  	[tilespmem:$0x14E0] =	vst v0  }
0x1e: {  	[tilespmem:$0x14F0] =	vst v0  }
0x1f: {  	[tilespmem:$0x1500] =	vst v0  }
0x20: {  	[tilespmem:$0x1510] =	vst v0  }
0x21: {  	[tilespmem:$0x1520] =	vst v0  }
0x22: {  	[tilespmem:$0x1530] =	vst v0  }
0x23: {  	[tilespmem:$0x1540] =	vst v0  }
0x24: {  	[tilespmem:$0x1550] =	vst v0  }
0x25: {  	[tilespmem:$0x1560] =	vst v0  }
0x26: {  	[tilespmem:$0x1570] =	vst v0  }
0x27: {  	[tilespmem:$0x1580] =	vst v0  }
0x28: {  	[tilespmem:$0x1590] =	vst v0  }
0x29: {  	[tilespmem:$0x15A0] =	vst v0  }
0x2a: {  	[tilespmem:$0x15B0] =	vst v0  }
0x2b: {  	[tilespmem:$0x15C0] =	vst v0  }
0x2c: {  	[tilespmem:$0x15D0] =	vst v0  }
0x2d: {  	[tilespmem:$0x15E0] =	vst v0  }
0x2e: {  	[tilespmem:$0x15F0] =	vst v0  }
0x2f: {  	[tilespmem:$0x1600] =	vst v0  }
0x30: {  	[tilespmem:$0x1610] =	vst v0  }
0x31: {  	[tilespmem:$0x1620] =	vst v0  }
0x32: {  	[tilespmem:$0x1630] =	vst v0  }
0x33: {  	[tilespmem:$0x1640] =	vst v0  }
0x34: {  	[tilespmem:$0x1650] =	vst v0  }
0x35: {  	[tilespmem:$0x1660] =	vst v0  }
0x36: {  	[tilespmem:$0x1670] =	vst v0  }
0x37: {  	[tilespmem:$0x1680] =	vst v0  }
0x38: {  	[tilespmem:$0x1690] =	vst v0  }
0x39: {  	[tilespmem:$0x16A0] =	vst v0  }
0x3a: {  	[tilespmem:$0x16B0] =	vst v0  }
0x3b: {  	[tilespmem:$0x16C0] =	vst v0  }
0x3c: {  	[tilespmem:$0x16D0] =	vst v0  }
0x3d: {  	[tilespmem:$0x16E0] =	vst v0  }
0x3e: {  	[tilespmem:$0x16F0] =	vst v0  }
0x3f: {  	[spmem:s5] =	stream.linear.scatter [tilespmem:s9], [sflag:$0x2], $0x280, $0x38;
	[tilespmem:$0x1980] =	vst v63  }
0x40: {  	_ =	swait.ge [sflag:s8], $0x280  }
0x41: {  	[sflag:s8] =	ssyncset.done $0x0  }
0x42: {  	[sflag:s8] =	ssyncadd.s32 $0xFFFFFD80  }
0x43: {  	[tilespmem:$0x1400] =	vst v1  }
0x44: {  	[tilespmem:$0x1410] =	vst v1  }
0x45: {  	[tilespmem:$0x1420] =	vst v1  }
0x46: {  	[tilespmem:$0x1430] =	vst v1  }
0x47: {  	[tilespmem:$0x1440] =	vst v1  }
0x48: {  	[tilespmem:$0x1450] =	vst v1  }
0x49: {  	[tilespmem:$0x1460] =	vst v1  }
0x4a: {  	[tilespmem:$0x1470] =	vst v1  }
0x4b: {  	[bflag:$0x0] =	sbarrier.arrive $0xFFFF  }
0x4c: {  	[spmem:s2] =	stream.indirect.scatter.add.f32 [tilespmem:s11], [sflag:$0x1], $0x1, s3, s10, $0xb8;
	[tilespmem:$0x1980] =	vst v63  }
0x4d: {  	_ = 	snop  }
0x4e: {  	[spmem:s2] =	stream.indirect.scatter.add.f32 [tilespmem:s11], [sflag:$0x1], $0x1, s10, s10, $0xb8;
	[tilespmem:$0x1980] =	vst v63  }
0x4f: {  	s0 =	simm.s32 $0x100  }
0x50: {  	[spmem:s2] =	stream.indirect.scatter.add.f32 [tilespmem:s11], [sflag:$0x1], $0x1, s0, s10, $0xb8;
	[tilespmem:$0x1980] =	vst v63  }
0x51: {  	s0 =	simm.s32 $0x180  }
0x52: {  	[spmem:s2] =	stream.indirect.scatter.add.f32 [tilespmem:s11], [sflag:$0x1], $0x1, s0, s10, $0xb8;
	[tilespmem:$0x1980] =	vst v63  }
0x53: {  	s0 =	simm.s32 $0x200  }
0x54: {  	[spmem:s2] =	stream.indirect.scatter.add.f32 [tilespmem:s11], [sflag:$0x1], $0x1, s0, s10, $0xb8;
	[tilespmem:$0x1980] =	vst v63  }
0x55: {  	s0 =	simm.s32 $0x280  }
0x56: {  	[spmem:s2] =	stream.indirect.scatter.add.f32 [tilespmem:s11], [sflag:$0x1], $0x1, s0, s10, $0xb8;
	[tilespmem:$0x1980] =	vst v63  }
0x57: {  	s0 =	simm.s32 $0x300  }
0x58: {  	[spmem:s2] =	stream.indirect.scatter.add.f32 [tilespmem:s11], [sflag:$0x1], $0x1, s0, s10, $0xb8;
	[tilespmem:$0x1980] =	vst v63  }
0x59: {  	s0 =	simm.s32 $0x380  }
0x5a: {  	[spmem:s2] =	stream.indirect.scatter.add.f32 [tilespmem:s11], [sflag:$0x1], $0x1, s0, s10, $0xb8;
	[tilespmem:$0x1980] =	vst v63  }
0x5b: {  	s0 =	simm.s32 $0x400  }
0x5c: {  	[spmem:s2] =	stream.indirect.scatter.add.f32 [tilespmem:s11], [sflag:$0x1], $0x1, s0, s10, $0xb8;
	[tilespmem:$0x1980] =	vst v63  }
0x5d: {  	s0 =	simm.s32 $0x480  }
0x5e: {  	[spmem:s2] =	stream.indirect.scatter.add.f32 [tilespmem:s11], [sflag:$0x1], $0x1, s0, s10, $0xb8;
	[tilespmem:$0x1980] =	vst v63  }
0x5f: {  	s0 =	simm.s32 $0x500  }
0x60: {  	[spmem:s2] =	stream.indirect.scatter.add.f32 [tilespmem:s11], [sflag:$0x1], $0x1, s0, s10, $0xb8;
	[tilespmem:$0x1980] =	vst v63  }
0x61: {  	s0 =	simm.s32 $0x580  }
0x62: {  	[spmem:s2] =	stream.indirect.scatter.add.f32 [tilespmem:s11], [sflag:$0x1], $0x1, s0, s10, $0xb8;
	[tilespmem:$0x1980] =	vst v63  }
0x63: {  	s0 =	simm.s32 $0x600  }
0x64: {  	[spmem:s2] =	stream.indirect.scatter.add.f32 [tilespmem:s11], [sflag:$0x1], $0x1, s0, s10, $0xb8;
	[tilespmem:$0x1980] =	vst v63  }
0x65: {  	s0 =	simm.s32 $0x680  }
0x66: {  	[spmem:s2] =	stream.indirect.scatter.add.f32 [tilespmem:s11], [sflag:$0x1], $0x1, s0, s10, $0xb8;
	[tilespmem:$0x1980] =	vst v63  }
0x67: {  	s0 =	simm.s32 $0x700  }
0x68: {  	[spmem:s2] =	stream.indirect.scatter.add.f32 [tilespmem:s11], [sflag:$0x1], $0x1, s0, s10, $0xb8;
	[tilespmem:$0x1980] =	vst v63  }
0x69: {  	s0 =	simm.s32 $0x780  }
0x6a: {  	[spmem:s2] =	stream.indirect.scatter.add.f32 [tilespmem:s11], [sflag:$0x1], $0x1, s0, s10, $0xb8;
	[tilespmem:$0x1980] =	vst v63  }
0x6b: {  	s0 =	simm.s32 $0x800  }
0x6c: {  	[spmem:s2] =	stream.indirect.scatter.add.f32 [tilespmem:s11], [sflag:$0x1], $0x1, s0, s10, $0xb8;
	[tilespmem:$0x1980] =	vst v63  }
0x6d: {  	s0 =	simm.s32 $0x880  }
0x6e: {  	[spmem:s2] =	stream.indirect.scatter.add.f32 [tilespmem:s11], [sflag:$0x1], $0x1, s0, s10, $0xb8;
	[tilespmem:$0x1980] =	vst v63  }
0x6f: {  	s0 =	simm.s32 $0x900  }
0x70: {  	[spmem:s2] =	stream.indirect.scatter.add.f32 [tilespmem:s11], [sflag:$0x1], $0x1, s0, s10, $0xb8;
	[tilespmem:$0x1980] =	vst v63  }
0x71: {  	s0 =	simm.s32 $0x980  }
0x72: {  	[spmem:s2] =	stream.indirect.scatter.add.f32 [tilespmem:s11], [sflag:$0x1], $0x1, s0, s10, $0xb8;
	[tilespmem:$0x1980] =	vst v63  }
0x73: {  	s0 =	simm.s32 $0xA00  }
0x74: {  	[spmem:s2] =	stream.indirect.scatter.add.f32 [tilespmem:s11], [sflag:$0x1], $0x1, s0, s10, $0xb8;
	[tilespmem:$0x1980] =	vst v63  }
0x75: {  	s0 =	simm.s32 $0xA80  }
0x76: {  	[spmem:s2] =	stream.indirect.scatter.add.f32 [tilespmem:s11], [sflag:$0x1], $0x1, s0, s10, $0xb8;
	[tilespmem:$0x1980] =	vst v63  }
0x77: {  	_ = 	snop  }
0x78: {  	[spmem:s2] =	stream.indirect.scatter.add.f32 [tilespmem:s11], [sflag:$0x1], $0x1, s1, s10, $0xb8;
	[tilespmem:$0x1980] =	vst v63  }
0x79: {  	_ = 	snop  }
0x7a: {  	[spmem:s2] =	stream.indirect.scatter.add.f32 [tilespmem:s11], [sflag:$0x1], $0x1, s12, s10, $0xb8;
	[tilespmem:$0x1980] =	vst v63  }
0x7b: {  	_ = 	snop  }
0x7c: {  	[spmem:s2] =	stream.indirect.scatter.add.f32 [tilespmem:s11], [sflag:$0x1], $0x1, s13, s10, $0xb8;
	[tilespmem:$0x1980] =	vst v63  }
0x7d: {  	_ = 	snop  }
0x7e: {  	[spmem:s2] =	stream.indirect.scatter.add.f32 [tilespmem:s11], [sflag:$0x1], $0x1, s14, s10, $0xb8;
	[tilespmem:$0x1980] =	vst v63  }
0x7f: {  	_ = 	snop  }
0x80: {  	[spmem:s2] =	stream.indirect.scatter.add.f32 [tilespmem:s11], [sflag:$0x1], $0x1, s15, s10, $0xb8;
	[tilespmem:$0x1980] =	vst v63  }
0x81: {  	_ = 	snop  }
0x82: {  	[spmem:s2] =	stream.indirect.scatter.add.f32 [tilespmem:s11], [sflag:$0x1], $0x1, s16, s10, $0xb8;
	[tilespmem:$0x1980] =	vst v63  }
0x83: {  	_ = 	snop  }
0x84: {  	[spmem:s2] =	stream.indirect.scatter.add.f32 [tilespmem:s11], [sflag:$0x1], $0x1, s17, s10, $0xb8;
	[tilespmem:$0x1980] =	vst v63  }
0x85: {  	_ = 	snop  }
0x86: {  	[spmem:s2] =	stream.indirect.scatter.add.f32 [tilespmem:s11], [sflag:$0x1], $0x1, s18, s10, $0xb8;
	[tilespmem:$0x1980] =	vst v63  }
0x87: {  	_ = 	snop  }
0x88: {  	[spmem:s2] =	stream.indirect.scatter.add.f32 [tilespmem:s11], [sflag:$0x1], $0x1, s19, s10, $0xb8;
	[tilespmem:$0x1980] =	vst v63  }
0x89: {  	_ = 	snop  }
0x8a: {  	[spmem:s2] =	stream.indirect.scatter.add.f32 [tilespmem:s11], [sflag:$0x1], $0x1, s20, s10, $0xb8;
	[tilespmem:$0x1980] =	vst v63  }
0x8b: {  	_ = 	snop  }
0x8c: {  	[spmem:s2] =	stream.indirect.scatter.add.f32 [tilespmem:s11], [sflag:$0x1], $0x1, s21, s10, $0xb8;
	[tilespmem:$0x1980] =	vst v63  }
0x8d: {  	_ = 	snop  }
0x8e: {  	[spmem:s2] =	stream.indirect.scatter.add.f32 [tilespmem:s11], [sflag:$0x1], $0x1, s22, s10, $0xb8;
	[tilespmem:$0x1980] =	vst v63  }
0x8f: {  	_ = 	snop  }
0x90: {  	[spmem:s2] =	stream.indirect.scatter.add.f32 [tilespmem:s11], [sflag:$0x1], $0x1, s23, s10, $0xb8;
	[tilespmem:$0x1980] =	vst v63  }
0x91: {  	_ = 	snop  }
0x92: {  	[spmem:s2] =	stream.indirect.scatter.add.f32 [tilespmem:s11], [sflag:$0x1], $0x1, s24, s10, $0xb8;
	[tilespmem:$0x1980] =	vst v63  }
0x93: {  	_ = 	snop  }
0x94: {  	[spmem:s2] =	stream.indirect.scatter.add.f32 [tilespmem:s11], [sflag:$0x1], $0x1, s25, s10, $0xb8;
	[tilespmem:$0x1980] =	vst v63  }
0x95: {  	_ = 	snop  }
0x96: {  	[spmem:s2] =	stream.indirect.scatter.add.f32 [tilespmem:s11], [sflag:$0x1], $0x1, s26, s10, $0xb8;
	[tilespmem:$0x1980] =	vst v63  }
0x97: {  	_ = 	snop  }
0x98: {  	[spmem:s2] =	stream.indirect.scatter.add.f32 [tilespmem:s11], [sflag:$0x1], $0x1, s28, s10, $0xb8;
	[tilespmem:$0x1980] =	vst v63  }
0x99: {  	_ = 	snop  }
0x9a: {  	[spmem:s2] =	stream.indirect.scatter.add.f32 [tilespmem:s11], [sflag:$0x1], $0x1, s29, s10, $0xb8;
	[tilespmem:$0x1980] =	vst v63  }
0x9b: {  	_ =	swait.ge [sflag:s30], $0x80  }
0x9c: {  	s0 =	simm.s32 $0x27;
	[sflag:s30] =	ssyncset.done $0x0  }
.LBB2_2:
0x9d: {  	p0 =	sne.s32 s0, $0x1;
	s0 =	sadd.s32 $0xFFFFFFFF, s0;
	[sflag:s30] =	ssyncadd.s32 $0xFFFFFF80  }
.Ltmp0:
0x9e: {  	(pc) =	sbr.rel @p0 .LBB2_2-.Ltmp0, $3  }
0x9f: {  	_ =	sdelay $0x1  }
0xa0: {  	_ =	swait.ge [sflag:s30], $0x80  }
0xa1: {  	[sflag:s30] =	ssyncset.done $0x0  }
0xa2: {  	[sflag:s30] =	ssyncadd.s32 $0xFFFFFF80  }
0xa3: {  	[bflag:$0x0] =	sbarrier.arrive $0xFFFF  }
0xa4: {  	[tilespmem:s9], [sflag:$0x2] =	stream.linear.gather [spmem:s5], $0x280, $0x38;
	[tilespmem:$0x1980] =	vst v63  }
0xa5: {  	s31 =	sadd.s32 $0x1, s31;
	_ =	swait.ge [sflag:s8], $0x280  }
0xa6: {  	p0 =	sne.s32 s31, s7;
	[sflag:s8] =	ssyncset.done $0x0  }
.Ltmp1:
0xa7: {  	[sflag:s8] =	ssyncadd.s32 $0xFFFFFD80;
	(pc) =	sbr.rel @p0 .LBB2_1-.Ltmp1, $4  }
0xa8: {  	[hbm4b:s6+s3] =	stream.linear.scatter [tilespmem:s9], [sflag:$0x2], $0x280, $0x38;
	[tilespmem:$0x1980] =	vst v63  }
0xa9: {  	_ =	swait.ge [sflag:s8], $0x280  }
0xaa: {  	[sflag:s8] =	ssyncset.done $0x0  }
0xab: {  	[sflag:s8] =	ssyncadd.s32 $0xFFFFFD80  }
0xac: {  	_ =	sfence.sel $0x180000  }
0xad: {  	[bflag:$0x0] =	sbarrier.arrive $0xFFFF  }
0xae: {  	_ =	strace $0x90000047  }
0xaf: {  	s0 =	stileid.u32;
	[bflag:$0x2] =	sbarrier.arrive $0xFFFF  }
0xb0: {  	p0 =	sne.s32 s0, $0x0;
	s0 =	rddreg [dreg:$0x3]  }
0xb1: {  	s0 =	sadd.s32 @!p0 $0x100000, s0  }
0xb2: {  	[sflag:s0] =	ssyncadd.tile.s32 @!p0 $0x1;
	_ =	shalt  }
.Lfunc_end2:
_tile_overlayer_lowered:
.L_overlay_start_2:
0xb3: {  	(tag) =	ssettag $0x2  }
0xb4: {  	s0 =	rddreg [dreg:$0x0];
	s2 =	stileid.u32  }
0xb5: {  	s1 =	rddreg [dreg:$0x1];
	p0 =	sne.s32 s2, $0x0  }
0xb6: {  	s3 =	rddreg [dreg:$0x2];
	[bflag:$0x3] =	sbarrier.arrive $0xFFFF;
	s2 =	simm.s32 @!p0 $0x1C02  }
0xb7: {  	[timem:s3], [sflag:s2] =	dma.local @!p0 [hbm:s0], s1  }
0xb8: {  	s0 =	simm.s32 @!p0 $0x2  }
0xb9: {  	_ =	swait.ge @!p0 [sflag:s0], s1  }
0xba: {  	s1 =	ssub.s32 @!p0 $0x0, s1;
	[sflag:s0] =	ssyncset.done @!p0 $0x0  }
0xbb: {  	[sflag:s0] =	ssyncadd.s32 @!p0 s1  }
0xbc: {  	[bflag:$0x3] =	sbarrier.arrive $0xFFFF  }
0xbd: {  	_ =	shalt  }

</sc_bundles>
